<compile_context>
chip_gen: v7x
topology: tpu7x:2x2x1
jax: 0.10.2.dev20260603
libtpu: 0.0.44.dev20260713+nightly
codegen_flags: <defaults>
</compile_context>

<pallas_src>
import functools

import jax
import jax.numpy as jnp
from jax import lax
from jax.experimental import pallas as pl
from jax.experimental.pallas import tpu as pltpu
from jax.experimental.pallas import tpu_sc as plsc

N_NODES = 10000
N_PAD = 10240
N_EDGES = 320000
D = 128
NC = 2
NS = 16
NW = NC * NS
EPT = N_EDGES // NW
C = 80
NCHUNK = EPT // C
RPT = N_PAD // NS

_mesh = plsc.VectorSubcoreMesh(core_axis_name="c", subcore_axis_name="s")
_f32 = jnp.float32


@functools.partial(
    pl.kernel,
    out_type=jax.ShapeDtypeStruct((NW, N_PAD), _f32),
    mesh=_mesh,
    scratch_types=[
        pltpu.VMEM((EPT,), jnp.int32),
        pltpu.VMEM((N_PAD,), _f32),
    ],
    compiler_params=pltpu.CompilerParams(needs_layout_passes=False),
)
def _deg_kernel(edge_hbm, deg_out, didx, deg_v):
    cid = lax.axis_index("c")
    sid = lax.axis_index("s")
    wid = cid * NS + sid
    pltpu.sync_copy(edge_hbm.at[pl.ds(N_EDGES + wid * EPT, EPT)], didx)

    def _zero(i, _):
        deg_v[pl.ds(i * 16, 16)] = jnp.zeros((16,), _f32)
        return 0

    lax.fori_loop(0, N_PAD // 16, _zero, 0)

    ones = jnp.ones((16,), _f32)

    def _acc(i, _):
        plsc.addupdate_scatter(deg_v, [didx[pl.ds(i * 16, 16)]], ones)
        return 0

    lax.fori_loop(0, EPT // 16, _acc, 0)
    pltpu.sync_copy(deg_v, deg_out.at[wid])


@functools.partial(
    pl.kernel,
    out_type=jax.ShapeDtypeStruct((NC, N_PAD, D), _f32),
    mesh=_mesh,
    scratch_types=[
        pltpu.VMEM((EPT,), jnp.int32),
        pltpu.VMEM((NCHUNK, C), jnp.int32),
        pltpu.VMEM((C, D), _f32),
        pltpu.VMEM((C, D), _f32),
        pltpu.SemaphoreType.DMA,
        pltpu.SemaphoreType.DMA,
        pltpu.SemaphoreType.DMA,
        pltpu.VMEM_SHARED((N_PAD, D), _f32),
    ],
)
def _prop_kernel(tin_hbm, edge_hbm, out_hbm,
                 sidx, didx, rows_a, rows_b, sr_a, sr_b, sem_d, acc):
    cid = lax.axis_index("c")
    sid = lax.axis_index("s")
    wid = cid * NS + sid
    rbufs = (rows_a, rows_b)
    rsems = (sr_a, sr_b)
    pltpu.sync_copy(edge_hbm.at[pl.ds(wid * EPT, EPT)], sidx)

    def _drow(j, _):
        pltpu.async_copy(edge_hbm.at[pl.ds(N_EDGES + wid * EPT + j * C, C)],
                         didx.at[j], sem_d)
        return 0

    lax.fori_loop(0, NCHUNK, _drow, 0)

    def _zrow(r, _):
        for cblk in range(D // 16):
            rows_a[r, pl.ds(cblk * 16, 16)] = jnp.zeros((16,), _f32)
        return 0

    lax.fori_loop(0, C, _zrow, 0)
    for m in range(RPT // C):
        pltpu.async_copy(rows_a, acc.at[pl.ds(sid * RPT + m * C, C)], sr_a)
    for m in range(RPT // C):
        pltpu.make_async_copy(rows_a, acc.at[pl.ds(sid * RPT, C)], sr_a).wait()

    def _dwait(j, _):
        pltpu.make_async_copy(edge_hbm.at[pl.ds(0, C)], didx.at[0],
                              sem_d).wait()
        return 0

    lax.fori_loop(0, NCHUNK, _dwait, 0)

    def fire(j, p):
        pltpu.async_copy(tin_hbm.at[sidx.at[pl.ds(j * C, C)]], rbufs[p],
                         rsems[p])

    def wait_scatter(j, p):
        pltpu.make_async_copy(tin_hbm.at[sidx.at[pl.ds(0, C)]], rbufs[p],
                              rsems[p]).wait()
        pltpu.sync_copy(rbufs[p], acc.at[didx.at[j]], add=True)

    fire(0, 0)
    fire(1, 1)
    plsc.subcore_barrier()

    def _pair(i, _):
        j0 = 2 * i
        wait_scatter(j0, 0)

        @pl.when(j0 + 2 < NCHUNK)
        def _():
            fire(j0 + 2, 0)

        wait_scatter(j0 + 1, 1)

        @pl.when(j0 + 3 < NCHUNK)
        def _():
            fire(j0 + 3, 1)

        return 0

    lax.fori_loop(0, NCHUNK // 2, _pair, 0)
    wait_scatter(NCHUNK - 1, 0)
    plsc.subcore_barrier()

    for m in range(RPT // C):
        r0 = sid * RPT + m * C
        if m >= 2:
            pltpu.make_async_copy(rbufs[m % 2], out_hbm.at[cid, pl.ds(r0, C)],
                                  rsems[m % 2]).wait()
        pltpu.sync_copy(acc.at[pl.ds(r0, C)], rbufs[m % 2])
        pltpu.async_copy(rbufs[m % 2], out_hbm.at[cid, pl.ds(r0, C)],
                         rsems[m % 2])
    pltpu.make_async_copy(rows_a, out_hbm.at[cid, pl.ds(0, C)], sr_a).wait()
    pltpu.make_async_copy(rows_b, out_hbm.at[cid, pl.ds(0, C)], sr_b).wait()


def _rownorm(degp_ref):
    deg = jnp.sum(degp_ref[...], axis=0, keepdims=True)
    return jnp.maximum(deg, 1.0).T


def _scale_body(x_ref, degp_ref, o_ref):
    norm = lax.rsqrt(_rownorm(degp_ref))
    o_ref[...] = x_ref[...] * norm


def _combine_body(parts_ref, degp_ref, o_ref):
    inv = 1.0 / _rownorm(degp_ref)
    o_ref[...] = (parts_ref[0] + parts_ref[1]) * inv


def _final_body(parts_ref, degp_ref, w_ref, b_ref, o_ref):
    norm = lax.rsqrt(_rownorm(degp_ref))
    s = (parts_ref[0] + parts_ref[1]) * norm
    o_ref[...] = jnp.dot(s, w_ref[...], preferred_element_type=_f32) + b_ref[...]


_ROWS_BLK = 5120
_GRID = N_PAD // _ROWS_BLK


def _tc_scale(x, degp):
    return pl.pallas_call(
        _scale_body,
        grid=(_GRID,),
        in_specs=[
            pl.BlockSpec((_ROWS_BLK, D), lambda i: (i, 0)),
            pl.BlockSpec((NW, _ROWS_BLK), lambda i: (0, i)),
        ],
        out_specs=pl.BlockSpec((_ROWS_BLK, D), lambda i: (i, 0)),
        out_shape=jax.ShapeDtypeStruct((N_PAD, D), _f32),
    )(x, degp)


def _tc_combine(parts, degp):
    return pl.pallas_call(
        _combine_body,
        grid=(_GRID,),
        in_specs=[
            pl.BlockSpec((NC, _ROWS_BLK, D), lambda i: (0, i, 0)),
            pl.BlockSpec((NW, _ROWS_BLK), lambda i: (0, i)),
        ],
        out_specs=pl.BlockSpec((_ROWS_BLK, D), lambda i: (i, 0)),
        out_shape=jax.ShapeDtypeStruct((N_PAD, D), _f32),
    )(parts, degp)


def _tc_final(parts, degp, W, b2):
    return pl.pallas_call(
        _final_body,
        grid=(_GRID,),
        in_specs=[
            pl.BlockSpec((NC, _ROWS_BLK, D), lambda i: (0, i, 0)),
            pl.BlockSpec((NW, _ROWS_BLK), lambda i: (0, i)),
            pl.BlockSpec((D, D), lambda i: (0, 0)),
            pl.BlockSpec((1, D), lambda i: (0, 0)),
        ],
        out_specs=pl.BlockSpec((_ROWS_BLK, D), lambda i: (i, 0)),
        out_shape=jax.ShapeDtypeStruct((N_NODES, D), _f32),
    )(parts, degp, W, b2)


def kernel(inputs, edge_index, W, b):
    edge = edge_index.astype(jnp.int32).reshape(2 * N_EDGES)
    b2 = b.reshape(1, D)

    degp = _deg_kernel(edge)

    t0 = _tc_scale(inputs, degp)
    p1 = _prop_kernel(t0, edge)
    t1 = _tc_combine(p1, degp)
    p2 = _prop_kernel(t1, edge)
    h = _tc_final(p2, degp, W, b2)

    return (h, 0)

# --- scband reference (transcript-rebuilt; emitter-appended) ---
"""Pipeline reference for scband-gnn-47107201302800 (READ-ONLY COPY).

The authoritative reference and input builder live on the scoring server;
editing this copy changes nothing except your own understanding.
"""

import jax, jax.numpy as jnp
import numpy as np

N_NODES = 10000
N_EDGES = 320000
D_FEAT = 128
H_SIZE = 128
K_LAYERS = 2


def setup_inputs(seed: int = 0) -> dict:
    key = jax.random.key(seed)
    k1, k2, k3, k4 = jax.random.split(key, 4)
    inputs = jax.random.normal(k1, (N_NODES, D_FEAT), dtype=jnp.float32)
    edge_index = jax.random.randint(k2, (2, N_EDGES), 0, N_NODES, dtype=jnp.int64)
    # SGConv linear layer params (fc: fea_size -> h_size, bias=True)
    W = jax.random.normal(k3, (D_FEAT, H_SIZE), dtype=jnp.float32) * (1.0 / np.sqrt(D_FEAT))
    b = jax.random.normal(k4, (H_SIZE,), dtype=jnp.float32) * 0.01
    return {"inputs": inputs, "edge_index": edge_index, "W": W, "b": b}


def reference(inputs, edge_index, W, b):
    # Faithful SGConv (DGL semantics, norm='both', k=K_LAYERS):
    #   degs = in_degrees().clamp(min=1); norm = degs^-0.5
    #   repeat k times: feat = feat * norm; feat = A @ feat (copy_u, sum by dst); feat = feat * norm
    #   out = fc(feat)
    src = edge_index[0]
    dst = edge_index[1]
    deg = jnp.zeros((N_NODES,), dtype=jnp.float32).at[dst].add(1.0)
    deg = jnp.clip(deg, 1.0, None)
    norm = jnp.power(deg, -0.5)[:, None]
    feat = inputs
    for _ in range(K_LAYERS):
        feat = feat * norm
        msgs = jnp.take(feat, src, axis=0)
        feat = jax.ops.segment_sum(msgs, dst, num_segments=N_NODES)
        feat = feat * norm
    h = feat @ W + b
    x = 0
    return (h, x)

if __name__ == "__main__":
    import jax
    _d = setup_inputs()
    print(jax.jit(kernel)(*tuple(_d.values())))

</pallas_src>

<mosaic_0001>
#map = affine_map<(d0, d1) -> (0, 0)>
#map1 = affine_map<(d0, d1) -> (0)>
#map2 = affine_map<(d0, d1) -> (0, 0, 0)>
module attributes {stable_mosaic.version = 14 : i64} {
  func.func @_prop_kernel(%arg0: i32, %arg1: i32, %arg2: memref<10240x128xf32, #tpu.memory_space<hbm>>, %arg3: memref<640000xi32, #tpu.memory_space<hbm>>, %arg4: memref<2x10240x128xf32, #tpu.memory_space<hbm>>, %arg5: memref<10000xi32, #tpu.memory_space<vmem>>, %arg6: memref<125x80xi32, #tpu.memory_space<vmem>>, %arg7: memref<80x128xf32, #tpu.memory_space<vmem>>, %arg8: memref<80x128xf32, #tpu.memory_space<vmem>>, %arg9: memref<!tpu.dma_semaphore, #tpu.memory_space<semaphore_mem>>, %arg10: memref<!tpu.dma_semaphore, #tpu.memory_space<semaphore_mem>>, %arg11: memref<!tpu.dma_semaphore, #tpu.memory_space<semaphore_mem>>, %arg12: memref<10240x128xf32, #tpu.memory_space<vmem_shared>>) attributes {dimension_semantics = [#tpu.dimension_semantics<core_parallel>, #tpu.dimension_semantics<subcore_parallel>], iteration_bounds = array<i64: 2, 16>, scalar_prefetch = 0 : i64, scratch_operands = 8 : i64, tpu.core_type = #tpu.core_type<sc_vector_subcore>, window_params = [{transform_indices = #map}, {transform_indices = #map1}, {transform_indices = #map2}]} {
    %mul3A = arith.constant 16 : i32
    %mul3A_0 = arith.muli %arg0, %mul3A : i32
    %add3A = arith.addi %mul3A_0, %arg1 : i32
    %mul3A_1 = arith.constant 10000 : i32
    %mul3A_2 = arith.muli %add3A, %mul3A_1 : i32
    "tpu.region"() ({
      %run_scoped3A_288 = tpu.sem_alloc : memref<!tpu.dma_semaphore, #tpu.memory_space<semaphore_mem>>
      %dma_start3A_289 = tpu.memref_slice %arg3[%mul3A_2] : memref<640000xi32, #tpu.memory_space<hbm>> -> memref<10000xi32, #tpu.memory_space<hbm>>
      %dma_start3A_290 = tpu.memref_slice %arg3[%mul3A_2] : memref<640000xi32, #tpu.memory_space<hbm>> -> memref<10000xi32, #tpu.memory_space<hbm>>
      tpu.enqueue_dma source(%dma_start3A_290 : memref<10000xi32, #tpu.memory_space<hbm>>) target(%arg5 : memref<10000xi32, #tpu.memory_space<vmem>>) target_semaphore(%run_scoped3A_288 : memref<!tpu.dma_semaphore, #tpu.memory_space<semaphore_mem>>)
      %dma_wait3A_291 = tpu.memref_slice %arg3[%mul3A_2] : memref<640000xi32, #tpu.memory_space<hbm>> -> memref<10000xi32, #tpu.memory_space<hbm>>
      %dma_wait3A_292 = tpu.memref_slice %arg3[%mul3A_2] : memref<640000xi32, #tpu.memory_space<hbm>> -> memref<10000xi32, #tpu.memory_space<hbm>>
      tpu.wait_dma2 semaphore(%run_scoped3A_288 : memref<!tpu.dma_semaphore, #tpu.memory_space<semaphore_mem>>) src(%dma_wait3A_292 : memref<10000xi32, #tpu.memory_space<hbm>>) dst(%arg5 : memref<10000xi32, #tpu.memory_space<vmem>>)
      tpu.yield
    }) : () -> ()
    %scan3A = arith.constant 0 : i32
    %scan3A_3 = arith.constant 0 : i32
    %scan3A_4 = arith.constant 125 : i32
    %scan3A_5 = arith.addi %scan3A_3, %scan3A_4 : i32
    %scan3A_6 = arith.constant 1 : i32
    %scan3A_7 = scf.for %scan3A_288 = %scan3A_3 to %scan3A_5 step %scan3A_6 iter_args(%scan3A_289 = %scan3A) -> (i32)  : i32 {
      %mul3A_290 = arith.constant 10000 : i32
      %mul3A_291 = arith.muli %add3A, %mul3A_290 : i32
      %add3A_292 = arith.constant 320000 : i32
      %add3A_293 = arith.addi %add3A_292, %mul3A_291 : i32
      %mul3A_294 = arith.constant 80 : i32
      %mul3A_295 = arith.muli %scan3A_288, %mul3A_294 : i32
      %add3A_296 = arith.addi %add3A_293, %mul3A_295 : i32
      %dma_start3A_297 = arith.constant 0 : i32
      %dma_start3A_298 = tpu.memref_slice %arg6[%scan3A_288, %dma_start3A_297] : memref<125x80xi32, #tpu.memory_space<vmem>> -> memref<1x80xi32, #tpu.memory_space<vmem>>
      %dma_start3A_299 = tpu.memref_squeeze %dma_start3A_298 : memref<1x80xi32, #tpu.memory_space<vmem>> -> memref<80xi32, #tpu.memory_space<vmem>>
      %dma_start3A_300 = tpu.memref_slice %arg3[%add3A_296] : memref<640000xi32, #tpu.memory_space<hbm>> -> memref<80xi32, #tpu.memory_space<hbm>>
      %dma_start3A_301 = arith.constant 0 : i32
      %dma_start3A_302 = tpu.memref_slice %arg6[%scan3A_288, %dma_start3A_301] : memref<125x80xi32, #tpu.memory_space<vmem>> -> memref<1x80xi32, #tpu.memory_space<vmem>>
      %dma_start3A_303 = tpu.memref_squeeze %dma_start3A_302 : memref<1x80xi32, #tpu.memory_space<vmem>> -> memref<80xi32, #tpu.memory_space<vmem>>
      %dma_start3A_304 = tpu.memref_slice %arg3[%add3A_296] : memref<640000xi32, #tpu.memory_space<hbm>> -> memref<80xi32, #tpu.memory_space<hbm>>
      tpu.enqueue_dma source(%dma_start3A_304 : memref<80xi32, #tpu.memory_space<hbm>>) target(%dma_start3A_303 : memref<80xi32, #tpu.memory_space<vmem>>) target_semaphore(%arg11 : memref<!tpu.dma_semaphore, #tpu.memory_space<semaphore_mem>>)
      %scan3A_305 = arith.constant 0 : i32
      scf.yield %scan3A_305 : i32
    }
    %scan3A_8 = arith.constant 125 : i32
    %scan3A_9 = arith.constant 0 : i32
    %scan3A_10 = arith.constant 0 : i32
    %scan3A_11 = arith.constant 80 : i32
    %scan3A_12 = arith.addi %scan3A_10, %scan3A_11 : i32
    %scan3A_13 = arith.constant 1 : i32
    %scan3A_14 = scf.for %scan3A_288 = %scan3A_10 to %scan3A_12 step %scan3A_13 iter_args(%scan3A_289 = %scan3A_9) -> (i32)  : i32 {
      %broadcast_in_dim3A = arith.constant 0.000000e+00 : f32
      %broadcast_in_dim3A_290 = vector.broadcast %broadcast_in_dim3A : f32 to vector<16xf32>
      %swap3A = arith.index_cast %scan3A_288 : i32 to index
      %swap3A_291 = arith.constant 0 : index
      %swap3A_292 = tpu.vector_load %arg7[%swap3A, %swap3A_291] {strides = array<i32>} : memref<80x128xf32, #tpu.memory_space<vmem>>, vector<1x16xf32>,
      %swap3A_293 = vector.shape_cast %swap3A_292 : vector<1x16xf32> to vector<16xf32>
      %swap3A_294 = vector.shape_cast %broadcast_in_dim3A_290 : vector<16xf32> to vector<1x16xf32>
      tpu.vector_store %arg7[%swap3A, %swap3A_291], %swap3A_294 {strides = array<i32>} : memref<80x128xf32, #tpu.memory_space<vmem>>, vector<1x16xf32>,
      %broadcast_in_dim3A_295 = arith.constant 0.000000e+00 : f32
      %broadcast_in_dim3A_296 = vector.broadcast %broadcast_in_dim3A_295 : f32 to vector<16xf32>
      %swap3A_297 = arith.index_cast %scan3A_288 : i32 to index
      %swap3A_298 = arith.constant 16 : index
      %swap3A_299 = tpu.vector_load %arg7[%swap3A_297, %swap3A_298] {strides = array<i32>} : memref<80x128xf32, #tpu.memory_space<vmem>>, vector<1x16xf32>,
      %swap3A_300 = vector.shape_cast %swap3A_299 : vector<1x16xf32> to vector<16xf32>
      %swap3A_301 = vector.shape_cast %broadcast_in_dim3A_296 : vector<16xf32> to vector<1x16xf32>
      tpu.vector_store %arg7[%swap3A_297, %swap3A_298], %swap3A_301 {strides = array<i32>} : memref<80x128xf32, #tpu.memory_space<vmem>>, vector<1x16xf32>,
      %broadcast_in_dim3A_302 = arith.constant 0.000000e+00 : f32
      %broadcast_in_dim3A_303 = vector.broadcast %broadcast_in_dim3A_302 : f32 to vector<16xf32>
      %swap3A_304 = arith.index_cast %scan3A_288 : i32 to index
      %swap3A_305 = arith.constant 32 : index
      %swap3A_306 = tpu.vector_load %arg7[%swap3A_304, %swap3A_305] {strides = array<i32>} : memref<80x128xf32, #tpu.memory_space<vmem>>, vector<1x16xf32>,
      %swap3A_307 = vector.shape_cast %swap3A_306 : vector<1x16xf32> to vector<16xf32>
      %swap3A_308 = vector.shape_cast %broadcast_in_dim3A_303 : vector<16xf32> to vector<1x16xf32>
      tpu.vector_store %arg7[%swap3A_304, %swap3A_305], %swap3A_308 {strides = array<i32>} : memref<80x128xf32, #tpu.memory_space<vmem>>, vector<1x16xf32>,
      %broadcast_in_dim3A_309 = arith.constant 0.000000e+00 : f32
      %broadcast_in_dim3A_310 = vector.broadcast %broadcast_in_dim3A_309 : f32 to vector<16xf32>
      %swap3A_311 = arith.index_cast %scan3A_288 : i32 to index
      %swap3A_312 = arith.constant 48 : index
      %swap3A_313 = tpu.vector_load %arg7[%swap3A_311, %swap3A_312] {strides = array<i32>} : memref<80x128xf32, #tpu.memory_space<vmem>>, vector<1x16xf32>,
      %swap3A_314 = vector.shape_cast %swap3A_313 : vector<1x16xf32> to vector<16xf32>
      %swap3A_315 = vector.shape_cast %broadcast_in_dim3A_310 : vector<16xf32> to vector<1x16xf32>
      tpu.vector_store %arg7[%swap3A_311, %swap3A_312], %swap3A_315 {strides = array<i32>} : memref<80x128xf32, #tpu.memory_space<vmem>>, vector<1x16xf32>,
      %broadcast_in_dim3A_316 = arith.constant 0.000000e+00 : f32
      %broadcast_in_dim3A_317 = vector.broadcast %broadcast_in_dim3A_316 : f32 to vector<16xf32>
      %swap3A_318 = arith.index_cast %scan3A_288 : i32 to index
      %swap3A_319 = arith.constant 64 : index
      %swap3A_320 = tpu.vector_load %arg7[%swap3A_318, %swap3A_319] {strides = array<i32>} : memref<80x128xf32, #tpu.memory_space<vmem>>, vector<1x16xf32>,
      %swap3A_321 = vector.shape_cast %swap3A_320 : vector<1x16xf32> to vector<16xf32>
      %swap3A_322 = vector.shape_cast %broadcast_in_dim3A_317 : vector<16xf32> to vector<1x16xf32>
      tpu.vector_store %arg7[%swap3A_318, %swap3A_319], %swap3A_322 {strides = array<i32>} : memref<80x128xf32, #tpu.memory_space<vmem>>, vector<1x16xf32>,
      %broadcast_in_dim3A_323 = arith.constant 0.000000e+00 : f32
      %broadcast_in_dim3A_324 = vector.broadcast %broadcast_in_dim3A_323 : f32 to vector<16xf32>
      %swap3A_325 = arith.index_cast %scan3A_288 : i32 to index
      %swap3A_326 = arith.constant 80 : index
      %swap3A_327 = tpu.vector_load %arg7[%swap3A_325, %swap3A_326] {strides = array<i32>} : memref<80x128xf32, #tpu.memory_space<vmem>>, vector<1x16xf32>,
      %swap3A_328 = vector.shape_cast %swap3A_327 : vector<1x16xf32> to vector<16xf32>
      %swap3A_329 = vector.shape_cast %broadcast_in_dim3A_324 : vector<16xf32> to vector<1x16xf32>
      tpu.vector_store %arg7[%swap3A_325, %swap3A_326], %swap3A_329 {strides = array<i32>} : memref<80x128xf32, #tpu.memory_space<vmem>>, vector<1x16xf32>,
      %broadcast_in_dim3A_330 = arith.constant 0.000000e+00 : f32
      %broadcast_in_dim3A_331 = vector.broadcast %broadcast_in_dim3A_330 : f32 to vector<16xf32>
      %swap3A_332 = arith.index_cast %scan3A_288 : i32 to index
      %swap3A_333 = arith.constant 96 : index
      %swap3A_334 = tpu.vector_load %arg7[%swap3A_332, %swap3A_333] {strides = array<i32>} : memref<80x128xf32, #tpu.memory_space<vmem>>, vector<1x16xf32>,
      %swap3A_335 = vector.shape_cast %swap3A_334 : vector<1x16xf32> to vector<16xf32>
      %swap3A_336 = vector.shape_cast %broadcast_in_dim3A_331 : vector<16xf32> to vector<1x16xf32>
      tpu.vector_store %arg7[%swap3A_332, %swap3A_333], %swap3A_336 {strides = array<i32>} : memref<80x128xf32, #tpu.memory_space<vmem>>, vector<1x16xf32>,
      %broadcast_in_dim3A_337 = arith.constant 0.000000e+00 : f32
      %broadcast_in_dim3A_338 = vector.broadcast %broadcast_in_dim3A_337 : f32 to vector<16xf32>
      %swap3A_339 = arith.index_cast %scan3A_288 : i32 to index
      %swap3A_340 = arith.constant 112 : index
      %swap3A_341 = tpu.vector_load %arg7[%swap3A_339, %swap3A_340] {strides = array<i32>} : memref<80x128xf32, #tpu.memory_space<vmem>>, vector<1x16xf32>,
      %swap3A_342 = vector.shape_cast %swap3A_341 : vector<1x16xf32> to vector<16xf32>
      %swap3A_343 = vector.shape_cast %broadcast_in_dim3A_338 : vector<16xf32> to vector<1x16xf32>
      tpu.vector_store %arg7[%swap3A_339, %swap3A_340], %swap3A_343 {strides = array<i32>} : memref<80x128xf32, #tpu.memory_space<vmem>>, vector<1x16xf32>,
      %scan3A_344 = arith.constant 0 : i32
      scf.yield %scan3A_344 : i32
    }
    %scan3A_15 = arith.constant 80 : i32
    %mul3A_16 = arith.constant 640 : i32
    %mul3A_17 = arith.muli %arg1, %mul3A_16 : i32
    %add3A_18 = arith.constant 0 : i32
    %add3A_19 = arith.addi %mul3A_17, %add3A_18 : i32
    %dma_start3A = arith.constant 0 : i32
    %dma_start3A_20 = tpu.memref_slice %arg12[%add3A_19, %dma_start3A] : memref<10240x128xf32, #tpu.memory_space<vmem_shared>> -> memref<80x128xf32, #tpu.memory_space<vmem_shared>>
    %dma_start3A_21 = arith.constant 0 : i32
    %dma_start3A_22 = tpu.memref_slice %arg12[%add3A_19, %dma_start3A_21] : memref<10240x128xf32, #tpu.memory_space<vmem_shared>> -> memref<80x128xf32, #tpu.memory_space<vmem_shared>>
    tpu.enqueue_dma source(%arg7 : memref<80x128xf32, #tpu.memory_space<vmem>>) target(%dma_start3A_22 : memref<80x128xf32, #tpu.memory_space<vmem_shared>>) target_semaphore(%arg9 : memref<!tpu.dma_semaphore, #tpu.memory_space<semaphore_mem>>)
    %mul3A_23 = arith.constant 640 : i32
    %mul3A_24 = arith.muli %arg1, %mul3A_23 : i32
    %add3A_25 = arith.constant 80 : i32
    %add3A_26 = arith.addi %mul3A_24, %add3A_25 : i32
    %dma_start3A_27 = arith.constant 0 : i32
    %dma_start3A_28 = tpu.memref_slice %arg12[%add3A_26, %dma_start3A_27] : memref<10240x128xf32, #tpu.memory_space<vmem_shared>> -> memref<80x128xf32, #tpu.memory_space<vmem_shared>>
    %dma_start3A_29 = arith.constant 0 : i32
    %dma_start3A_30 = tpu.memref_slice %arg12[%add3A_26, %dma_start3A_29] : memref<10240x128xf32, #tpu.memory_space<vmem_shared>> -> memref<80x128xf32, #tpu.memory_space<vmem_shared>>
    tpu.enqueue_dma source(%arg7 : memref<80x128xf32, #tpu.memory_space<vmem>>) target(%dma_start3A_30 : memref<80x128xf32, #tpu.memory_space<vmem_shared>>) target_semaphore(%arg9 : memref<!tpu.dma_semaphore, #tpu.memory_space<semaphore_mem>>)
    %mul3A_31 = arith.constant 640 : i32
    %mul3A_32 = arith.muli %arg1, %mul3A_31 : i32
    %add3A_33 = arith.constant 160 : i32
    %add3A_34 = arith.addi %mul3A_32, %add3A_33 : i32
    %dma_start3A_35 = arith.constant 0 : i32
    %dma_start3A_36 = tpu.memref_slice %arg12[%add3A_34, %dma_start3A_35] : memref<10240x128xf32, #tpu.memory_space<vmem_shared>> -> memref<80x128xf32, #tpu.memory_space<vmem_shared>>
    %dma_start3A_37 = arith.constant 0 : i32
    %dma_start3A_38 = tpu.memref_slice %arg12[%add3A_34, %dma_start3A_37] : memref<10240x128xf32, #tpu.memory_space<vmem_shared>> -> memref<80x128xf32, #tpu.memory_space<vmem_shared>>
    tpu.enqueue_dma source(%arg7 : memref<80x128xf32, #tpu.memory_space<vmem>>) target(%dma_start3A_38 : memref<80x128xf32, #tpu.memory_space<vmem_shared>>) target_semaphore(%arg9 : memref<!tpu.dma_semaphore, #tpu.memory_space<semaphore_mem>>)
    %mul3A_39 = arith.constant 640 : i32
    %mul3A_40 = arith.muli %arg1, %mul3A_39 : i32
    %add3A_41 = arith.constant 240 : i32
    %add3A_42 = arith.addi %mul3A_40, %add3A_41 : i32
    %dma_start3A_43 = arith.constant 0 : i32
    %dma_start3A_44 = tpu.memref_slice %arg12[%add3A_42, %dma_start3A_43] : memref<10240x128xf32, #tpu.memory_space<vmem_shared>> -> memref<80x128xf32, #tpu.memory_space<vmem_shared>>
    %dma_start3A_45 = arith.constant 0 : i32
    %dma_start3A_46 = tpu.memref_slice %arg12[%add3A_42, %dma_start3A_45] : memref<10240x128xf32, #tpu.memory_space<vmem_shared>> -> memref<80x128xf32, #tpu.memory_space<vmem_shared>>
    tpu.enqueue_dma source(%arg7 : memref<80x128xf32, #tpu.memory_space<vmem>>) target(%dma_start3A_46 : memref<80x128xf32, #tpu.memory_space<vmem_shared>>) target_semaphore(%arg9 : memref<!tpu.dma_semaphore, #tpu.memory_space<semaphore_mem>>)
    %mul3A_47 = arith.constant 640 : i32
    %mul3A_48 = arith.muli %arg1, %mul3A_47 : i32
    %add3A_49 = arith.constant 320 : i32
    %add3A_50 = arith.addi %mul3A_48, %add3A_49 : i32
    %dma_start3A_51 = arith.constant 0 : i32
    %dma_start3A_52 = tpu.memref_slice %arg12[%add3A_50, %dma_start3A_51] : memref<10240x128xf32, #tpu.memory_space<vmem_shared>> -> memref<80x128xf32, #tpu.memory_space<vmem_shared>>
    %dma_start3A_53 = arith.constant 0 : i32
    %dma_start3A_54 = tpu.memref_slice %arg12[%add3A_50, %dma_start3A_53] : memref<10240x128xf32, #tpu.memory_space<vmem_shared>> -> memref<80x128xf32, #tpu.memory_space<vmem_shared>>
    tpu.enqueue_dma source(%arg7 : memref<80x128xf32, #tpu.memory_space<vmem>>) target(%dma_start3A_54 : memref<80x128xf32, #tpu.memory_space<vmem_shared>>) target_semaphore(%arg9 : memref<!tpu.dma_semaphore, #tpu.memory_space<semaphore_mem>>)
    %mul3A_55 = arith.constant 640 : i32
    %mul3A_56 = arith.muli %arg1, %mul3A_55 : i32
    %add3A_57 = arith.constant 400 : i32
    %add3A_58 = arith.addi %mul3A_56, %add3A_57 : i32
    %dma_start3A_59 = arith.constant 0 : i32
    %dma_start3A_60 = tpu.memref_slice %arg12[%add3A_58, %dma_start3A_59] : memref<10240x128xf32, #tpu.memory_space<vmem_shared>> -> memref<80x128xf32, #tpu.memory_space<vmem_shared>>
    %dma_start3A_61 = arith.constant 0 : i32
    %dma_start3A_62 = tpu.memref_slice %arg12[%add3A_58, %dma_start3A_61] : memref<10240x128xf32, #tpu.memory_space<vmem_shared>> -> memref<80x128xf32, #tpu.memory_space<vmem_shared>>
    tpu.enqueue_dma source(%arg7 : memref<80x128xf32, #tpu.memory_space<vmem>>) target(%dma_start3A_62 : memref<80x128xf32, #tpu.memory_space<vmem_shared>>) target_semaphore(%arg9 : memref<!tpu.dma_semaphore, #tpu.memory_space<semaphore_mem>>)
    %mul3A_63 = arith.constant 640 : i32
    %mul3A_64 = arith.muli %arg1, %mul3A_63 : i32
    %add3A_65 = arith.constant 480 : i32
    %add3A_66 = arith.addi %mul3A_64, %add3A_65 : i32
    %dma_start3A_67 = arith.constant 0 : i32
    %dma_start3A_68 = tpu.memref_slice %arg12[%add3A_66, %dma_start3A_67] : memref<10240x128xf32, #tpu.memory_space<vmem_shared>> -> memref<80x128xf32, #tpu.memory_space<vmem_shared>>
    %dma_start3A_69 = arith.constant 0 : i32
    %dma_start3A_70 = tpu.memref_slice %arg12[%add3A_66, %dma_start3A_69] : memref<10240x128xf32, #tpu.memory_space<vmem_shared>> -> memref<80x128xf32, #tpu.memory_space<vmem_shared>>
    tpu.enqueue_dma source(%arg7 : memref<80x128xf32, #tpu.memory_space<vmem>>) target(%dma_start3A_70 : memref<80x128xf32, #tpu.memory_space<vmem_shared>>) target_semaphore(%arg9 : memref<!tpu.dma_semaphore, #tpu.memory_space<semaphore_mem>>)
    %mul3A_71 = arith.constant 640 : i32
    %mul3A_72 = arith.muli %arg1, %mul3A_71 : i32
    %add3A_73 = arith.constant 560 : i32
    %add3A_74 = arith.addi %mul3A_72, %add3A_73 : i32
    %dma_start3A_75 = arith.constant 0 : i32
    %dma_start3A_76 = tpu.memref_slice %arg12[%add3A_74, %dma_start3A_75] : memref<10240x128xf32, #tpu.memory_space<vmem_shared>> -> memref<80x128xf32, #tpu.memory_space<vmem_shared>>
    %dma_start3A_77 = arith.constant 0 : i32
    %dma_start3A_78 = tpu.memref_slice %arg12[%add3A_74, %dma_start3A_77] : memref<10240x128xf32, #tpu.memory_space<vmem_shared>> -> memref<80x128xf32, #tpu.memory_space<vmem_shared>>
    tpu.enqueue_dma source(%arg7 : memref<80x128xf32, #tpu.memory_space<vmem>>) target(%dma_start3A_78 : memref<80x128xf32, #tpu.memory_space<vmem_shared>>) target_semaphore(%arg9 : memref<!tpu.dma_semaphore, #tpu.memory_space<semaphore_mem>>)
    %mul3A_79 = arith.constant 640 : i32
    %mul3A_80 = arith.muli %arg1, %mul3A_79 : i32
    %dma_wait3A = arith.constant 0 : i32
    %dma_wait3A_81 = tpu.memref_slice %arg12[%mul3A_80, %dma_wait3A] : memref<10240x128xf32, #tpu.memory_space<vmem_shared>> -> memref<80x128xf32, #tpu.memory_space<vmem_shared>>
    %dma_wait3A_82 = arith.constant 0 : i32
    %dma_wait3A_83 = tpu.memref_slice %arg12[%mul3A_80, %dma_wait3A_82] : memref<10240x128xf32, #tpu.memory_space<vmem_shared>> -> memref<80x128xf32, #tpu.memory_space<vmem_shared>>
    tpu.wait_dma2 semaphore(%arg9 : memref<!tpu.dma_semaphore, #tpu.memory_space<semaphore_mem>>) src(%arg7 : memref<80x128xf32, #tpu.memory_space<vmem>>) dst(%dma_wait3A_83 : memref<80x128xf32, #tpu.memory_space<vmem_shared>>)
    %mul3A_84 = arith.constant 640 : i32
    %mul3A_85 = arith.muli %arg1, %mul3A_84 : i32
    %dma_wait3A_86 = arith.constant 0 : i32
    %dma_wait3A_87 = tpu.memref_slice %arg12[%mul3A_85, %dma_wait3A_86] : memref<10240x128xf32, #tpu.memory_space<vmem_shared>> -> memref<80x128xf32, #tpu.memory_space<vmem_shared>>
    %dma_wait3A_88 = arith.constant 0 : i32
    %dma_wait3A_89 = tpu.memref_slice %arg12[%mul3A_85, %dma_wait3A_88] : memref<10240x128xf32, #tpu.memory_space<vmem_shared>> -> memref<80x128xf32, #tpu.memory_space<vmem_shared>>
    tpu.wait_dma2 semaphore(%arg9 : memref<!tpu.dma_semaphore, #tpu.memory_space<semaphore_mem>>) src(%arg7 : memref<80x128xf32, #tpu.memory_space<vmem>>) dst(%dma_wait3A_89 : memref<80x128xf32, #tpu.memory_space<vmem_shared>>)
    %mul3A_90 = arith.constant 640 : i32
    %mul3A_91 = arith.muli %arg1, %mul3A_90 : i32
    %dma_wait3A_92 = arith.constant 0 : i32
    %dma_wait3A_93 = tpu.memref_slice %arg12[%mul3A_91, %dma_wait3A_92] : memref<10240x128xf32, #tpu.memory_space<vmem_shared>> -> memref<80x128xf32, #tpu.memory_space<vmem_shared>>
    %dma_wait3A_94 = arith.constant 0 : i32
    %dma_wait3A_95 = tpu.memref_slice %arg12[%mul3A_91, %dma_wait3A_94] : memref<10240x128xf32, #tpu.memory_space<vmem_shared>> -> memref<80x128xf32, #tpu.memory_space<vmem_shared>>
    tpu.wait_dma2 semaphore(%arg9 : memref<!tpu.dma_semaphore, #tpu.memory_space<semaphore_mem>>) src(%arg7 : memref<80x128xf32, #tpu.memory_space<vmem>>) dst(%dma_wait3A_95 : memref<80x128xf32, #tpu.memory_space<vmem_shared>>)
    %mul3A_96 = arith.constant 640 : i32
    %mul3A_97 = arith.muli %arg1, %mul3A_96 : i32
    %dma_wait3A_98 = arith.constant 0 : i32
    %dma_wait3A_99 = tpu.memref_slice %arg12[%mul3A_97, %dma_wait3A_98] : memref<10240x128xf32, #tpu.memory_space<vmem_shared>> -> memref<80x128xf32, #tpu.memory_space<vmem_shared>>
    %dma_wait3A_100 = arith.constant 0 : i32
    %dma_wait3A_101 = tpu.memref_slice %arg12[%mul3A_97, %dma_wait3A_100] : memref<10240x128xf32, #tpu.memory_space<vmem_shared>> -> memref<80x128xf32, #tpu.memory_space<vmem_shared>>
    tpu.wait_dma2 semaphore(%arg9 : memref<!tpu.dma_semaphore, #tpu.memory_space<semaphore_mem>>) src(%arg7 : memref<80x128xf32, #tpu.memory_space<vmem>>) dst(%dma_wait3A_101 : memref<80x128xf32, #tpu.memory_space<vmem_shared>>)
    %mul3A_102 = arith.constant 640 : i32
    %mul3A_103 = arith.muli %arg1, %mul3A_102 : i32
    %dma_wait3A_104 = arith.constant 0 : i32
    %dma_wait3A_105 = tpu.memref_slice %arg12[%mul3A_103, %dma_wait3A_104] : memref<10240x128xf32, #tpu.memory_space<vmem_shared>> -> memref<80x128xf32, #tpu.memory_space<vmem_shared>>
    %dma_wait3A_106 = arith.constant 0 : i32
    %dma_wait3A_107 = tpu.memref_slice %arg12[%mul3A_103, %dma_wait3A_106] : memref<10240x128xf32, #tpu.memory_space<vmem_shared>> -> memref<80x128xf32, #tpu.memory_space<vmem_shared>>
    tpu.wait_dma2 semaphore(%arg9 : memref<!tpu.dma_semaphore, #tpu.memory_space<semaphore_mem>>) src(%arg7 : memref<80x128xf32, #tpu.memory_space<vmem>>) dst(%dma_wait3A_107 : memref<80x128xf32, #tpu.memory_space<vmem_shared>>)
    %mul3A_108 = arith.constant 640 : i32
    %mul3A_109 = arith.muli %arg1, %mul3A_108 : i32
    %dma_wait3A_110 = arith.constant 0 : i32
    %dma_wait3A_111 = tpu.memref_slice %arg12[%mul3A_109, %dma_wait3A_110] : memref<10240x128xf32, #tpu.memory_space<vmem_shared>> -> memref<80x128xf32, #tpu.memory_space<vmem_shared>>
    %dma_wait3A_112 = arith.constant 0 : i32
    %dma_wait3A_113 = tpu.memref_slice %arg12[%mul3A_109, %dma_wait3A_112] : memref<10240x128xf32, #tpu.memory_space<vmem_shared>> -> memref<80x128xf32, #tpu.memory_space<vmem_shared>>
    tpu.wait_dma2 semaphore(%arg9 : memref<!tpu.dma_semaphore, #tpu.memory_space<semaphore_mem>>) src(%arg7 : memref<80x128xf32, #tpu.memory_space<vmem>>) dst(%dma_wait3A_113 : memref<80x128xf32, #tpu.memory_space<vmem_shared>>)
    %mul3A_114 = arith.constant 640 : i32
    %mul3A_115 = arith.muli %arg1, %mul3A_114 : i32
    %dma_wait3A_116 = arith.constant 0 : i32
    %dma_wait3A_117 = tpu.memref_slice %arg12[%mul3A_115, %dma_wait3A_116] : memref<10240x128xf32, #tpu.memory_space<vmem_shared>> -> memref<80x128xf32, #tpu.memory_space<vmem_shared>>
    %dma_wait3A_118 = arith.constant 0 : i32
    %dma_wait3A_119 = tpu.memref_slice %arg12[%mul3A_115, %dma_wait3A_118] : memref<10240x128xf32, #tpu.memory_space<vmem_shared>> -> memref<80x128xf32, #tpu.memory_space<vmem_shared>>
    tpu.wait_dma2 semaphore(%arg9 : memref<!tpu.dma_semaphore, #tpu.memory_space<semaphore_mem>>) src(%arg7 : memref<80x128xf32, #tpu.memory_space<vmem>>) dst(%dma_wait3A_119 : memref<80x128xf32, #tpu.memory_space<vmem_shared>>)
    %mul3A_120 = arith.constant 640 : i32
    %mul3A_121 = arith.muli %arg1, %mul3A_120 : i32
    %dma_wait3A_122 = arith.constant 0 : i32
    %dma_wait3A_123 = tpu.memref_slice %arg12[%mul3A_121, %dma_wait3A_122] : memref<10240x128xf32, #tpu.memory_space<vmem_shared>> -> memref<80x128xf32, #tpu.memory_space<vmem_shared>>
    %dma_wait3A_124 = arith.constant 0 : i32
    %dma_wait3A_125 = tpu.memref_slice %arg12[%mul3A_121, %dma_wait3A_124] : memref<10240x128xf32, #tpu.memory_space<vmem_shared>> -> memref<80x128xf32, #tpu.memory_space<vmem_shared>>
    tpu.wait_dma2 semaphore(%arg9 : memref<!tpu.dma_semaphore, #tpu.memory_space<semaphore_mem>>) src(%arg7 : memref<80x128xf32, #tpu.memory_space<vmem>>) dst(%dma_wait3A_125 : memref<80x128xf32, #tpu.memory_space<vmem_shared>>)
    %scan3A_126 = arith.constant 0 : i32
    %scan3A_127 = arith.constant 0 : i32
    %scan3A_128 = arith.constant 125 : i32
    %scan3A_129 = arith.addi %scan3A_127, %scan3A_128 : i32
    %scan3A_130 = arith.constant 1 : i32
    %scan3A_131 = scf.for %scan3A_288 = %scan3A_127 to %scan3A_129 step %scan3A_130 iter_args(%scan3A_289 = %scan3A_126) -> (i32)  : i32 {
      %dma_wait3A_290 = arith.constant 0 : i32
      %dma_wait3A_291 = arith.constant 0 : i32
      %dma_wait3A_292 = tpu.memref_slice %arg6[%dma_wait3A_290, %dma_wait3A_291] : memref<125x80xi32, #tpu.memory_space<vmem>> -> memref<1x80xi32, #tpu.memory_space<vmem>>
      %dma_wait3A_293 = tpu.memref_squeeze %dma_wait3A_292 : memref<1x80xi32, #tpu.memory_space<vmem>> -> memref<80xi32, #tpu.memory_space<vmem>>
      %dma_wait3A_294 = arith.constant 0 : i32
      %dma_wait3A_295 = tpu.memref_slice %arg3[%dma_wait3A_294] : memref<640000xi32, #tpu.memory_space<hbm>> -> memref<80xi32, #tpu.memory_space<hbm>>
      %dma_wait3A_296 = arith.constant 0 : i32
      %dma_wait3A_297 = tpu.memref_slice %arg6[%dma_wait3A_290, %dma_wait3A_296] : memref<125x80xi32, #tpu.memory_space<vmem>> -> memref<1x80xi32, #tpu.memory_space<vmem>>
      %dma_wait3A_298 = tpu.memref_squeeze %dma_wait3A_297 : memref<1x80xi32, #tpu.memory_space<vmem>> -> memref<80xi32, #tpu.memory_space<vmem>>
      %dma_wait3A_299 = arith.constant 0 : i32
      %dma_wait3A_300 = tpu.memref_slice %arg3[%dma_wait3A_299] : memref<640000xi32, #tpu.memory_space<hbm>> -> memref<80xi32, #tpu.memory_space<hbm>>
      tpu.wait_dma2 semaphore(%arg11 : memref<!tpu.dma_semaphore, #tpu.memory_space<semaphore_mem>>) src(%dma_wait3A_300 : memref<80xi32, #tpu.memory_space<hbm>>) dst(%dma_wait3A_298 : memref<80xi32, #tpu.memory_space<vmem>>)
      %scan3A_301 = arith.constant 0 : i32
      scf.yield %scan3A_301 : i32
    }
    %scan3A_132 = arith.constant 125 : i32
    %dma_start3A_133 = arith.constant 0 : i32
    %dma_start3A_134 = tpu.memref_slice %arg5[%dma_start3A_133] : memref<10000xi32, #tpu.memory_space<vmem>> -> memref<80xi32, #tpu.memory_space<vmem>>
    %dma_start3A_135 = arith.constant 0 : i32
    %dma_start3A_136 = arith.constant 0 : i32
    %dma_start3A_137 = tpu.memref_slice %arg2[%dma_start3A_135, %dma_start3A_136] : memref<10240x128xf32, #tpu.memory_space<hbm>> -> memref<10240x128xf32, #tpu.memory_space<hbm>>
    tpu.enqueue_indirect_dma source(%dma_start3A_137 : memref<10240x128xf32, #tpu.memory_space<hbm>>) target(%arg7 : memref<80x128xf32, #tpu.memory_space<vmem>>) offsets(%dma_start3A_134 : memref<80xi32, #tpu.memory_space<vmem>>) semaphore(%arg9 : memref<!tpu.dma_semaphore, #tpu.memory_space<semaphore_mem>>)
    %dma_start3A_138 = arith.constant 80 : i32
    %dma_start3A_139 = tpu.memref_slice %arg5[%dma_start3A_138] : memref<10000xi32, #tpu.memory_space<vmem>> -> memref<80xi32, #tpu.memory_space<vmem>>
    %dma_start3A_140 = arith.constant 0 : i32
    %dma_start3A_141 = arith.constant 0 : i32
    %dma_start3A_142 = tpu.memref_slice %arg2[%dma_start3A_140, %dma_start3A_141] : memref<10240x128xf32, #tpu.memory_space<hbm>> -> memref<10240x128xf32, #tpu.memory_space<hbm>>
    tpu.enqueue_indirect_dma source(%dma_start3A_142 : memref<10240x128xf32, #tpu.memory_space<hbm>>) target(%arg8 : memref<80x128xf32, #tpu.memory_space<vmem>>) offsets(%dma_start3A_139 : memref<80xi32, #tpu.memory_space<vmem>>) semaphore(%arg10 : memref<!tpu.dma_semaphore, #tpu.memory_space<semaphore_mem>>)
    %barrier3A = arith.constant 0 : index
    tpu.barrier barrier_id(%barrier3A)
    %scan3A_143 = arith.constant 0 : i32
    %scan3A_144 = arith.constant 0 : i32
    %scan3A_145 = arith.constant 62 : i32
    %scan3A_146 = arith.addi %scan3A_144, %scan3A_145 : i32
    %scan3A_147 = arith.constant 1 : i32
    %scan3A_148 = scf.for %scan3A_288 = %scan3A_144 to %scan3A_146 step %scan3A_147 iter_args(%scan3A_289 = %scan3A_143) -> (i32)  : i32 {
      %mul3A_290 = arith.constant 2 : i32
      %mul3A_291 = arith.muli %mul3A_290, %scan3A_288 : i32
      %dma_wait3A_292 = arith.constant 0 : i32
      %dma_wait3A_293 = tpu.memref_slice %arg5[%dma_wait3A_292] : memref<10000xi32, #tpu.memory_space<vmem>> -> memref<80xi32, #tpu.memory_space<vmem>>
      %dma_wait3A_294 = arith.constant 0 : i32
      %dma_wait3A_295 = arith.constant 0 : i32
      %dma_wait3A_296 = tpu.memref_slice %arg2[%dma_wait3A_294, %dma_wait3A_295] : memref<10240x128xf32, #tpu.memory_space<hbm>> -> memref<10240x128xf32, #tpu.memory_space<hbm>>
      tpu.wait_indirect_dma semaphore(%arg9 : memref<!tpu.dma_semaphore, #tpu.memory_space<semaphore_mem>>) src(%dma_wait3A_296 : memref<10240x128xf32, #tpu.memory_space<hbm>>) dst(%arg7 : memref<80x128xf32, #tpu.memory_space<vmem>>)
      "tpu.region"() ({
        %run_scoped3A_316 = tpu.sem_alloc : memref<!tpu.dma_semaphore, #tpu.memory_space<semaphore_mem>>
        %dma_start3A_317 = arith.constant 0 : i32
        %dma_start3A_318 = tpu.memref_slice %arg6[%mul3A_291, %dma_start3A_317] : memref<125x80xi32, #tpu.memory_space<vmem>> -> memref<1x80xi32, #tpu.memory_space<vmem>>
        %dma_start3A_319 = tpu.memref_squeeze %dma_start3A_318 : memref<1x80xi32, #tpu.memory_space<vmem>> -> memref<80xi32, #tpu.memory_space<vmem>>
        %dma_start3A_320 = arith.constant 0 : i32
        %dma_start3A_321 = arith.constant 0 : i32
        %dma_start3A_322 = tpu.memref_slice %arg12[%dma_start3A_320, %dma_start3A_321] : memref<10240x128xf32, #tpu.memory_space<vmem_shared>> -> memref<10240x128xf32, #tpu.memory_space<vmem_shared>>
        tpu.enqueue_indirect_dma source(%arg7 : memref<80x128xf32, #tpu.memory_space<vmem>>) target(%dma_start3A_322 : memref<10240x128xf32, #tpu.memory_space<vmem_shared>>) offsets(%dma_start3A_319 : memref<80xi32, #tpu.memory_space<vmem>>) semaphore(%run_scoped3A_316 : memref<!tpu.dma_semaphore, #tpu.memory_space<semaphore_mem>>) {add = true}
        %dma_wait3A_323 = arith.constant 0 : i32
        %dma_wait3A_324 = tpu.memref_slice %arg6[%mul3A_291, %dma_wait3A_323] : memref<125x80xi32, #tpu.memory_space<vmem>> -> memref<1x80xi32, #tpu.memory_space<vmem>>
        %dma_wait3A_325 = tpu.memref_squeeze %dma_wait3A_324 : memref<1x80xi32, #tpu.memory_space<vmem>> -> memref<80xi32, #tpu.memory_space<vmem>>
        %dma_wait3A_326 = arith.constant 0 : i32
        %dma_wait3A_327 = arith.constant 0 : i32
        %dma_wait3A_328 = tpu.memref_slice %arg12[%dma_wait3A_326, %dma_wait3A_327] : memref<10240x128xf32, #tpu.memory_space<vmem_shared>> -> memref<10240x128xf32, #tpu.memory_space<vmem_shared>>
        tpu.wait_indirect_dma semaphore(%run_scoped3A_316 : memref<!tpu.dma_semaphore, #tpu.memory_space<semaphore_mem>>) src(%arg7 : memref<80x128xf32, #tpu.memory_space<vmem>>) dst(%dma_wait3A_328 : memref<10240x128xf32, #tpu.memory_space<vmem_shared>>)
        tpu.yield
      }) : () -> ()
      %add3A_297 = arith.constant 2 : i32
      %add3A_298 = arith.addi %mul3A_291, %add3A_297 : i32
      %lt3A = arith.constant 125 : i32
      %lt3A_299 = arith.cmpi slt, %add3A_298, %lt3A : i32
      %convert_element_type3A = arith.extui %lt3A_299 : i1 to i32
      %cond3A = arith.constant 0 : i32
      %cond3A_300 = arith.cmpi ne, %convert_element_type3A, %cond3A : i32
      scf.if %cond3A_300 {
        %add3A_316 = arith.constant 2 : i32
        %add3A_317 = arith.addi %mul3A_291, %add3A_316 : i32
        %mul3A_318 = arith.constant 80 : i32
        %mul3A_319 = arith.muli %add3A_317, %mul3A_318 : i32
        %dma_start3A_320 = tpu.memref_slice %arg5[%mul3A_319] : memref<10000xi32, #tpu.memory_space<vmem>> -> memref<80xi32, #tpu.memory_space<vmem>>
        %dma_start3A_321 = arith.constant 0 : i32
        %dma_start3A_322 = arith.constant 0 : i32
        %dma_start3A_323 = tpu.memref_slice %arg2[%dma_start3A_321, %dma_start3A_322] : memref<10240x128xf32, #tpu.memory_space<hbm>> -> memref<10240x128xf32, #tpu.memory_space<hbm>>
        tpu.enqueue_indirect_dma source(%dma_start3A_323 : memref<10240x128xf32, #tpu.memory_space<hbm>>) target(%arg7 : memref<80x128xf32, #tpu.memory_space<vmem>>) offsets(%dma_start3A_320 : memref<80xi32, #tpu.memory_space<vmem>>) semaphore(%arg9 : memref<!tpu.dma_semaphore, #tpu.memory_space<semaphore_mem>>)
      } else {
      }
      %add3A_301 = arith.constant 1 : i32
      %add3A_302 = arith.addi %mul3A_291, %add3A_301 : i32
      %dma_wait3A_303 = arith.constant 0 : i32
      %dma_wait3A_304 = tpu.memref_slice %arg5[%dma_wait3A_303] : memref<10000xi32, #tpu.memory_space<vmem>> -> memref<80xi32, #tpu.memory_space<vmem>>
      %dma_wait3A_305 = arith.constant 0 : i32
      %dma_wait3A_306 = arith.constant 0 : i32
      %dma_wait3A_307 = tpu.memref_slice %arg2[%dma_wait3A_305, %dma_wait3A_306] : memref<10240x128xf32, #tpu.memory_space<hbm>> -> memref<10240x128xf32, #tpu.memory_space<hbm>>
      tpu.wait_indirect_dma semaphore(%arg10 : memref<!tpu.dma_semaphore, #tpu.memory_space<semaphore_mem>>) src(%dma_wait3A_307 : memref<10240x128xf32, #tpu.memory_space<hbm>>) dst(%arg8 : memref<80x128xf32, #tpu.memory_space<vmem>>)
      "tpu.region"() ({
        %run_scoped3A_316 = tpu.sem_alloc : memref<!tpu.dma_semaphore, #tpu.memory_space<semaphore_mem>>
        %dma_start3A_317 = arith.constant 0 : i32
        %dma_start3A_318 = tpu.memref_slice %arg6[%add3A_302, %dma_start3A_317] : memref<125x80xi32, #tpu.memory_space<vmem>> -> memref<1x80xi32, #tpu.memory_space<vmem>>
        %dma_start3A_319 = tpu.memref_squeeze %dma_start3A_318 : memref<1x80xi32, #tpu.memory_space<vmem>> -> memref<80xi32, #tpu.memory_space<vmem>>
        %dma_start3A_320 = arith.constant 0 : i32
        %dma_start3A_321 = arith.constant 0 : i32
        %dma_start3A_322 = tpu.memref_slice %arg12[%dma_start3A_320, %dma_start3A_321] : memref<10240x128xf32, #tpu.memory_space<vmem_shared>> -> memref<10240x128xf32, #tpu.memory_space<vmem_shared>>
        tpu.enqueue_indirect_dma source(%arg8 : memref<80x128xf32, #tpu.memory_space<vmem>>) target(%dma_start3A_322 : memref<10240x128xf32, #tpu.memory_space<vmem_shared>>) offsets(%dma_start3A_319 : memref<80xi32, #tpu.memory_space<vmem>>) semaphore(%run_scoped3A_316 : memref<!tpu.dma_semaphore, #tpu.memory_space<semaphore_mem>>) {add = true}
        %dma_wait3A_323 = arith.constant 0 : i32
        %dma_wait3A_324 = tpu.memref_slice %arg6[%add3A_302, %dma_wait3A_323] : memref<125x80xi32, #tpu.memory_space<vmem>> -> memref<1x80xi32, #tpu.memory_space<vmem>>
        %dma_wait3A_325 = tpu.memref_squeeze %dma_wait3A_324 : memref<1x80xi32, #tpu.memory_space<vmem>> -> memref<80xi32, #tpu.memory_space<vmem>>
        %dma_wait3A_326 = arith.constant 0 : i32
        %dma_wait3A_327 = arith.constant 0 : i32
        %dma_wait3A_328 = tpu.memref_slice %arg12[%dma_wait3A_326, %dma_wait3A_327] : memref<10240x128xf32, #tpu.memory_space<vmem_shared>> -> memref<10240x128xf32, #tpu.memory_space<vmem_shared>>
        tpu.wait_indirect_dma semaphore(%run_scoped3A_316 : memref<!tpu.dma_semaphore, #tpu.memory_space<semaphore_mem>>) src(%arg8 : memref<80x128xf32, #tpu.memory_space<vmem>>) dst(%dma_wait3A_328 : memref<10240x128xf32, #tpu.memory_space<vmem_shared>>)
        tpu.yield
      }) : () -> ()
      %add3A_308 = arith.constant 3 : i32
      %add3A_309 = arith.addi %mul3A_291, %add3A_308 : i32
      %lt3A_310 = arith.constant 125 : i32
      %lt3A_311 = arith.cmpi slt, %add3A_309, %lt3A_310 : i32
      %convert_element_type3A_312 = arith.extui %lt3A_311 : i1 to i32
      %cond3A_313 = arith.constant 0 : i32
      %cond3A_314 = arith.cmpi ne, %convert_element_type3A_312, %cond3A_313 : i32
      scf.if %cond3A_314 {
        %add3A_316 = arith.constant 3 : i32
        %add3A_317 = arith.addi %mul3A_291, %add3A_316 : i32
        %mul3A_318 = arith.constant 80 : i32
        %mul3A_319 = arith.muli %add3A_317, %mul3A_318 : i32
        %dma_start3A_320 = tpu.memref_slice %arg5[%mul3A_319] : memref<10000xi32, #tpu.memory_space<vmem>> -> memref<80xi32, #tpu.memory_space<vmem>>
        %dma_start3A_321 = arith.constant 0 : i32
        %dma_start3A_322 = arith.constant 0 : i32
        %dma_start3A_323 = tpu.memref_slice %arg2[%dma_start3A_321, %dma_start3A_322] : memref<10240x128xf32, #tpu.memory_space<hbm>> -> memref<10240x128xf32, #tpu.memory_space<hbm>>
        tpu.enqueue_indirect_dma source(%dma_start3A_323 : memref<10240x128xf32, #tpu.memory_space<hbm>>) target(%arg8 : memref<80x128xf32, #tpu.memory_space<vmem>>) offsets(%dma_start3A_320 : memref<80xi32, #tpu.memory_space<vmem>>) semaphore(%arg10 : memref<!tpu.dma_semaphore, #tpu.memory_space<semaphore_mem>>)
      } else {
      }
      %scan3A_315 = arith.constant 0 : i32
      scf.yield %scan3A_315 : i32
    }
    %scan3A_149 = arith.constant 62 : i32
    %dma_wait3A_150 = arith.constant 0 : i32
    %dma_wait3A_151 = tpu.memref_slice %arg5[%dma_wait3A_150] : memref<10000xi32, #tpu.memory_space<vmem>> -> memref<80xi32, #tpu.memory_space<vmem>>
    %dma_wait3A_152 = arith.constant 0 : i32
    %dma_wait3A_153 = arith.constant 0 : i32
    %dma_wait3A_154 = tpu.memref_slice %arg2[%dma_wait3A_152, %dma_wait3A_153] : memref<10240x128xf32, #tpu.memory_space<hbm>> -> memref<10240x128xf32, #tpu.memory_space<hbm>>
    tpu.wait_indirect_dma semaphore(%arg9 : memref<!tpu.dma_semaphore, #tpu.memory_space<semaphore_mem>>) src(%dma_wait3A_154 : memref<10240x128xf32, #tpu.memory_space<hbm>>) dst(%arg7 : memref<80x128xf32, #tpu.memory_space<vmem>>)
    %run_scoped3A = arith.constant 124 : i32
    "tpu.region"() ({
      %run_scoped3A_288 = tpu.sem_alloc : memref<!tpu.dma_semaphore, #tpu.memory_space<semaphore_mem>>
      %dma_start3A_289 = arith.constant 0 : i32
      %dma_start3A_290 = tpu.memref_slice %arg6[%run_scoped3A, %dma_start3A_289] : memref<125x80xi32, #tpu.memory_space<vmem>> -> memref<1x80xi32, #tpu.memory_space<vmem>>
      %dma_start3A_291 = tpu.memref_squeeze %dma_start3A_290 : memref<1x80xi32, #tpu.memory_space<vmem>> -> memref<80xi32, #tpu.memory_space<vmem>>
      %dma_start3A_292 = arith.constant 0 : i32
      %dma_start3A_293 = arith.constant 0 : i32
      %dma_start3A_294 = tpu.memref_slice %arg12[%dma_start3A_292, %dma_start3A_293] : memref<10240x128xf32, #tpu.memory_space<vmem_shared>> -> memref<10240x128xf32, #tpu.memory_space<vmem_shared>>
      tpu.enqueue_indirect_dma source(%arg7 : memref<80x128xf32, #tpu.memory_space<vmem>>) target(%dma_start3A_294 : memref<10240x128xf32, #tpu.memory_space<vmem_shared>>) offsets(%dma_start3A_291 : memref<80xi32, #tpu.memory_space<vmem>>) semaphore(%run_scoped3A_288 : memref<!tpu.dma_semaphore, #tpu.memory_space<semaphore_mem>>) {add = true}
      %dma_wait3A_295 = arith.constant 0 : i32
      %dma_wait3A_296 = tpu.memref_slice %arg6[%run_scoped3A, %dma_wait3A_295] : memref<125x80xi32, #tpu.memory_space<vmem>> -> memref<1x80xi32, #tpu.memory_space<vmem>>
      %dma_wait3A_297 = tpu.memref_squeeze %dma_wait3A_296 : memref<1x80xi32, #tpu.memory_space<vmem>> -> memref<80xi32, #tpu.memory_space<vmem>>
      %dma_wait3A_298 = arith.constant 0 : i32
      %dma_wait3A_299 = arith.constant 0 : i32
      %dma_wait3A_300 = tpu.memref_slice %arg12[%dma_wait3A_298, %dma_wait3A_299] : memref<10240x128xf32, #tpu.memory_space<vmem_shared>> -> memref<10240x128xf32, #tpu.memory_space<vmem_shared>>
      tpu.wait_indirect_dma semaphore(%run_scoped3A_288 : memref<!tpu.dma_semaphore, #tpu.memory_space<semaphore_mem>>) src(%arg7 : memref<80x128xf32, #tpu.memory_space<vmem>>) dst(%dma_wait3A_300 : memref<10240x128xf32, #tpu.memory_space<vmem_shared>>)
      tpu.yield
    }) : () -> ()
    %barrier3A_155 = arith.constant 0 : index
    tpu.barrier barrier_id(%barrier3A_155)
    %mul3A_156 = arith.constant 640 : i32
    %mul3A_157 = arith.muli %arg1, %mul3A_156 : i32
    %add3A_158 = arith.constant 0 : i32
    %add3A_159 = arith.addi %mul3A_157, %add3A_158 : i32
    "tpu.region"() ({
      %run_scoped3A_288 = tpu.sem_alloc : memref<!tpu.dma_semaphore, #tpu.memory_space<semaphore_mem>>
      %dma_start3A_289 = arith.constant 0 : i32
      %dma_start3A_290 = tpu.memref_slice %arg12[%add3A_159, %dma_start3A_289] : memref<10240x128xf32, #tpu.memory_space<vmem_shared>> -> memref<80x128xf32, #tpu.memory_space<vmem_shared>>
      %dma_start3A_291 = arith.constant 0 : i32
      %dma_start3A_292 = tpu.memref_slice %arg12[%add3A_159, %dma_start3A_291] : memref<10240x128xf32, #tpu.memory_space<vmem_shared>> -> memref<80x128xf32, #tpu.memory_space<vmem_shared>>
      tpu.enqueue_dma source(%dma_start3A_292 : memref<80x128xf32, #tpu.memory_space<vmem_shared>>) target(%arg7 : memref<80x128xf32, #tpu.memory_space<vmem>>) target_semaphore(%run_scoped3A_288 : memref<!tpu.dma_semaphore, #tpu.memory_space<semaphore_mem>>)
      %dma_wait3A_293 = arith.constant 0 : i32
      %dma_wait3A_294 = tpu.memref_slice %arg12[%add3A_159, %dma_wait3A_293] : memref<10240x128xf32, #tpu.memory_space<vmem_shared>> -> memref<80x128xf32, #tpu.memory_space<vmem_shared>>
      %dma_wait3A_295 = arith.constant 0 : i32
      %dma_wait3A_296 = tpu.memref_slice %arg12[%add3A_159, %dma_wait3A_295] : memref<10240x128xf32, #tpu.memory_space<vmem_shared>> -> memref<80x128xf32, #tpu.memory_space<vmem_shared>>
      tpu.wait_dma2 semaphore(%run_scoped3A_288 : memref<!tpu.dma_semaphore, #tpu.memory_space<semaphore_mem>>) src(%dma_wait3A_296 : memref<80x128xf32, #tpu.memory_space<vmem_shared>>) dst(%arg7 : memref<80x128xf32, #tpu.memory_space<vmem>>)
      tpu.yield
    }) : () -> ()
    %dma_start3A_160 = arith.constant 0 : i32
    %dma_start3A_161 = tpu.memref_slice %arg4[%arg0, %add3A_159, %dma_start3A_160] : memref<2x10240x128xf32, #tpu.memory_space<hbm>> -> memref<1x80x128xf32, #tpu.memory_space<hbm>>
    %dma_start3A_162 = tpu.memref_squeeze %dma_start3A_161 : memref<1x80x128xf32, #tpu.memory_space<hbm>> -> memref<80x128xf32, #tpu.memory_space<hbm>>
    %dma_start3A_163 = arith.constant 0 : i32
    %dma_start3A_164 = tpu.memref_slice %arg4[%arg0, %add3A_159, %dma_start3A_163] : memref<2x10240x128xf32, #tpu.memory_space<hbm>> -> memref<1x80x128xf32, #tpu.memory_space<hbm>>
    %dma_start3A_165 = tpu.memref_squeeze %dma_start3A_164 : memref<1x80x128xf32, #tpu.memory_space<hbm>> -> memref<80x128xf32, #tpu.memory_space<hbm>>
    tpu.enqueue_dma source(%arg7 : memref<80x128xf32, #tpu.memory_space<vmem>>) target(%dma_start3A_165 : memref<80x128xf32, #tpu.memory_space<hbm>>) target_semaphore(%arg9 : memref<!tpu.dma_semaphore, #tpu.memory_space<semaphore_mem>>)
    %mul3A_166 = arith.constant 640 : i32
    %mul3A_167 = arith.muli %arg1, %mul3A_166 : i32
    %add3A_168 = arith.constant 80 : i32
    %add3A_169 = arith.addi %mul3A_167, %add3A_168 : i32
    "tpu.region"() ({
      %run_scoped3A_288 = tpu.sem_alloc : memref<!tpu.dma_semaphore, #tpu.memory_space<semaphore_mem>>
      %dma_start3A_289 = arith.constant 0 : i32
      %dma_start3A_290 = tpu.memref_slice %arg12[%add3A_169, %dma_start3A_289] : memref<10240x128xf32, #tpu.memory_space<vmem_shared>> -> memref<80x128xf32, #tpu.memory_space<vmem_shared>>
      %dma_start3A_291 = arith.constant 0 : i32
      %dma_start3A_292 = tpu.memref_slice %arg12[%add3A_169, %dma_start3A_291] : memref<10240x128xf32, #tpu.memory_space<vmem_shared>> -> memref<80x128xf32, #tpu.memory_space<vmem_shared>>
      tpu.enqueue_dma source(%dma_start3A_292 : memref<80x128xf32, #tpu.memory_space<vmem_shared>>) target(%arg8 : memref<80x128xf32, #tpu.memory_space<vmem>>) target_semaphore(%run_scoped3A_288 : memref<!tpu.dma_semaphore, #tpu.memory_space<semaphore_mem>>)
      %dma_wait3A_293 = arith.constant 0 : i32
      %dma_wait3A_294 = tpu.memref_slice %arg12[%add3A_169, %dma_wait3A_293] : memref<10240x128xf32, #tpu.memory_space<vmem_shared>> -> memref<80x128xf32, #tpu.memory_space<vmem_shared>>
      %dma_wait3A_295 = arith.constant 0 : i32
      %dma_wait3A_296 = tpu.memref_slice %arg12[%add3A_169, %dma_wait3A_295] : memref<10240x128xf32, #tpu.memory_space<vmem_shared>> -> memref<80x128xf32, #tpu.memory_space<vmem_shared>>
      tpu.wait_dma2 semaphore(%run_scoped3A_288 : memref<!tpu.dma_semaphore, #tpu.memory_space<semaphore_mem>>) src(%dma_wait3A_296 : memref<80x128xf32, #tpu.memory_space<vmem_shared>>) dst(%arg8 : memref<80x128xf32, #tpu.memory_space<vmem>>)
      tpu.yield
    }) : () -> ()
    %dma_start3A_170 = arith.constant 0 : i32
    %dma_start3A_171 = tpu.memref_slice %arg4[%arg0, %add3A_169, %dma_start3A_170] : memref<2x10240x128xf32, #tpu.memory_space<hbm>> -> memref<1x80x128xf32, #tpu.memory_space<hbm>>
    %dma_start3A_172 = tpu.memref_squeeze %dma_start3A_171 : memref<1x80x128xf32, #tpu.memory_space<hbm>> -> memref<80x128xf32, #tpu.memory_space<hbm>>
    %dma_start3A_173 = arith.constant 0 : i32
    %dma_start3A_174 = tpu.memref_slice %arg4[%arg0, %add3A_169, %dma_start3A_173] : memref<2x10240x128xf32, #tpu.memory_space<hbm>> -> memref<1x80x128xf32, #tpu.memory_space<hbm>>
    %dma_start3A_175 = tpu.memref_squeeze %dma_start3A_174 : memref<1x80x128xf32, #tpu.memory_space<hbm>> -> memref<80x128xf32, #tpu.memory_space<hbm>>
    tpu.enqueue_dma source(%arg8 : memref<80x128xf32, #tpu.memory_space<vmem>>) target(%dma_start3A_175 : memref<80x128xf32, #tpu.memory_space<hbm>>) target_semaphore(%arg10 : memref<!tpu.dma_semaphore, #tpu.memory_space<semaphore_mem>>)
    %mul3A_176 = arith.constant 640 : i32
    %mul3A_177 = arith.muli %arg1, %mul3A_176 : i32
    %add3A_178 = arith.constant 160 : i32
    %add3A_179 = arith.addi %mul3A_177, %add3A_178 : i32
    %dma_wait3A_180 = arith.constant 0 : i32
    %dma_wait3A_181 = tpu.memref_slice %arg4[%arg0, %add3A_179, %dma_wait3A_180] : memref<2x10240x128xf32, #tpu.memory_space<hbm>> -> memref<1x80x128xf32, #tpu.memory_space<hbm>>
    %dma_wait3A_182 = tpu.memref_squeeze %dma_wait3A_181 : memref<1x80x128xf32, #tpu.memory_space<hbm>> -> memref<80x128xf32, #tpu.memory_space<hbm>>
    %dma_wait3A_183 = arith.constant 0 : i32
    %dma_wait3A_184 = tpu.memref_slice %arg4[%arg0, %add3A_179, %dma_wait3A_183] : memref<2x10240x128xf32, #tpu.memory_space<hbm>> -> memref<1x80x128xf32, #tpu.memory_space<hbm>>
    %dma_wait3A_185 = tpu.memref_squeeze %dma_wait3A_184 : memref<1x80x128xf32, #tpu.memory_space<hbm>> -> memref<80x128xf32, #tpu.memory_space<hbm>>
    tpu.wait_dma2 semaphore(%arg9 : memref<!tpu.dma_semaphore, #tpu.memory_space<semaphore_mem>>) src(%arg7 : memref<80x128xf32, #tpu.memory_space<vmem>>) dst(%dma_wait3A_185 : memref<80x128xf32, #tpu.memory_space<hbm>>)
    "tpu.region"() ({
      %run_scoped3A_288 = tpu.sem_alloc : memref<!tpu.dma_semaphore, #tpu.memory_space<semaphore_mem>>
      %dma_start3A_289 = arith.constant 0 : i32
      %dma_start3A_290 = tpu.memref_slice %arg12[%add3A_179, %dma_start3A_289] : memref<10240x128xf32, #tpu.memory_space<vmem_shared>> -> memref<80x128xf32, #tpu.memory_space<vmem_shared>>
      %dma_start3A_291 = arith.constant 0 : i32
      %dma_start3A_292 = tpu.memref_slice %arg12[%add3A_179, %dma_start3A_291] : memref<10240x128xf32, #tpu.memory_space<vmem_shared>> -> memref<80x128xf32, #tpu.memory_space<vmem_shared>>
      tpu.enqueue_dma source(%dma_start3A_292 : memref<80x128xf32, #tpu.memory_space<vmem_shared>>) target(%arg7 : memref<80x128xf32, #tpu.memory_space<vmem>>) target_semaphore(%run_scoped3A_288 : memref<!tpu.dma_semaphore, #tpu.memory_space<semaphore_mem>>)
      %dma_wait3A_293 = arith.constant 0 : i32
      %dma_wait3A_294 = tpu.memref_slice %arg12[%add3A_179, %dma_wait3A_293] : memref<10240x128xf32, #tpu.memory_space<vmem_shared>> -> memref<80x128xf32, #tpu.memory_space<vmem_shared>>
      %dma_wait3A_295 = arith.constant 0 : i32
      %dma_wait3A_296 = tpu.memref_slice %arg12[%add3A_179, %dma_wait3A_295] : memref<10240x128xf32, #tpu.memory_space<vmem_shared>> -> memref<80x128xf32, #tpu.memory_space<vmem_shared>>
      tpu.wait_dma2 semaphore(%run_scoped3A_288 : memref<!tpu.dma_semaphore, #tpu.memory_space<semaphore_mem>>) src(%dma_wait3A_296 : memref<80x128xf32, #tpu.memory_space<vmem_shared>>) dst(%arg7 : memref<80x128xf32, #tpu.memory_space<vmem>>)
      tpu.yield
    }) : () -> ()
    %dma_start3A_186 = arith.constant 0 : i32
    %dma_start3A_187 = tpu.memref_slice %arg4[%arg0, %add3A_179, %dma_start3A_186] : memref<2x10240x128xf32, #tpu.memory_space<hbm>> -> memref<1x80x128xf32, #tpu.memory_space<hbm>>
    %dma_start3A_188 = tpu.memref_squeeze %dma_start3A_187 : memref<1x80x128xf32, #tpu.memory_space<hbm>> -> memref<80x128xf32, #tpu.memory_space<hbm>>
    %dma_start3A_189 = arith.constant 0 : i32
    %dma_start3A_190 = tpu.memref_slice %arg4[%arg0, %add3A_179, %dma_start3A_189] : memref<2x10240x128xf32, #tpu.memory_space<hbm>> -> memref<1x80x128xf32, #tpu.memory_space<hbm>>
    %dma_start3A_191 = tpu.memref_squeeze %dma_start3A_190 : memref<1x80x128xf32, #tpu.memory_space<hbm>> -> memref<80x128xf32, #tpu.memory_space<hbm>>
    tpu.enqueue_dma source(%arg7 : memref<80x128xf32, #tpu.memory_space<vmem>>) target(%dma_start3A_191 : memref<80x128xf32, #tpu.memory_space<hbm>>) target_semaphore(%arg9 : memref<!tpu.dma_semaphore, #tpu.memory_space<semaphore_mem>>)
    %mul3A_192 = arith.constant 640 : i32
    %mul3A_193 = arith.muli %arg1, %mul3A_192 : i32
    %add3A_194 = arith.constant 240 : i32
    %add3A_195 = arith.addi %mul3A_193, %add3A_194 : i32
    %dma_wait3A_196 = arith.constant 0 : i32
    %dma_wait3A_197 = tpu.memref_slice %arg4[%arg0, %add3A_195, %dma_wait3A_196] : memref<2x10240x128xf32, #tpu.memory_space<hbm>> -> memref<1x80x128xf32, #tpu.memory_space<hbm>>
    %dma_wait3A_198 = tpu.memref_squeeze %dma_wait3A_197 : memref<1x80x128xf32, #tpu.memory_space<hbm>> -> memref<80x128xf32, #tpu.memory_space<hbm>>
    %dma_wait3A_199 = arith.constant 0 : i32
    %dma_wait3A_200 = tpu.memref_slice %arg4[%arg0, %add3A_195, %dma_wait3A_199] : memref<2x10240x128xf32, #tpu.memory_space<hbm>> -> memref<1x80x128xf32, #tpu.memory_space<hbm>>
    %dma_wait3A_201 = tpu.memref_squeeze %dma_wait3A_200 : memref<1x80x128xf32, #tpu.memory_space<hbm>> -> memref<80x128xf32, #tpu.memory_space<hbm>>
    tpu.wait_dma2 semaphore(%arg10 : memref<!tpu.dma_semaphore, #tpu.memory_space<semaphore_mem>>) src(%arg8 : memref<80x128xf32, #tpu.memory_space<vmem>>) dst(%dma_wait3A_201 : memref<80x128xf32, #tpu.memory_space<hbm>>)
    "tpu.region"() ({
      %run_scoped3A_288 = tpu.sem_alloc : memref<!tpu.dma_semaphore, #tpu.memory_space<semaphore_mem>>
      %dma_start3A_289 = arith.constant 0 : i32
      %dma_start3A_290 = tpu.memref_slice %arg12[%add3A_195, %dma_start3A_289] : memref<10240x128xf32, #tpu.memory_space<vmem_shared>> -> memref<80x128xf32, #tpu.memory_space<vmem_shared>>
      %dma_start3A_291 = arith.constant 0 : i32
      %dma_start3A_292 = tpu.memref_slice %arg12[%add3A_195, %dma_start3A_291] : memref<10240x128xf32, #tpu.memory_space<vmem_shared>> -> memref<80x128xf32, #tpu.memory_space<vmem_shared>>
      tpu.enqueue_dma source(%dma_start3A_292 : memref<80x128xf32, #tpu.memory_space<vmem_shared>>) target(%arg8 : memref<80x128xf32, #tpu.memory_space<vmem>>) target_semaphore(%run_scoped3A_288 : memref<!tpu.dma_semaphore, #tpu.memory_space<semaphore_mem>>)
      %dma_wait3A_293 = arith.constant 0 : i32
      %dma_wait3A_294 = tpu.memref_slice %arg12[%add3A_195, %dma_wait3A_293] : memref<10240x128xf32, #tpu.memory_space<vmem_shared>> -> memref<80x128xf32, #tpu.memory_space<vmem_shared>>
      %dma_wait3A_295 = arith.constant 0 : i32
      %dma_wait3A_296 = tpu.memref_slice %arg12[%add3A_195, %dma_wait3A_295] : memref<10240x128xf32, #tpu.memory_space<vmem_shared>> -> memref<80x128xf32, #tpu.memory_space<vmem_shared>>
      tpu.wait_dma2 semaphore(%run_scoped3A_288 : memref<!tpu.dma_semaphore, #tpu.memory_space<semaphore_mem>>) src(%dma_wait3A_296 : memref<80x128xf32, #tpu.memory_space<vmem_shared>>) dst(%arg8 : memref<80x128xf32, #tpu.memory_space<vmem>>)
      tpu.yield
    }) : () -> ()
    %dma_start3A_202 = arith.constant 0 : i32
    %dma_start3A_203 = tpu.memref_slice %arg4[%arg0, %add3A_195, %dma_start3A_202] : memref<2x10240x128xf32, #tpu.memory_space<hbm>> -> memref<1x80x128xf32, #tpu.memory_space<hbm>>
    %dma_start3A_204 = tpu.memref_squeeze %dma_start3A_203 : memref<1x80x128xf32, #tpu.memory_space<hbm>> -> memref<80x128xf32, #tpu.memory_space<hbm>>
    %dma_start3A_205 = arith.constant 0 : i32
    %dma_start3A_206 = tpu.memref_slice %arg4[%arg0, %add3A_195, %dma_start3A_205] : memref<2x10240x128xf32, #tpu.memory_space<hbm>> -> memref<1x80x128xf32, #tpu.memory_space<hbm>>
    %dma_start3A_207 = tpu.memref_squeeze %dma_start3A_206 : memref<1x80x128xf32, #tpu.memory_space<hbm>> -> memref<80x128xf32, #tpu.memory_space<hbm>>
    tpu.enqueue_dma source(%arg8 : memref<80x128xf32, #tpu.memory_space<vmem>>) target(%dma_start3A_207 : memref<80x128xf32, #tpu.memory_space<hbm>>) target_semaphore(%arg10 : memref<!tpu.dma_semaphore, #tpu.memory_space<semaphore_mem>>)
    %mul3A_208 = arith.constant 640 : i32
    %mul3A_209 = arith.muli %arg1, %mul3A_208 : i32
    %add3A_210 = arith.constant 320 : i32
    %add3A_211 = arith.addi %mul3A_209, %add3A_210 : i32
    %dma_wait3A_212 = arith.constant 0 : i32
    %dma_wait3A_213 = tpu.memref_slice %arg4[%arg0, %add3A_211, %dma_wait3A_212] : memref<2x10240x128xf32, #tpu.memory_space<hbm>> -> memref<1x80x128xf32, #tpu.memory_space<hbm>>
    %dma_wait3A_214 = tpu.memref_squeeze %dma_wait3A_213 : memref<1x80x128xf32, #tpu.memory_space<hbm>> -> memref<80x128xf32, #tpu.memory_space<hbm>>
    %dma_wait3A_215 = arith.constant 0 : i32
    %dma_wait3A_216 = tpu.memref_slice %arg4[%arg0, %add3A_211, %dma_wait3A_215] : memref<2x10240x128xf32, #tpu.memory_space<hbm>> -> memref<1x80x128xf32, #tpu.memory_space<hbm>>
    %dma_wait3A_217 = tpu.memref_squeeze %dma_wait3A_216 : memref<1x80x128xf32, #tpu.memory_space<hbm>> -> memref<80x128xf32, #tpu.memory_space<hbm>>
    tpu.wait_dma2 semaphore(%arg9 : memref<!tpu.dma_semaphore, #tpu.memory_space<semaphore_mem>>) src(%arg7 : memref<80x128xf32, #tpu.memory_space<vmem>>) dst(%dma_wait3A_217 : memref<80x128xf32, #tpu.memory_space<hbm>>)
    "tpu.region"() ({
      %run_scoped3A_288 = tpu.sem_alloc : memref<!tpu.dma_semaphore, #tpu.memory_space<semaphore_mem>>
      %dma_start3A_289 = arith.constant 0 : i32
      %dma_start3A_290 = tpu.memref_slice %arg12[%add3A_211, %dma_start3A_289] : memref<10240x128xf32, #tpu.memory_space<vmem_shared>> -> memref<80x128xf32, #tpu.memory_space<vmem_shared>>
      %dma_start3A_291 = arith.constant 0 : i32
      %dma_start3A_292 = tpu.memref_slice %arg12[%add3A_211, %dma_start3A_291] : memref<10240x128xf32, #tpu.memory_space<vmem_shared>> -> memref<80x128xf32, #tpu.memory_space<vmem_shared>>
      tpu.enqueue_dma source(%dma_start3A_292 : memref<80x128xf32, #tpu.memory_space<vmem_shared>>) target(%arg7 : memref<80x128xf32, #tpu.memory_space<vmem>>) target_semaphore(%run_scoped3A_288 : memref<!tpu.dma_semaphore, #tpu.memory_space<semaphore_mem>>)
      %dma_wait3A_293 = arith.constant 0 : i32
      %dma_wait3A_294 = tpu.memref_slice %arg12[%add3A_211, %dma_wait3A_293] : memref<10240x128xf32, #tpu.memory_space<vmem_shared>> -> memref<80x128xf32, #tpu.memory_space<vmem_shared>>
      %dma_wait3A_295 = arith.constant 0 : i32
      %dma_wait3A_296 = tpu.memref_slice %arg12[%add3A_211, %dma_wait3A_295] : memref<10240x128xf32, #tpu.memory_space<vmem_shared>> -> memref<80x128xf32, #tpu.memory_space<vmem_shared>>
      tpu.wait_dma2 semaphore(%run_scoped3A_288 : memref<!tpu.dma_semaphore, #tpu.memory_space<semaphore_mem>>) src(%dma_wait3A_296 : memref<80x128xf32, #tpu.memory_space<vmem_shared>>) dst(%arg7 : memref<80x128xf32, #tpu.memory_space<vmem>>)
      tpu.yield
    }) : () -> ()
    %dma_start3A_218 = arith.constant 0 : i32
    %dma_start3A_219 = tpu.memref_slice %arg4[%arg0, %add3A_211, %dma_start3A_218] : memref<2x10240x128xf32, #tpu.memory_space<hbm>> -> memref<1x80x128xf32, #tpu.memory_space<hbm>>
    %dma_start3A_220 = tpu.memref_squeeze %dma_start3A_219 : memref<1x80x128xf32, #tpu.memory_space<hbm>> -> memref<80x128xf32, #tpu.memory_space<hbm>>
    %dma_start3A_221 = arith.constant 0 : i32
    %dma_start3A_222 = tpu.memref_slice %arg4[%arg0, %add3A_211, %dma_start3A_221] : memref<2x10240x128xf32, #tpu.memory_space<hbm>> -> memref<1x80x128xf32, #tpu.memory_space<hbm>>
    %dma_start3A_223 = tpu.memref_squeeze %dma_start3A_222 : memref<1x80x128xf32, #tpu.memory_space<hbm>> -> memref<80x128xf32, #tpu.memory_space<hbm>>
    tpu.enqueue_dma source(%arg7 : memref<80x128xf32, #tpu.memory_space<vmem>>) target(%dma_start3A_223 : memref<80x128xf32, #tpu.memory_space<hbm>>) target_semaphore(%arg9 : memref<!tpu.dma_semaphore, #tpu.memory_space<semaphore_mem>>)
    %mul3A_224 = arith.constant 640 : i32
    %mul3A_225 = arith.muli %arg1, %mul3A_224 : i32
    %add3A_226 = arith.constant 400 : i32
    %add3A_227 = arith.addi %mul3A_225, %add3A_226 : i32
    %dma_wait3A_228 = arith.constant 0 : i32
    %dma_wait3A_229 = tpu.memref_slice %arg4[%arg0, %add3A_227, %dma_wait3A_228] : memref<2x10240x128xf32, #tpu.memory_space<hbm>> -> memref<1x80x128xf32, #tpu.memory_space<hbm>>
    %dma_wait3A_230 = tpu.memref_squeeze %dma_wait3A_229 : memref<1x80x128xf32, #tpu.memory_space<hbm>> -> memref<80x128xf32, #tpu.memory_space<hbm>>
    %dma_wait3A_231 = arith.constant 0 : i32
    %dma_wait3A_232 = tpu.memref_slice %arg4[%arg0, %add3A_227, %dma_wait3A_231] : memref<2x10240x128xf32, #tpu.memory_space<hbm>> -> memref<1x80x128xf32, #tpu.memory_space<hbm>>
    %dma_wait3A_233 = tpu.memref_squeeze %dma_wait3A_232 : memref<1x80x128xf32, #tpu.memory_space<hbm>> -> memref<80x128xf32, #tpu.memory_space<hbm>>
    tpu.wait_dma2 semaphore(%arg10 : memref<!tpu.dma_semaphore, #tpu.memory_space<semaphore_mem>>) src(%arg8 : memref<80x128xf32, #tpu.memory_space<vmem>>) dst(%dma_wait3A_233 : memref<80x128xf32, #tpu.memory_space<hbm>>)
    "tpu.region"() ({
      %run_scoped3A_288 = tpu.sem_alloc : memref<!tpu.dma_semaphore, #tpu.memory_space<semaphore_mem>>
      %dma_start3A_289 = arith.constant 0 : i32
      %dma_start3A_290 = tpu.memref_slice %arg12[%add3A_227, %dma_start3A_289] : memref<10240x128xf32, #tpu.memory_space<vmem_shared>> -> memref<80x128xf32, #tpu.memory_space<vmem_shared>>
      %dma_start3A_291 = arith.constant 0 : i32
      %dma_start3A_292 = tpu.memref_slice %arg12[%add3A_227, %dma_start3A_291] : memref<10240x128xf32, #tpu.memory_space<vmem_shared>> -> memref<80x128xf32, #tpu.memory_space<vmem_shared>>
      tpu.enqueue_dma source(%dma_start3A_292 : memref<80x128xf32, #tpu.memory_space<vmem_shared>>) target(%arg8 : memref<80x128xf32, #tpu.memory_space<vmem>>) target_semaphore(%run_scoped3A_288 : memref<!tpu.dma_semaphore, #tpu.memory_space<semaphore_mem>>)
      %dma_wait3A_293 = arith.constant 0 : i32
      %dma_wait3A_294 = tpu.memref_slice %arg12[%add3A_227, %dma_wait3A_293] : memref<10240x128xf32, #tpu.memory_space<vmem_shared>> -> memref<80x128xf32, #tpu.memory_space<vmem_shared>>
      %dma_wait3A_295 = arith.constant 0 : i32
      %dma_wait3A_296 = tpu.memref_slice %arg12[%add3A_227, %dma_wait3A_295] : memref<10240x128xf32, #tpu.memory_space<vmem_shared>> -> memref<80x128xf32, #tpu.memory_space<vmem_shared>>
      tpu.wait_dma2 semaphore(%run_scoped3A_288 : memref<!tpu.dma_semaphore, #tpu.memory_space<semaphore_mem>>) src(%dma_wait3A_296 : memref<80x128xf32, #tpu.memory_space<vmem_shared>>) dst(%arg8 : memref<80x128xf32, #tpu.memory_space<vmem>>)
      tpu.yield
    }) : () -> ()
    %dma_start3A_234 = arith.constant 0 : i32
    %dma_start3A_235 = tpu.memref_slice %arg4[%arg0, %add3A_227, %dma_start3A_234] : memref<2x10240x128xf32, #tpu.memory_space<hbm>> -> memref<1x80x128xf32, #tpu.memory_space<hbm>>
    %dma_start3A_236 = tpu.memref_squeeze %dma_start3A_235 : memref<1x80x128xf32, #tpu.memory_space<hbm>> -> memref<80x128xf32, #tpu.memory_space<hbm>>
    %dma_start3A_237 = arith.constant 0 : i32
    %dma_start3A_238 = tpu.memref_slice %arg4[%arg0, %add3A_227, %dma_start3A_237] : memref<2x10240x128xf32, #tpu.memory_space<hbm>> -> memref<1x80x128xf32, #tpu.memory_space<hbm>>
    %dma_start3A_239 = tpu.memref_squeeze %dma_start3A_238 : memref<1x80x128xf32, #tpu.memory_space<hbm>> -> memref<80x128xf32, #tpu.memory_space<hbm>>
    tpu.enqueue_dma source(%arg8 : memref<80x128xf32, #tpu.memory_space<vmem>>) target(%dma_start3A_239 : memref<80x128xf32, #tpu.memory_space<hbm>>) target_semaphore(%arg10 : memref<!tpu.dma_semaphore, #tpu.memory_space<semaphore_mem>>)
    %mul3A_240 = arith.constant 640 : i32
    %mul3A_241 = arith.muli %arg1, %mul3A_240 : i32
    %add3A_242 = arith.constant 480 : i32
    %add3A_243 = arith.addi %mul3A_241, %add3A_242 : i32
    %dma_wait3A_244 = arith.constant 0 : i32
    %dma_wait3A_245 = tpu.memref_slice %arg4[%arg0, %add3A_243, %dma_wait3A_244] : memref<2x10240x128xf32, #tpu.memory_space<hbm>> -> memref<1x80x128xf32, #tpu.memory_space<hbm>>
    %dma_wait3A_246 = tpu.memref_squeeze %dma_wait3A_245 : memref<1x80x128xf32, #tpu.memory_space<hbm>> -> memref<80x128xf32, #tpu.memory_space<hbm>>
    %dma_wait3A_247 = arith.constant 0 : i32
    %dma_wait3A_248 = tpu.memref_slice %arg4[%arg0, %add3A_243, %dma_wait3A_247] : memref<2x10240x128xf32, #tpu.memory_space<hbm>> -> memref<1x80x128xf32, #tpu.memory_space<hbm>>
    %dma_wait3A_249 = tpu.memref_squeeze %dma_wait3A_248 : memref<1x80x128xf32, #tpu.memory_space<hbm>> -> memref<80x128xf32, #tpu.memory_space<hbm>>
    tpu.wait_dma2 semaphore(%arg9 : memref<!tpu.dma_semaphore, #tpu.memory_space<semaphore_mem>>) src(%arg7 : memref<80x128xf32, #tpu.memory_space<vmem>>) dst(%dma_wait3A_249 : memref<80x128xf32, #tpu.memory_space<hbm>>)
    "tpu.region"() ({
      %run_scoped3A_288 = tpu.sem_alloc : memref<!tpu.dma_semaphore, #tpu.memory_space<semaphore_mem>>
      %dma_start3A_289 = arith.constant 0 : i32
      %dma_start3A_290 = tpu.memref_slice %arg12[%add3A_243, %dma_start3A_289] : memref<10240x128xf32, #tpu.memory_space<vmem_shared>> -> memref<80x128xf32, #tpu.memory_space<vmem_shared>>
      %dma_start3A_291 = arith.constant 0 : i32
      %dma_start3A_292 = tpu.memref_slice %arg12[%add3A_243, %dma_start3A_291] : memref<10240x128xf32, #tpu.memory_space<vmem_shared>> -> memref<80x128xf32, #tpu.memory_space<vmem_shared>>
      tpu.enqueue_dma source(%dma_start3A_292 : memref<80x128xf32, #tpu.memory_space<vmem_shared>>) target(%arg7 : memref<80x128xf32, #tpu.memory_space<vmem>>) target_semaphore(%run_scoped3A_288 : memref<!tpu.dma_semaphore, #tpu.memory_space<semaphore_mem>>)
      %dma_wait3A_293 = arith.constant 0 : i32
      %dma_wait3A_294 = tpu.memref_slice %arg12[%add3A_243, %dma_wait3A_293] : memref<10240x128xf32, #tpu.memory_space<vmem_shared>> -> memref<80x128xf32, #tpu.memory_space<vmem_shared>>
      %dma_wait3A_295 = arith.constant 0 : i32
      %dma_wait3A_296 = tpu.memref_slice %arg12[%add3A_243, %dma_wait3A_295] : memref<10240x128xf32, #tpu.memory_space<vmem_shared>> -> memref<80x128xf32, #tpu.memory_space<vmem_shared>>
      tpu.wait_dma2 semaphore(%run_scoped3A_288 : memref<!tpu.dma_semaphore, #tpu.memory_space<semaphore_mem>>) src(%dma_wait3A_296 : memref<80x128xf32, #tpu.memory_space<vmem_shared>>) dst(%arg7 : memref<80x128xf32, #tpu.memory_space<vmem>>)
      tpu.yield
    }) : () -> ()
    %dma_start3A_250 = arith.constant 0 : i32
    %dma_start3A_251 = tpu.memref_slice %arg4[%arg0, %add3A_243, %dma_start3A_250] : memref<2x10240x128xf32, #tpu.memory_space<hbm>> -> memref<1x80x128xf32, #tpu.memory_space<hbm>>
    %dma_start3A_252 = tpu.memref_squeeze %dma_start3A_251 : memref<1x80x128xf32, #tpu.memory_space<hbm>> -> memref<80x128xf32, #tpu.memory_space<hbm>>
    %dma_start3A_253 = arith.constant 0 : i32
    %dma_start3A_254 = tpu.memref_slice %arg4[%arg0, %add3A_243, %dma_start3A_253] : memref<2x10240x128xf32, #tpu.memory_space<hbm>> -> memref<1x80x128xf32, #tpu.memory_space<hbm>>
    %dma_start3A_255 = tpu.memref_squeeze %dma_start3A_254 : memref<1x80x128xf32, #tpu.memory_space<hbm>> -> memref<80x128xf32, #tpu.memory_space<hbm>>
    tpu.enqueue_dma source(%arg7 : memref<80x128xf32, #tpu.memory_space<vmem>>) target(%dma_start3A_255 : memref<80x128xf32, #tpu.memory_space<hbm>>) target_semaphore(%arg9 : memref<!tpu.dma_semaphore, #tpu.memory_space<semaphore_mem>>)
    %mul3A_256 = arith.constant 640 : i32
    %mul3A_257 = arith.muli %arg1, %mul3A_256 : i32
    %add3A_258 = arith.constant 560 : i32
    %add3A_259 = arith.addi %mul3A_257, %add3A_258 : i32
    %dma_wait3A_260 = arith.constant 0 : i32
    %dma_wait3A_261 = tpu.memref_slice %arg4[%arg0, %add3A_259, %dma_wait3A_260] : memref<2x10240x128xf32, #tpu.memory_space<hbm>> -> memref<1x80x128xf32, #tpu.memory_space<hbm>>
    %dma_wait3A_262 = tpu.memref_squeeze %dma_wait3A_261 : memref<1x80x128xf32, #tpu.memory_space<hbm>> -> memref<80x128xf32, #tpu.memory_space<hbm>>
    %dma_wait3A_263 = arith.constant 0 : i32
    %dma_wait3A_264 = tpu.memref_slice %arg4[%arg0, %add3A_259, %dma_wait3A_263] : memref<2x10240x128xf32, #tpu.memory_space<hbm>> -> memref<1x80x128xf32, #tpu.memory_space<hbm>>
    %dma_wait3A_265 = tpu.memref_squeeze %dma_wait3A_264 : memref<1x80x128xf32, #tpu.memory_space<hbm>> -> memref<80x128xf32, #tpu.memory_space<hbm>>
    tpu.wait_dma2 semaphore(%arg10 : memref<!tpu.dma_semaphore, #tpu.memory_space<semaphore_mem>>) src(%arg8 : memref<80x128xf32, #tpu.memory_space<vmem>>) dst(%dma_wait3A_265 : memref<80x128xf32, #tpu.memory_space<hbm>>)
    "tpu.region"() ({
      %run_scoped3A_288 = tpu.sem_alloc : memref<!tpu.dma_semaphore, #tpu.memory_space<semaphore_mem>>
      %dma_start3A_289 = arith.constant 0 : i32
      %dma_start3A_290 = tpu.memref_slice %arg12[%add3A_259, %dma_start3A_289] : memref<10240x128xf32, #tpu.memory_space<vmem_shared>> -> memref<80x128xf32, #tpu.memory_space<vmem_shared>>
      %dma_start3A_291 = arith.constant 0 : i32
      %dma_start3A_292 = tpu.memref_slice %arg12[%add3A_259, %dma_start3A_291] : memref<10240x128xf32, #tpu.memory_space<vmem_shared>> -> memref<80x128xf32, #tpu.memory_space<vmem_shared>>
      tpu.enqueue_dma source(%dma_start3A_292 : memref<80x128xf32, #tpu.memory_space<vmem_shared>>) target(%arg8 : memref<80x128xf32, #tpu.memory_space<vmem>>) target_semaphore(%run_scoped3A_288 : memref<!tpu.dma_semaphore, #tpu.memory_space<semaphore_mem>>)
      %dma_wait3A_293 = arith.constant 0 : i32
      %dma_wait3A_294 = tpu.memref_slice %arg12[%add3A_259, %dma_wait3A_293] : memref<10240x128xf32, #tpu.memory_space<vmem_shared>> -> memref<80x128xf32, #tpu.memory_space<vmem_shared>>
      %dma_wait3A_295 = arith.constant 0 : i32
      %dma_wait3A_296 = tpu.memref_slice %arg12[%add3A_259, %dma_wait3A_295] : memref<10240x128xf32, #tpu.memory_space<vmem_shared>> -> memref<80x128xf32, #tpu.memory_space<vmem_shared>>
      tpu.wait_dma2 semaphore(%run_scoped3A_288 : memref<!tpu.dma_semaphore, #tpu.memory_space<semaphore_mem>>) src(%dma_wait3A_296 : memref<80x128xf32, #tpu.memory_space<vmem_shared>>) dst(%arg8 : memref<80x128xf32, #tpu.memory_space<vmem>>)
      tpu.yield
    }) : () -> ()
    %dma_start3A_266 = arith.constant 0 : i32
    %dma_start3A_267 = tpu.memref_slice %arg4[%arg0, %add3A_259, %dma_start3A_266] : memref<2x10240x128xf32, #tpu.memory_space<hbm>> -> memref<1x80x128xf32, #tpu.memory_space<hbm>>
    %dma_start3A_268 = tpu.memref_squeeze %dma_start3A_267 : memref<1x80x128xf32, #tpu.memory_space<hbm>> -> memref<80x128xf32, #tpu.memory_space<hbm>>
    %dma_start3A_269 = arith.constant 0 : i32
    %dma_start3A_270 = tpu.memref_slice %arg4[%arg0, %add3A_259, %dma_start3A_269] : memref<2x10240x128xf32, #tpu.memory_space<hbm>> -> memref<1x80x128xf32, #tpu.memory_space<hbm>>
    %dma_start3A_271 = tpu.memref_squeeze %dma_start3A_270 : memref<1x80x128xf32, #tpu.memory_space<hbm>> -> memref<80x128xf32, #tpu.memory_space<hbm>>
    tpu.enqueue_dma source(%arg8 : memref<80x128xf32, #tpu.memory_space<vmem>>) target(%dma_start3A_271 : memref<80x128xf32, #tpu.memory_space<hbm>>) target_semaphore(%arg10 : memref<!tpu.dma_semaphore, #tpu.memory_space<semaphore_mem>>)
    %dma_wait3A_272 = arith.constant 0 : i32
    %dma_wait3A_273 = arith.constant 0 : i32
    %dma_wait3A_274 = tpu.memref_slice %arg4[%arg0, %dma_wait3A_272, %dma_wait3A_273] : memref<2x10240x128xf32, #tpu.memory_space<hbm>> -> memref<1x80x128xf32, #tpu.memory_space<hbm>>
    %dma_wait3A_275 = tpu.memref_squeeze %dma_wait3A_274 : memref<1x80x128xf32, #tpu.memory_space<hbm>> -> memref<80x128xf32, #tpu.memory_space<hbm>>
    %dma_wait3A_276 = arith.constant 0 : i32
    %dma_wait3A_277 = arith.constant 0 : i32
    %dma_wait3A_278 = tpu.memref_slice %arg4[%arg0, %dma_wait3A_276, %dma_wait3A_277] : memref<2x10240x128xf32, #tpu.memory_space<hbm>> -> memref<1x80x128xf32, #tpu.memory_space<hbm>>
    %dma_wait3A_279 = tpu.memref_squeeze %dma_wait3A_278 : memref<1x80x128xf32, #tpu.memory_space<hbm>> -> memref<80x128xf32, #tpu.memory_space<hbm>>
    tpu.wait_dma2 semaphore(%arg9 : memref<!tpu.dma_semaphore, #tpu.memory_space<semaphore_mem>>) src(%arg7 : memref<80x128xf32, #tpu.memory_space<vmem>>) dst(%dma_wait3A_279 : memref<80x128xf32, #tpu.memory_space<hbm>>)
    %dma_wait3A_280 = arith.constant 0 : i32
    %dma_wait3A_281 = arith.constant 0 : i32
    %dma_wait3A_282 = tpu.memref_slice %arg4[%arg0, %dma_wait3A_280, %dma_wait3A_281] : memref<2x10240x128xf32, #tpu.memory_space<hbm>> -> memref<1x80x128xf32, #tpu.memory_space<hbm>>
    %dma_wait3A_283 = tpu.memref_squeeze %dma_wait3A_282 : memref<1x80x128xf32, #tpu.memory_space<hbm>> -> memref<80x128xf32, #tpu.memory_space<hbm>>
    %dma_wait3A_284 = arith.constant 0 : i32
    %dma_wait3A_285 = arith.constant 0 : i32
    %dma_wait3A_286 = tpu.memref_slice %arg4[%arg0, %dma_wait3A_284, %dma_wait3A_285] : memref<2x10240x128xf32, #tpu.memory_space<hbm>> -> memref<1x80x128xf32, #tpu.memory_space<hbm>>
    %dma_wait3A_287 = tpu.memref_squeeze %dma_wait3A_286 : memref<1x80x128xf32, #tpu.memory_space<hbm>> -> memref<80x128xf32, #tpu.memory_space<hbm>>
    tpu.wait_dma2 semaphore(%arg10 : memref<!tpu.dma_semaphore, #tpu.memory_space<semaphore_mem>>) src(%arg8 : memref<80x128xf32, #tpu.memory_space<vmem>>) dst(%dma_wait3A_287 : memref<80x128xf32, #tpu.memory_space<hbm>>)
    return
  }
}

#map = affine_map<(d0, d1) -> (0)>
#map1 = affine_map<(d0, d1) -> (0, 0)>
module attributes {stable_mosaic.version = 14 : i64} {
  func.func @_deg_kernel(%arg0: i32, %arg1: i32, %arg2: memref<640000xi32, #tpu.memory_space<hbm>>, %arg3: memref<32x10240xf32, #tpu.memory_space<hbm>>, %arg4: memref<10000xi32, #tpu.memory_space<vmem>>, %arg5: memref<10240xf32, #tpu.memory_space<vmem>>) attributes {dimension_semantics = [#tpu.dimension_semantics<core_parallel>, #tpu.dimension_semantics<subcore_parallel>], iteration_bounds = array<i64: 2, 16>, scalar_prefetch = 0 : i64, scratch_operands = 2 : i64, tpu.core_type = #tpu.core_type<sc_vector_subcore>, window_params = [{transform_indices = #map}, {transform_indices = #map1}]} {
    %mul3A = arith.constant 16 : i32
    %mul3A_0 = arith.muli %arg0, %mul3A : i32
    %add3A = arith.addi %mul3A_0, %arg1 : i32
    %mul3A_1 = arith.constant 10000 : i32
    %mul3A_2 = arith.muli %add3A, %mul3A_1 : i32
    %add3A_3 = arith.constant 320000 : i32
    %add3A_4 = arith.addi %add3A_3, %mul3A_2 : i32
    "tpu.region"() ({
      %run_scoped3A = tpu.sem_alloc : memref<!tpu.dma_semaphore, #tpu.memory_space<semaphore_mem>>
      %dma_start3A = tpu.memref_slice %arg2[%add3A_4] : memref<640000xi32, #tpu.memory_space<hbm>> -> memref<10000xi32, #tpu.memory_space<hbm>>
      %dma_start3A_19 = tpu.memref_slice %arg2[%add3A_4] : memref<640000xi32, #tpu.memory_space<hbm>> -> memref<10000xi32, #tpu.memory_space<hbm>>
      tpu.enqueue_dma source(%dma_start3A_19 : memref<10000xi32, #tpu.memory_space<hbm>>) target(%arg4 : memref<10000xi32, #tpu.memory_space<vmem>>) target_semaphore(%run_scoped3A : memref<!tpu.dma_semaphore, #tpu.memory_space<semaphore_mem>>)
      %dma_wait3A = tpu.memref_slice %arg2[%add3A_4] : memref<640000xi32, #tpu.memory_space<hbm>> -> memref<10000xi32, #tpu.memory_space<hbm>>
      %dma_wait3A_20 = tpu.memref_slice %arg2[%add3A_4] : memref<640000xi32, #tpu.memory_space<hbm>> -> memref<10000xi32, #tpu.memory_space<hbm>>
      tpu.wait_dma2 semaphore(%run_scoped3A : memref<!tpu.dma_semaphore, #tpu.memory_space<semaphore_mem>>) src(%dma_wait3A_20 : memref<10000xi32, #tpu.memory_space<hbm>>) dst(%arg4 : memref<10000xi32, #tpu.memory_space<vmem>>)
      tpu.yield
    }) : () -> ()
    %scan3A = arith.constant 0 : i32
    %scan3A_5 = arith.constant 0 : i32
    %scan3A_6 = arith.constant 640 : i32
    %scan3A_7 = arith.addi %scan3A_5, %scan3A_6 : i32
    %scan3A_8 = arith.constant 1 : i32
    %scan3A_9 = scf.for %scan3A_19 = %scan3A_5 to %scan3A_7 step %scan3A_8 iter_args(%scan3A_20 = %scan3A) -> (i32)  : i32 {
      %broadcast_in_dim3A_21 = arith.constant 0.000000e+00 : f32
      %broadcast_in_dim3A_22 = vector.broadcast %broadcast_in_dim3A_21 : f32 to vector<16xf32>
      %mul3A_23 = arith.constant 16 : i32
      %mul3A_24 = arith.muli %scan3A_19, %mul3A_23 : i32
      %swap3A = arith.index_cast %mul3A_24 : i32 to index
      %swap3A_25 = tpu.vector_load %arg5[%swap3A] {strides = array<i32>} : memref<10240xf32, #tpu.memory_space<vmem>>, vector<16xf32>,
      tpu.vector_store %arg5[%swap3A], %broadcast_in_dim3A_22 {strides = array<i32>} : memref<10240xf32, #tpu.memory_space<vmem>>, vector<16xf32>,
      %scan3A_26 = arith.constant 0 : i32
      scf.yield %scan3A_26 : i32
    }
    %scan3A_10 = arith.constant 640 : i32
    %broadcast_in_dim3A = arith.constant 1.000000e+00 : f32
    %broadcast_in_dim3A_11 = vector.broadcast %broadcast_in_dim3A : f32 to vector<16xf32>
    %scan3A_12 = arith.constant 0 : i32
    %scan3A_13 = arith.constant 0 : i32
    %scan3A_14 = arith.constant 625 : i32
    %scan3A_15 = arith.addi %scan3A_13, %scan3A_14 : i32
    %scan3A_16 = arith.constant 1 : i32
    %scan3A_17 = scf.for %scan3A_19 = %scan3A_13 to %scan3A_15 step %scan3A_16 iter_args(%scan3A_20 = %scan3A_12) -> (i32)  : i32 {
      %mul3A_21 = arith.constant 16 : i32
      %mul3A_22 = arith.muli %scan3A_19, %mul3A_21 : i32
      %get3A = arith.index_cast %mul3A_22 : i32 to index
      %get3A_23 = tpu.vector_load %arg4[%get3A] {strides = array<i32>} : memref<10000xi32, #tpu.memory_space<vmem>>, vector<16xi32>,
      tpu.vector_store_idx %arg5[%get3A_23], %broadcast_in_dim3A_11 {add = true} : memref<10240xf32, #tpu.memory_space<vmem>>[vector<16xi32>], vector<16xf32>,
      %scan3A_24 = arith.constant 0 : i32
      scf.yield %scan3A_24 : i32
    }
    %scan3A_18 = arith.constant 625 : i32
    "tpu.region"() ({
      %run_scoped3A = tpu.sem_alloc : memref<!tpu.dma_semaphore, #tpu.memory_space<semaphore_mem>>
      %dma_start3A = arith.constant 0 : i32
      %dma_start3A_19 = tpu.memref_slice %arg3[%add3A, %dma_start3A] : memref<32x10240xf32, #tpu.memory_space<hbm>> -> memref<1x10240xf32, #tpu.memory_space<hbm>>
      %dma_start3A_20 = tpu.memref_squeeze %dma_start3A_19 : memref<1x10240xf32, #tpu.memory_space<hbm>> -> memref<10240xf32, #tpu.memory_space<hbm>>
      %dma_start3A_21 = arith.constant 0 : i32
      %dma_start3A_22 = tpu.memref_slice %arg3[%add3A, %dma_start3A_21] : memref<32x10240xf32, #tpu.memory_space<hbm>> -> memref<1x10240xf32, #tpu.memory_space<hbm>>
      %dma_start3A_23 = tpu.memref_squeeze %dma_start3A_22 : memref<1x10240xf32, #tpu.memory_space<hbm>> -> memref<10240xf32, #tpu.memory_space<hbm>>
      tpu.enqueue_dma source(%arg5 : memref<10240xf32, #tpu.memory_space<vmem>>) target(%dma_start3A_23 : memref<10240xf32, #tpu.memory_space<hbm>>) target_semaphore(%run_scoped3A : memref<!tpu.dma_semaphore, #tpu.memory_space<semaphore_mem>>)
      %dma_wait3A = arith.constant 0 : i32
      %dma_wait3A_24 = tpu.memref_slice %arg3[%add3A, %dma_wait3A] : memref<32x10240xf32, #tpu.memory_space<hbm>> -> memref<1x10240xf32, #tpu.memory_space<hbm>>
      %dma_wait3A_25 = tpu.memref_squeeze %dma_wait3A_24 : memref<1x10240xf32, #tpu.memory_space<hbm>> -> memref<10240xf32, #tpu.memory_space<hbm>>
      %dma_wait3A_26 = arith.constant 0 : i32
      %dma_wait3A_27 = tpu.memref_slice %arg3[%add3A, %dma_wait3A_26] : memref<32x10240xf32, #tpu.memory_space<hbm>> -> memref<1x10240xf32, #tpu.memory_space<hbm>>
      %dma_wait3A_28 = tpu.memref_squeeze %dma_wait3A_27 : memref<1x10240xf32, #tpu.memory_space<hbm>> -> memref<10240xf32, #tpu.memory_space<hbm>>
      tpu.wait_dma2 semaphore(%run_scoped3A : memref<!tpu.dma_semaphore, #tpu.memory_space<semaphore_mem>>) src(%arg5 : memref<10240xf32, #tpu.memory_space<vmem>>) dst(%dma_wait3A_28 : memref<10240xf32, #tpu.memory_space<hbm>>)
      tpu.yield
    }) : () -> ()
    return
  }
}

#map = affine_map<(d0, d1) -> (0, 0)>
#map1 = affine_map<(d0, d1) -> (0)>
#map2 = affine_map<(d0, d1) -> (0, 0, 0)>
module attributes {stable_mosaic.version = 14 : i64} {
  func.func @_prop_kernel(%arg0: i32, %arg1: i32, %arg2: memref<10240x128xf32, #tpu.memory_space<hbm>>, %arg3: memref<640000xi32, #tpu.memory_space<hbm>>, %arg4: memref<2x10240x128xf32, #tpu.memory_space<hbm>>, %arg5: memref<10000xi32, #tpu.memory_space<vmem>>, %arg6: memref<125x80xi32, #tpu.memory_space<vmem>>, %arg7: memref<80x128xf32, #tpu.memory_space<vmem>>, %arg8: memref<80x128xf32, #tpu.memory_space<vmem>>, %arg9: memref<!tpu.dma_semaphore, #tpu.memory_space<semaphore_mem>>, %arg10: memref<!tpu.dma_semaphore, #tpu.memory_space<semaphore_mem>>, %arg11: memref<!tpu.dma_semaphore, #tpu.memory_space<semaphore_mem>>, %arg12: memref<10240x128xf32, #tpu.memory_space<vmem_shared>>) attributes {dimension_semantics = [#tpu.dimension_semantics<core_parallel>, #tpu.dimension_semantics<subcore_parallel>], iteration_bounds = array<i64: 2, 16>, scalar_prefetch = 0 : i64, scratch_operands = 8 : i64, tpu.core_type = #tpu.core_type<sc_vector_subcore>, window_params = [{transform_indices = #map}, {transform_indices = #map1}, {transform_indices = #map2}]} {
    %mul3A = arith.constant 16 : i32
    %mul3A_0 = arith.muli %arg0, %mul3A : i32
    %add3A = arith.addi %mul3A_0, %arg1 : i32
    %mul3A_1 = arith.constant 10000 : i32
    %mul3A_2 = arith.muli %add3A, %mul3A_1 : i32
    "tpu.region"() ({
      %run_scoped3A_288 = tpu.sem_alloc : memref<!tpu.dma_semaphore, #tpu.memory_space<semaphore_mem>>
      %dma_start3A_289 = tpu.memref_slice %arg3[%mul3A_2] : memref<640000xi32, #tpu.memory_space<hbm>> -> memref<10000xi32, #tpu.memory_space<hbm>>
      %dma_start3A_290 = tpu.memref_slice %arg3[%mul3A_2] : memref<640000xi32, #tpu.memory_space<hbm>> -> memref<10000xi32, #tpu.memory_space<hbm>>
      tpu.enqueue_dma source(%dma_start3A_290 : memref<10000xi32, #tpu.memory_space<hbm>>) target(%arg5 : memref<10000xi32, #tpu.memory_space<vmem>>) target_semaphore(%run_scoped3A_288 : memref<!tpu.dma_semaphore, #tpu.memory_space<semaphore_mem>>)
      %dma_wait3A_291 = tpu.memref_slice %arg3[%mul3A_2] : memref<640000xi32, #tpu.memory_space<hbm>> -> memref<10000xi32, #tpu.memory_space<hbm>>
      %dma_wait3A_292 = tpu.memref_slice %arg3[%mul3A_2] : memref<640000xi32, #tpu.memory_space<hbm>> -> memref<10000xi32, #tpu.memory_space<hbm>>
      tpu.wait_dma2 semaphore(%run_scoped3A_288 : memref<!tpu.dma_semaphore, #tpu.memory_space<semaphore_mem>>) src(%dma_wait3A_292 : memref<10000xi32, #tpu.memory_space<hbm>>) dst(%arg5 : memref<10000xi32, #tpu.memory_space<vmem>>)
      tpu.yield
    }) : () -> ()
    %scan3A = arith.constant 0 : i32
    %scan3A_3 = arith.constant 0 : i32
    %scan3A_4 = arith.constant 125 : i32
    %scan3A_5 = arith.addi %scan3A_3, %scan3A_4 : i32
    %scan3A_6 = arith.constant 1 : i32
    %scan3A_7 = scf.for %scan3A_288 = %scan3A_3 to %scan3A_5 step %scan3A_6 iter_args(%scan3A_289 = %scan3A) -> (i32)  : i32 {
      %mul3A_290 = arith.constant 10000 : i32
      %mul3A_291 = arith.muli %add3A, %mul3A_290 : i32
      %add3A_292 = arith.constant 320000 : i32
      %add3A_293 = arith.addi %add3A_292, %mul3A_291 : i32
      %mul3A_294 = arith.constant 80 : i32
      %mul3A_295 = arith.muli %scan3A_288, %mul3A_294 : i32
      %add3A_296 = arith.addi %add3A_293, %mul3A_295 : i32
      %dma_start3A_297 = arith.constant 0 : i32
      %dma_start3A_298 = tpu.memref_slice %arg6[%scan3A_288, %dma_start3A_297] : memref<125x80xi32, #tpu.memory_space<vmem>> -> memref<1x80xi32, #tpu.memory_space<vmem>>
      %dma_start3A_299 = tpu.memref_squeeze %dma_start3A_298 : memref<1x80xi32, #tpu.memory_space<vmem>> -> memref<80xi32, #tpu.memory_space<vmem>>
      %dma_start3A_300 = tpu.memref_slice %arg3[%add3A_296] : memref<640000xi32, #tpu.memory_space<hbm>> -> memref<80xi32, #tpu.memory_space<hbm>>
      %dma_start3A_301 = arith.constant 0 : i32
      %dma_start3A_302 = tpu.memref_slice %arg6[%scan3A_288, %dma_start3A_301] : memref<125x80xi32, #tpu.memory_space<vmem>> -> memref<1x80xi32, #tpu.memory_space<vmem>>
      %dma_start3A_303 = tpu.memref_squeeze %dma_start3A_302 : memref<1x80xi32, #tpu.memory_space<vmem>> -> memref<80xi32, #tpu.memory_space<vmem>>
      %dma_start3A_304 = tpu.memref_slice %arg3[%add3A_296] : memref<640000xi32, #tpu.memory_space<hbm>> -> memref<80xi32, #tpu.memory_space<hbm>>
      tpu.enqueue_dma source(%dma_start3A_304 : memref<80xi32, #tpu.memory_space<hbm>>) target(%dma_start3A_303 : memref<80xi32, #tpu.memory_space<vmem>>) target_semaphore(%arg11 : memref<!tpu.dma_semaphore, #tpu.memory_space<semaphore_mem>>)
      %scan3A_305 = arith.constant 0 : i32
      scf.yield %scan3A_305 : i32
    }
    %scan3A_8 = arith.constant 125 : i32
    %scan3A_9 = arith.constant 0 : i32
    %scan3A_10 = arith.constant 0 : i32
    %scan3A_11 = arith.constant 80 : i32
    %scan3A_12 = arith.addi %scan3A_10, %scan3A_11 : i32
    %scan3A_13 = arith.constant 1 : i32
    %scan3A_14 = scf.for %scan3A_288 = %scan3A_10 to %scan3A_12 step %scan3A_13 iter_args(%scan3A_289 = %scan3A_9) -> (i32)  : i32 {
      %broadcast_in_dim3A = arith.constant 0.000000e+00 : f32
      %broadcast_in_dim3A_290 = vector.broadcast %broadcast_in_dim3A : f32 to vector<16xf32>
      %swap3A = arith.index_cast %scan3A_288 : i32 to index
      %swap3A_291 = arith.constant 0 : index
      %swap3A_292 = tpu.vector_load %arg7[%swap3A, %swap3A_291] {strides = array<i32>} : memref<80x128xf32, #tpu.memory_space<vmem>>, vector<1x16xf32>,
      %swap3A_293 = vector.shape_cast %swap3A_292 : vector<1x16xf32> to vector<16xf32>
      %swap3A_294 = vector.shape_cast %broadcast_in_dim3A_290 : vector<16xf32> to vector<1x16xf32>
      tpu.vector_store %arg7[%swap3A, %swap3A_291], %swap3A_294 {strides = array<i32>} : memref<80x128xf32, #tpu.memory_space<vmem>>, vector<1x16xf32>,
      %broadcast_in_dim3A_295 = arith.constant 0.000000e+00 : f32
      %broadcast_in_dim3A_296 = vector.broadcast %broadcast_in_dim3A_295 : f32 to vector<16xf32>
      %swap3A_297 = arith.index_cast %scan3A_288 : i32 to index
      %swap3A_298 = arith.constant 16 : index
      %swap3A_299 = tpu.vector_load %arg7[%swap3A_297, %swap3A_298] {strides = array<i32>} : memref<80x128xf32, #tpu.memory_space<vmem>>, vector<1x16xf32>,
      %swap3A_300 = vector.shape_cast %swap3A_299 : vector<1x16xf32> to vector<16xf32>
      %swap3A_301 = vector.shape_cast %broadcast_in_dim3A_296 : vector<16xf32> to vector<1x16xf32>
      tpu.vector_store %arg7[%swap3A_297, %swap3A_298], %swap3A_301 {strides = array<i32>} : memref<80x128xf32, #tpu.memory_space<vmem>>, vector<1x16xf32>,
      %broadcast_in_dim3A_302 = arith.constant 0.000000e+00 : f32
      %broadcast_in_dim3A_303 = vector.broadcast %broadcast_in_dim3A_302 : f32 to vector<16xf32>
      %swap3A_304 = arith.index_cast %scan3A_288 : i32 to index
      %swap3A_305 = arith.constant 32 : index
      %swap3A_306 = tpu.vector_load %arg7[%swap3A_304, %swap3A_305] {strides = array<i32>} : memref<80x128xf32, #tpu.memory_space<vmem>>, vector<1x16xf32>,
      %swap3A_307 = vector.shape_cast %swap3A_306 : vector<1x16xf32> to vector<16xf32>
      %swap3A_308 = vector.shape_cast %broadcast_in_dim3A_303 : vector<16xf32> to vector<1x16xf32>
      tpu.vector_store %arg7[%swap3A_304, %swap3A_305], %swap3A_308 {strides = array<i32>} : memref<80x128xf32, #tpu.memory_space<vmem>>, vector<1x16xf32>,
      %broadcast_in_dim3A_309 = arith.constant 0.000000e+00 : f32
      %broadcast_in_dim3A_310 = vector.broadcast %broadcast_in_dim3A_309 : f32 to vector<16xf32>
      %swap3A_311 = arith.index_cast %scan3A_288 : i32 to index
      %swap3A_312 = arith.constant 48 : index
      %swap3A_313 = tpu.vector_load %arg7[%swap3A_311, %swap3A_312] {strides = array<i32>} : memref<80x128xf32, #tpu.memory_space<vmem>>, vector<1x16xf32>,
      %swap3A_314 = vector.shape_cast %swap3A_313 : vector<1x16xf32> to vector<16xf32>
      %swap3A_315 = vector.shape_cast %broadcast_in_dim3A_310 : vector<16xf32> to vector<1x16xf32>
      tpu.vector_store %arg7[%swap3A_311, %swap3A_312], %swap3A_315 {strides = array<i32>} : memref<80x128xf32, #tpu.memory_space<vmem>>, vector<1x16xf32>,
      %broadcast_in_dim3A_316 = arith.constant 0.000000e+00 : f32
      %broadcast_in_dim3A_317 = vector.broadcast %broadcast_in_dim3A_316 : f32 to vector<16xf32>
      %swap3A_318 = arith.index_cast %scan3A_288 : i32 to index
      %swap3A_319 = arith.constant 64 : index
      %swap3A_320 = tpu.vector_load %arg7[%swap3A_318, %swap3A_319] {strides = array<i32>} : memref<80x128xf32, #tpu.memory_space<vmem>>, vector<1x16xf32>,
      %swap3A_321 = vector.shape_cast %swap3A_320 : vector<1x16xf32> to vector<16xf32>
      %swap3A_322 = vector.shape_cast %broadcast_in_dim3A_317 : vector<16xf32> to vector<1x16xf32>
      tpu.vector_store %arg7[%swap3A_318, %swap3A_319], %swap3A_322 {strides = array<i32>} : memref<80x128xf32, #tpu.memory_space<vmem>>, vector<1x16xf32>,
      %broadcast_in_dim3A_323 = arith.constant 0.000000e+00 : f32
      %broadcast_in_dim3A_324 = vector.broadcast %broadcast_in_dim3A_323 : f32 to vector<16xf32>
      %swap3A_325 = arith.index_cast %scan3A_288 : i32 to index
      %swap3A_326 = arith.constant 80 : index
      %swap3A_327 = tpu.vector_load %arg7[%swap3A_325, %swap3A_326] {strides = array<i32>} : memref<80x128xf32, #tpu.memory_space<vmem>>, vector<1x16xf32>,
      %swap3A_328 = vector.shape_cast %swap3A_327 : vector<1x16xf32> to vector<16xf32>
      %swap3A_329 = vector.shape_cast %broadcast_in_dim3A_324 : vector<16xf32> to vector<1x16xf32>
      tpu.vector_store %arg7[%swap3A_325, %swap3A_326], %swap3A_329 {strides = array<i32>} : memref<80x128xf32, #tpu.memory_space<vmem>>, vector<1x16xf32>,
      %broadcast_in_dim3A_330 = arith.constant 0.000000e+00 : f32
      %broadcast_in_dim3A_331 = vector.broadcast %broadcast_in_dim3A_330 : f32 to vector<16xf32>
      %swap3A_332 = arith.index_cast %scan3A_288 : i32 to index
      %swap3A_333 = arith.constant 96 : index
      %swap3A_334 = tpu.vector_load %arg7[%swap3A_332, %swap3A_333] {strides = array<i32>} : memref<80x128xf32, #tpu.memory_space<vmem>>, vector<1x16xf32>,
      %swap3A_335 = vector.shape_cast %swap3A_334 : vector<1x16xf32> to vector<16xf32>
      %swap3A_336 = vector.shape_cast %broadcast_in_dim3A_331 : vector<16xf32> to vector<1x16xf32>
      tpu.vector_store %arg7[%swap3A_332, %swap3A_333], %swap3A_336 {strides = array<i32>} : memref<80x128xf32, #tpu.memory_space<vmem>>, vector<1x16xf32>,
      %broadcast_in_dim3A_337 = arith.constant 0.000000e+00 : f32
      %broadcast_in_dim3A_338 = vector.broadcast %broadcast_in_dim3A_337 : f32 to vector<16xf32>
      %swap3A_339 = arith.index_cast %scan3A_288 : i32 to index
      %swap3A_340 = arith.constant 112 : index
      %swap3A_341 = tpu.vector_load %arg7[%swap3A_339, %swap3A_340] {strides = array<i32>} : memref<80x128xf32, #tpu.memory_space<vmem>>, vector<1x16xf32>,
      %swap3A_342 = vector.shape_cast %swap3A_341 : vector<1x16xf32> to vector<16xf32>
      %swap3A_343 = vector.shape_cast %broadcast_in_dim3A_338 : vector<16xf32> to vector<1x16xf32>
      tpu.vector_store %arg7[%swap3A_339, %swap3A_340], %swap3A_343 {strides = array<i32>} : memref<80x128xf32, #tpu.memory_space<vmem>>, vector<1x16xf32>,
      %scan3A_344 = arith.constant 0 : i32
      scf.yield %scan3A_344 : i32
    }
    %scan3A_15 = arith.constant 80 : i32
    %mul3A_16 = arith.constant 640 : i32
    %mul3A_17 = arith.muli %arg1, %mul3A_16 : i32
    %add3A_18 = arith.constant 0 : i32
    %add3A_19 = arith.addi %mul3A_17, %add3A_18 : i32
    %dma_start3A = arith.constant 0 : i32
    %dma_start3A_20 = tpu.memref_slice %arg12[%add3A_19, %dma_start3A] : memref<10240x128xf32, #tpu.memory_space<vmem_shared>> -> memref<80x128xf32, #tpu.memory_space<vmem_shared>>
    %dma_start3A_21 = arith.constant 0 : i32
    %dma_start3A_22 = tpu.memref_slice %arg12[%add3A_19, %dma_start3A_21] : memref<10240x128xf32, #tpu.memory_space<vmem_shared>> -> memref<80x128xf32, #tpu.memory_space<vmem_shared>>
    tpu.enqueue_dma source(%arg7 : memref<80x128xf32, #tpu.memory_space<vmem>>) target(%dma_start3A_22 : memref<80x128xf32, #tpu.memory_space<vmem_shared>>) target_semaphore(%arg9 : memref<!tpu.dma_semaphore, #tpu.memory_space<semaphore_mem>>)
    %mul3A_23 = arith.constant 640 : i32
    %mul3A_24 = arith.muli %arg1, %mul3A_23 : i32
    %add3A_25 = arith.constant 80 : i32
    %add3A_26 = arith.addi %mul3A_24, %add3A_25 : i32
    %dma_start3A_27 = arith.constant 0 : i32
    %dma_start3A_28 = tpu.memref_slice %arg12[%add3A_26, %dma_start3A_27] : memref<10240x128xf32, #tpu.memory_space<vmem_shared>> -> memref<80x128xf32, #tpu.memory_space<vmem_shared>>
    %dma_start3A_29 = arith.constant 0 : i32
    %dma_start3A_30 = tpu.memref_slice %arg12[%add3A_26, %dma_start3A_29] : memref<10240x128xf32, #tpu.memory_space<vmem_shared>> -> memref<80x128xf32, #tpu.memory_space<vmem_shared>>
    tpu.enqueue_dma source(%arg7 : memref<80x128xf32, #tpu.memory_space<vmem>>) target(%dma_start3A_30 : memref<80x128xf32, #tpu.memory_space<vmem_shared>>) target_semaphore(%arg9 : memref<!tpu.dma_semaphore, #tpu.memory_space<semaphore_mem>>)
    %mul3A_31 = arith.constant 640 : i32
    %mul3A_32 = arith.muli %arg1, %mul3A_31 : i32
    %add3A_33 = arith.constant 160 : i32
    %add3A_34 = arith.addi %mul3A_32, %add3A_33 : i32
    %dma_start3A_35 = arith.constant 0 : i32
    %dma_start3A_36 = tpu.memref_slice %arg12[%add3A_34, %dma_start3A_35] : memref<10240x128xf32, #tpu.memory_space<vmem_shared>> -> memref<80x128xf32, #tpu.memory_space<vmem_shared>>
    %dma_start3A_37 = arith.constant 0 : i32
    %dma_start3A_38 = tpu.memref_slice %arg12[%add3A_34, %dma_start3A_37] : memref<10240x128xf32, #tpu.memory_space<vmem_shared>> -> memref<80x128xf32, #tpu.memory_space<vmem_shared>>
    tpu.enqueue_dma source(%arg7 : memref<80x128xf32, #tpu.memory_space<vmem>>) target(%dma_start3A_38 : memref<80x128xf32, #tpu.memory_space<vmem_shared>>) target_semaphore(%arg9 : memref<!tpu.dma_semaphore, #tpu.memory_space<semaphore_mem>>)
    %mul3A_39 = arith.constant 640 : i32
    %mul3A_40 = arith.muli %arg1, %mul3A_39 : i32
    %add3A_41 = arith.constant 240 : i32
    %add3A_42 = arith.addi %mul3A_40, %add3A_41 : i32
    %dma_start3A_43 = arith.constant 0 : i32
    %dma_start3A_44 = tpu.memref_slice %arg12[%add3A_42, %dma_start3A_43] : memref<10240x128xf32, #tpu.memory_space<vmem_shared>> -> memref<80x128xf32, #tpu.memory_space<vmem_shared>>
    %dma_start3A_45 = arith.constant 0 : i32
    %dma_start3A_46 = tpu.memref_slice %arg12[%add3A_42, %dma_start3A_45] : memref<10240x128xf32, #tpu.memory_space<vmem_shared>> -> memref<80x128xf32, #tpu.memory_space<vmem_shared>>
    tpu.enqueue_dma source(%arg7 : memref<80x128xf32, #tpu.memory_space<vmem>>) target(%dma_start3A_46 : memref<80x128xf32, #tpu.memory_space<vmem_shared>>) target_semaphore(%arg9 : memref<!tpu.dma_semaphore, #tpu.memory_space<semaphore_mem>>)
    %mul3A_47 = arith.constant 640 : i32
    %mul3A_48 = arith.muli %arg1, %mul3A_47 : i32
    %add3A_49 = arith.constant 320 : i32
    %add3A_50 = arith.addi %mul3A_48, %add3A_49 : i32
    %dma_start3A_51 = arith.constant 0 : i32
    %dma_start3A_52 = tpu.memref_slice %arg12[%add3A_50, %dma_start3A_51] : memref<10240x128xf32, #tpu.memory_space<vmem_shared>> -> memref<80x128xf32, #tpu.memory_space<vmem_shared>>
    %dma_start3A_53 = arith.constant 0 : i32
    %dma_start3A_54 = tpu.memref_slice %arg12[%add3A_50, %dma_start3A_53] : memref<10240x128xf32, #tpu.memory_space<vmem_shared>> -> memref<80x128xf32, #tpu.memory_space<vmem_shared>>
    tpu.enqueue_dma source(%arg7 : memref<80x128xf32, #tpu.memory_space<vmem>>) target(%dma_start3A_54 : memref<80x128xf32, #tpu.memory_space<vmem_shared>>) target_semaphore(%arg9 : memref<!tpu.dma_semaphore, #tpu.memory_space<semaphore_mem>>)
    %mul3A_55 = arith.constant 640 : i32
    %mul3A_56 = arith.muli %arg1, %mul3A_55 : i32
    %add3A_57 = arith.constant 400 : i32
    %add3A_58 = arith.addi %mul3A_56, %add3A_57 : i32
    %dma_start3A_59 = arith.constant 0 : i32
    %dma_start3A_60 = tpu.memref_slice %arg12[%add3A_58, %dma_start3A_59] : memref<10240x128xf32, #tpu.memory_space<vmem_shared>> -> memref<80x128xf32, #tpu.memory_space<vmem_shared>>
    %dma_start3A_61 = arith.constant 0 : i32
    %dma_start3A_62 = tpu.memref_slice %arg12[%add3A_58, %dma_start3A_61] : memref<10240x128xf32, #tpu.memory_space<vmem_shared>> -> memref<80x128xf32, #tpu.memory_space<vmem_shared>>
    tpu.enqueue_dma source(%arg7 : memref<80x128xf32, #tpu.memory_space<vmem>>) target(%dma_start3A_62 : memref<80x128xf32, #tpu.memory_space<vmem_shared>>) target_semaphore(%arg9 : memref<!tpu.dma_semaphore, #tpu.memory_space<semaphore_mem>>)
    %mul3A_63 = arith.constant 640 : i32
    %mul3A_64 = arith.muli %arg1, %mul3A_63 : i32
    %add3A_65 = arith.constant 480 : i32
    %add3A_66 = arith.addi %mul3A_64, %add3A_65 : i32
    %dma_start3A_67 = arith.constant 0 : i32
    %dma_start3A_68 = tpu.memref_slice %arg12[%add3A_66, %dma_start3A_67] : memref<10240x128xf32, #tpu.memory_space<vmem_shared>> -> memref<80x128xf32, #tpu.memory_space<vmem_shared>>
    %dma_start3A_69 = arith.constant 0 : i32
    %dma_start3A_70 = tpu.memref_slice %arg12[%add3A_66, %dma_start3A_69] : memref<10240x128xf32, #tpu.memory_space<vmem_shared>> -> memref<80x128xf32, #tpu.memory_space<vmem_shared>>
    tpu.enqueue_dma source(%arg7 : memref<80x128xf32, #tpu.memory_space<vmem>>) target(%dma_start3A_70 : memref<80x128xf32, #tpu.memory_space<vmem_shared>>) target_semaphore(%arg9 : memref<!tpu.dma_semaphore, #tpu.memory_space<semaphore_mem>>)
    %mul3A_71 = arith.constant 640 : i32
    %mul3A_72 = arith.muli %arg1, %mul3A_71 : i32
    %add3A_73 = arith.constant 560 : i32
    %add3A_74 = arith.addi %mul3A_72, %add3A_73 : i32
    %dma_start3A_75 = arith.constant 0 : i32
    %dma_start3A_76 = tpu.memref_slice %arg12[%add3A_74, %dma_start3A_75] : memref<10240x128xf32, #tpu.memory_space<vmem_shared>> -> memref<80x128xf32, #tpu.memory_space<vmem_shared>>
    %dma_start3A_77 = arith.constant 0 : i32
    %dma_start3A_78 = tpu.memref_slice %arg12[%add3A_74, %dma_start3A_77] : memref<10240x128xf32, #tpu.memory_space<vmem_shared>> -> memref<80x128xf32, #tpu.memory_space<vmem_shared>>
    tpu.enqueue_dma source(%arg7 : memref<80x128xf32, #tpu.memory_space<vmem>>) target(%dma_start3A_78 : memref<80x128xf32, #tpu.memory_space<vmem_shared>>) target_semaphore(%arg9 : memref<!tpu.dma_semaphore, #tpu.memory_space<semaphore_mem>>)
    %mul3A_79 = arith.constant 640 : i32
    %mul3A_80 = arith.muli %arg1, %mul3A_79 : i32
    %dma_wait3A = arith.constant 0 : i32
    %dma_wait3A_81 = tpu.memref_slice %arg12[%mul3A_80, %dma_wait3A] : memref<10240x128xf32, #tpu.memory_space<vmem_shared>> -> memref<80x128xf32, #tpu.memory_space<vmem_shared>>
    %dma_wait3A_82 = arith.constant 0 : i32
    %dma_wait3A_83 = tpu.memref_slice %arg12[%mul3A_80, %dma_wait3A_82] : memref<10240x128xf32, #tpu.memory_space<vmem_shared>> -> memref<80x128xf32, #tpu.memory_space<vmem_shared>>
    tpu.wait_dma2 semaphore(%arg9 : memref<!tpu.dma_semaphore, #tpu.memory_space<semaphore_mem>>) src(%arg7 : memref<80x128xf32, #tpu.memory_space<vmem>>) dst(%dma_wait3A_83 : memref<80x128xf32, #tpu.memory_space<vmem_shared>>)
    %mul3A_84 = arith.constant 640 : i32
    %mul3A_85 = arith.muli %arg1, %mul3A_84 : i32
    %dma_wait3A_86 = arith.constant 0 : i32
    %dma_wait3A_87 = tpu.memref_slice %arg12[%mul3A_85, %dma_wait3A_86] : memref<10240x128xf32, #tpu.memory_space<vmem_shared>> -> memref<80x128xf32, #tpu.memory_space<vmem_shared>>
    %dma_wait3A_88 = arith.constant 0 : i32
    %dma_wait3A_89 = tpu.memref_slice %arg12[%mul3A_85, %dma_wait3A_88] : memref<10240x128xf32, #tpu.memory_space<vmem_shared>> -> memref<80x128xf32, #tpu.memory_space<vmem_shared>>
    tpu.wait_dma2 semaphore(%arg9 : memref<!tpu.dma_semaphore, #tpu.memory_space<semaphore_mem>>) src(%arg7 : memref<80x128xf32, #tpu.memory_space<vmem>>) dst(%dma_wait3A_89 : memref<80x128xf32, #tpu.memory_space<vmem_shared>>)
    %mul3A_90 = arith.constant 640 : i32
    %mul3A_91 = arith.muli %arg1, %mul3A_90 : i32
    %dma_wait3A_92 = arith.constant 0 : i32
    %dma_wait3A_93 = tpu.memref_slice %arg12[%mul3A_91, %dma_wait3A_92] : memref<10240x128xf32, #tpu.memory_space<vmem_shared>> -> memref<80x128xf32, #tpu.memory_space<vmem_shared>>
    %dma_wait3A_94 = arith.constant 0 : i32
    %dma_wait3A_95 = tpu.memref_slice %arg12[%mul3A_91, %dma_wait3A_94] : memref<10240x128xf32, #tpu.memory_space<vmem_shared>> -> memref<80x128xf32, #tpu.memory_space<vmem_shared>>
    tpu.wait_dma2 semaphore(%arg9 : memref<!tpu.dma_semaphore, #tpu.memory_space<semaphore_mem>>) src(%arg7 : memref<80x128xf32, #tpu.memory_space<vmem>>) dst(%dma_wait3A_95 : memref<80x128xf32, #tpu.memory_space<vmem_shared>>)
    %mul3A_96 = arith.constant 640 : i32
    %mul3A_97 = arith.muli %arg1, %mul3A_96 : i32
    %dma_wait3A_98 = arith.constant 0 : i32
    %dma_wait3A_99 = tpu.memref_slice %arg12[%mul3A_97, %dma_wait3A_98] : memref<10240x128xf32, #tpu.memory_space<vmem_shared>> -> memref<80x128xf32, #tpu.memory_space<vmem_shared>>
    %dma_wait3A_100 = arith.constant 0 : i32
    %dma_wait3A_101 = tpu.memref_slice %arg12[%mul3A_97, %dma_wait3A_100] : memref<10240x128xf32, #tpu.memory_space<vmem_shared>> -> memref<80x128xf32, #tpu.memory_space<vmem_shared>>
    tpu.wait_dma2 semaphore(%arg9 : memref<!tpu.dma_semaphore, #tpu.memory_space<semaphore_mem>>) src(%arg7 : memref<80x128xf32, #tpu.memory_space<vmem>>) dst(%dma_wait3A_101 : memref<80x128xf32, #tpu.memory_space<vmem_shared>>)
    %mul3A_102 = arith.constant 640 : i32
    %mul3A_103 = arith.muli %arg1, %mul3A_102 : i32
    %dma_wait3A_104 = arith.constant 0 : i32
    %dma_wait3A_105 = tpu.memref_slice %arg12[%mul3A_103, %dma_wait3A_104] : memref<10240x128xf32, #tpu.memory_space<vmem_shared>> -> memref<80x128xf32, #tpu.memory_space<vmem_shared>>
    %dma_wait3A_106 = arith.constant 0 : i32
    %dma_wait3A_107 = tpu.memref_slice %arg12[%mul3A_103, %dma_wait3A_106] : memref<10240x128xf32, #tpu.memory_space<vmem_shared>> -> memref<80x128xf32, #tpu.memory_space<vmem_shared>>
    tpu.wait_dma2 semaphore(%arg9 : memref<!tpu.dma_semaphore, #tpu.memory_space<semaphore_mem>>) src(%arg7 : memref<80x128xf32, #tpu.memory_space<vmem>>) dst(%dma_wait3A_107 : memref<80x128xf32, #tpu.memory_space<vmem_shared>>)
    %mul3A_108 = arith.constant 640 : i32
    %mul3A_109 = arith.muli %arg1, %mul3A_108 : i32
    %dma_wait3A_110 = arith.constant 0 : i32
    %dma_wait3A_111 = tpu.memref_slice %arg12[%mul3A_109, %dma_wait3A_110] : memref<10240x128xf32, #tpu.memory_space<vmem_shared>> -> memref<80x128xf32, #tpu.memory_space<vmem_shared>>
    %dma_wait3A_112 = arith.constant 0 : i32
    %dma_wait3A_113 = tpu.memref_slice %arg12[%mul3A_109, %dma_wait3A_112] : memref<10240x128xf32, #tpu.memory_space<vmem_shared>> -> memref<80x128xf32, #tpu.memory_space<vmem_shared>>
    tpu.wait_dma2 semaphore(%arg9 : memref<!tpu.dma_semaphore, #tpu.memory_space<semaphore_mem>>) src(%arg7 : memref<80x128xf32, #tpu.memory_space<vmem>>) dst(%dma_wait3A_113 : memref<80x128xf32, #tpu.memory_space<vmem_shared>>)
    %mul3A_114 = arith.constant 640 : i32
    %mul3A_115 = arith.muli %arg1, %mul3A_114 : i32
    %dma_wait3A_116 = arith.constant 0 : i32
    %dma_wait3A_117 = tpu.memref_slice %arg12[%mul3A_115, %dma_wait3A_116] : memref<10240x128xf32, #tpu.memory_space<vmem_shared>> -> memref<80x128xf32, #tpu.memory_space<vmem_shared>>
    %dma_wait3A_118 = arith.constant 0 : i32
    %dma_wait3A_119 = tpu.memref_slice %arg12[%mul3A_115, %dma_wait3A_118] : memref<10240x128xf32, #tpu.memory_space<vmem_shared>> -> memref<80x128xf32, #tpu.memory_space<vmem_shared>>
    tpu.wait_dma2 semaphore(%arg9 : memref<!tpu.dma_semaphore, #tpu.memory_space<semaphore_mem>>) src(%arg7 : memref<80x128xf32, #tpu.memory_space<vmem>>) dst(%dma_wait3A_119 : memref<80x128xf32, #tpu.memory_space<vmem_shared>>)
    %mul3A_120 = arith.constant 640 : i32
    %mul3A_121 = arith.muli %arg1, %mul3A_120 : i32
    %dma_wait3A_122 = arith.constant 0 : i32
    %dma_wait3A_123 = tpu.memref_slice %arg12[%mul3A_121, %dma_wait3A_122] : memref<10240x128xf32, #tpu.memory_space<vmem_shared>> -> memref<80x128xf32, #tpu.memory_space<vmem_shared>>
    %dma_wait3A_124 = arith.constant 0 : i32
    %dma_wait3A_125 = tpu.memref_slice %arg12[%mul3A_121, %dma_wait3A_124] : memref<10240x128xf32, #tpu.memory_space<vmem_shared>> -> memref<80x128xf32, #tpu.memory_space<vmem_shared>>
    tpu.wait_dma2 semaphore(%arg9 : memref<!tpu.dma_semaphore, #tpu.memory_space<semaphore_mem>>) src(%arg7 : memref<80x128xf32, #tpu.memory_space<vmem>>) dst(%dma_wait3A_125 : memref<80x128xf32, #tpu.memory_space<vmem_shared>>)
    %scan3A_126 = arith.constant 0 : i32
    %scan3A_127 = arith.constant 0 : i32
    %scan3A_128 = arith.constant 125 : i32
    %scan3A_129 = arith.addi %scan3A_127, %scan3A_128 : i32
    %scan3A_130 = arith.constant 1 : i32
    %scan3A_131 = scf.for %scan3A_288 = %scan3A_127 to %scan3A_129 step %scan3A_130 iter_args(%scan3A_289 = %scan3A_126) -> (i32)  : i32 {
      %dma_wait3A_290 = arith.constant 0 : i32
      %dma_wait3A_291 = arith.constant 0 : i32
      %dma_wait3A_292 = tpu.memref_slice %arg6[%dma_wait3A_290, %dma_wait3A_291] : memref<125x80xi32, #tpu.memory_space<vmem>> -> memref<1x80xi32, #tpu.memory_space<vmem>>
      %dma_wait3A_293 = tpu.memref_squeeze %dma_wait3A_292 : memref<1x80xi32, #tpu.memory_space<vmem>> -> memref<80xi32, #tpu.memory_space<vmem>>
      %dma_wait3A_294 = arith.constant 0 : i32
      %dma_wait3A_295 = tpu.memref_slice %arg3[%dma_wait3A_294] : memref<640000xi32, #tpu.memory_space<hbm>> -> memref<80xi32, #tpu.memory_space<hbm>>
      %dma_wait3A_296 = arith.constant 0 : i32
      %dma_wait3A_297 = tpu.memref_slice %arg6[%dma_wait3A_290, %dma_wait3A_296] : memref<125x80xi32, #tpu.memory_space<vmem>> -> memref<1x80xi32, #tpu.memory_space<vmem>>
      %dma_wait3A_298 = tpu.memref_squeeze %dma_wait3A_297 : memref<1x80xi32, #tpu.memory_space<vmem>> -> memref<80xi32, #tpu.memory_space<vmem>>
      %dma_wait3A_299 = arith.constant 0 : i32
      %dma_wait3A_300 = tpu.memref_slice %arg3[%dma_wait3A_299] : memref<640000xi32, #tpu.memory_space<hbm>> -> memref<80xi32, #tpu.memory_space<hbm>>
      tpu.wait_dma2 semaphore(%arg11 : memref<!tpu.dma_semaphore, #tpu.memory_space<semaphore_mem>>) src(%dma_wait3A_300 : memref<80xi32, #tpu.memory_space<hbm>>) dst(%dma_wait3A_298 : memref<80xi32, #tpu.memory_space<vmem>>)
      %scan3A_301 = arith.constant 0 : i32
      scf.yield %scan3A_301 : i32
    }
    %scan3A_132 = arith.constant 125 : i32
    %dma_start3A_133 = arith.constant 0 : i32
    %dma_start3A_134 = tpu.memref_slice %arg5[%dma_start3A_133] : memref<10000xi32, #tpu.memory_space<vmem>> -> memref<80xi32, #tpu.memory_space<vmem>>
    %dma_start3A_135 = arith.constant 0 : i32
    %dma_start3A_136 = arith.constant 0 : i32
    %dma_start3A_137 = tpu.memref_slice %arg2[%dma_start3A_135, %dma_start3A_136] : memref<10240x128xf32, #tpu.memory_space<hbm>> -> memref<10240x128xf32, #tpu.memory_space<hbm>>
    tpu.enqueue_indirect_dma source(%dma_start3A_137 : memref<10240x128xf32, #tpu.memory_space<hbm>>) target(%arg7 : memref<80x128xf32, #tpu.memory_space<vmem>>) offsets(%dma_start3A_134 : memref<80xi32, #tpu.memory_space<vmem>>) semaphore(%arg9 : memref<!tpu.dma_semaphore, #tpu.memory_space<semaphore_mem>>)
    %dma_start3A_138 = arith.constant 80 : i32
    %dma_start3A_139 = tpu.memref_slice %arg5[%dma_start3A_138] : memref<10000xi32, #tpu.memory_space<vmem>> -> memref<80xi32, #tpu.memory_space<vmem>>
    %dma_start3A_140 = arith.constant 0 : i32
    %dma_start3A_141 = arith.constant 0 : i32
    %dma_start3A_142 = tpu.memref_slice %arg2[%dma_start3A_140, %dma_start3A_141] : memref<10240x128xf32, #tpu.memory_space<hbm>> -> memref<10240x128xf32, #tpu.memory_space<hbm>>
    tpu.enqueue_indirect_dma source(%dma_start3A_142 : memref<10240x128xf32, #tpu.memory_space<hbm>>) target(%arg8 : memref<80x128xf32, #tpu.memory_space<vmem>>) offsets(%dma_start3A_139 : memref<80xi32, #tpu.memory_space<vmem>>) semaphore(%arg10 : memref<!tpu.dma_semaphore, #tpu.memory_space<semaphore_mem>>)
    %barrier3A = arith.constant 0 : index
    tpu.barrier barrier_id(%barrier3A)
    %scan3A_143 = arith.constant 0 : i32
    %scan3A_144 = arith.constant 0 : i32
    %scan3A_145 = arith.constant 62 : i32
    %scan3A_146 = arith.addi %scan3A_144, %scan3A_145 : i32
    %scan3A_147 = arith.constant 1 : i32
    %scan3A_148 = scf.for %scan3A_288 = %scan3A_144 to %scan3A_146 step %scan3A_147 iter_args(%scan3A_289 = %scan3A_143) -> (i32)  : i32 {
      %mul3A_290 = arith.constant 2 : i32
      %mul3A_291 = arith.muli %mul3A_290, %scan3A_288 : i32
      %dma_wait3A_292 = arith.constant 0 : i32
      %dma_wait3A_293 = tpu.memref_slice %arg5[%dma_wait3A_292] : memref<10000xi32, #tpu.memory_space<vmem>> -> memref<80xi32, #tpu.memory_space<vmem>>
      %dma_wait3A_294 = arith.constant 0 : i32
      %dma_wait3A_295 = arith.constant 0 : i32
      %dma_wait3A_296 = tpu.memref_slice %arg2[%dma_wait3A_294, %dma_wait3A_295] : memref<10240x128xf32, #tpu.memory_space<hbm>> -> memref<10240x128xf32, #tpu.memory_space<hbm>>
      tpu.wait_indirect_dma semaphore(%arg9 : memref<!tpu.dma_semaphore, #tpu.memory_space<semaphore_mem>>) src(%dma_wait3A_296 : memref<10240x128xf32, #tpu.memory_space<hbm>>) dst(%arg7 : memref<80x128xf32, #tpu.memory_space<vmem>>)
      "tpu.region"() ({
        %run_scoped3A_316 = tpu.sem_alloc : memref<!tpu.dma_semaphore, #tpu.memory_space<semaphore_mem>>
        %dma_start3A_317 = arith.constant 0 : i32
        %dma_start3A_318 = tpu.memref_slice %arg6[%mul3A_291, %dma_start3A_317] : memref<125x80xi32, #tpu.memory_space<vmem>> -> memref<1x80xi32, #tpu.memory_space<vmem>>
        %dma_start3A_319 = tpu.memref_squeeze %dma_start3A_318 : memref<1x80xi32, #tpu.memory_space<vmem>> -> memref<80xi32, #tpu.memory_space<vmem>>
        %dma_start3A_320 = arith.constant 0 : i32
        %dma_start3A_321 = arith.constant 0 : i32
        %dma_start3A_322 = tpu.memref_slice %arg12[%dma_start3A_320, %dma_start3A_321] : memref<10240x128xf32, #tpu.memory_space<vmem_shared>> -> memref<10240x128xf32, #tpu.memory_space<vmem_shared>>
        tpu.enqueue_indirect_dma source(%arg7 : memref<80x128xf32, #tpu.memory_space<vmem>>) target(%dma_start3A_322 : memref<10240x128xf32, #tpu.memory_space<vmem_shared>>) offsets(%dma_start3A_319 : memref<80xi32, #tpu.memory_space<vmem>>) semaphore(%run_scoped3A_316 : memref<!tpu.dma_semaphore, #tpu.memory_space<semaphore_mem>>) {add = true}
        %dma_wait3A_323 = arith.constant 0 : i32
        %dma_wait3A_324 = tpu.memref_slice %arg6[%mul3A_291, %dma_wait3A_323] : memref<125x80xi32, #tpu.memory_space<vmem>> -> memref<1x80xi32, #tpu.memory_space<vmem>>
        %dma_wait3A_325 = tpu.memref_squeeze %dma_wait3A_324 : memref<1x80xi32, #tpu.memory_space<vmem>> -> memref<80xi32, #tpu.memory_space<vmem>>
        %dma_wait3A_326 = arith.constant 0 : i32
        %dma_wait3A_327 = arith.constant 0 : i32
        %dma_wait3A_328 = tpu.memref_slice %arg12[%dma_wait3A_326, %dma_wait3A_327] : memref<10240x128xf32, #tpu.memory_space<vmem_shared>> -> memref<10240x128xf32, #tpu.memory_space<vmem_shared>>
        tpu.wait_indirect_dma semaphore(%run_scoped3A_316 : memref<!tpu.dma_semaphore, #tpu.memory_space<semaphore_mem>>) src(%arg7 : memref<80x128xf32, #tpu.memory_space<vmem>>) dst(%dma_wait3A_328 : memref<10240x128xf32, #tpu.memory_space<vmem_shared>>)
        tpu.yield
      }) : () -> ()
      %add3A_297 = arith.constant 2 : i32
      %add3A_298 = arith.addi %mul3A_291, %add3A_297 : i32
      %lt3A = arith.constant 125 : i32
      %lt3A_299 = arith.cmpi slt, %add3A_298, %lt3A : i32
      %convert_element_type3A = arith.extui %lt3A_299 : i1 to i32
      %cond3A = arith.constant 0 : i32
      %cond3A_300 = arith.cmpi ne, %convert_element_type3A, %cond3A : i32
      scf.if %cond3A_300 {
        %add3A_316 = arith.constant 2 : i32
        %add3A_317 = arith.addi %mul3A_291, %add3A_316 : i32
        %mul3A_318 = arith.constant 80 : i32
        %mul3A_319 = arith.muli %add3A_317, %mul3A_318 : i32
        %dma_start3A_320 = tpu.memref_slice %arg5[%mul3A_319] : memref<10000xi32, #tpu.memory_space<vmem>> -> memref<80xi32, #tpu.memory_space<vmem>>
        %dma_start3A_321 = arith.constant 0 : i32
        %dma_start3A_322 = arith.constant 0 : i32
        %dma_start3A_323 = tpu.memref_slice %arg2[%dma_start3A_321, %dma_start3A_322] : memref<10240x128xf32, #tpu.memory_space<hbm>> -> memref<10240x128xf32, #tpu.memory_space<hbm>>
        tpu.enqueue_indirect_dma source(%dma_start3A_323 : memref<10240x128xf32, #tpu.memory_space<hbm>>) target(%arg7 : memref<80x128xf32, #tpu.memory_space<vmem>>) offsets(%dma_start3A_320 : memref<80xi32, #tpu.memory_space<vmem>>) semaphore(%arg9 : memref<!tpu.dma_semaphore, #tpu.memory_space<semaphore_mem>>)
      } else {
      }
      %add3A_301 = arith.constant 1 : i32
      %add3A_302 = arith.addi %mul3A_291, %add3A_301 : i32
      %dma_wait3A_303 = arith.constant 0 : i32
      %dma_wait3A_304 = tpu.memref_slice %arg5[%dma_wait3A_303] : memref<10000xi32, #tpu.memory_space<vmem>> -> memref<80xi32, #tpu.memory_space<vmem>>
      %dma_wait3A_305 = arith.constant 0 : i32
      %dma_wait3A_306 = arith.constant 0 : i32
      %dma_wait3A_307 = tpu.memref_slice %arg2[%dma_wait3A_305, %dma_wait3A_306] : memref<10240x128xf32, #tpu.memory_space<hbm>> -> memref<10240x128xf32, #tpu.memory_space<hbm>>
      tpu.wait_indirect_dma semaphore(%arg10 : memref<!tpu.dma_semaphore, #tpu.memory_space<semaphore_mem>>) src(%dma_wait3A_307 : memref<10240x128xf32, #tpu.memory_space<hbm>>) dst(%arg8 : memref<80x128xf32, #tpu.memory_space<vmem>>)
      "tpu.region"() ({
        %run_scoped3A_316 = tpu.sem_alloc : memref<!tpu.dma_semaphore, #tpu.memory_space<semaphore_mem>>
        %dma_start3A_317 = arith.constant 0 : i32
        %dma_start3A_318 = tpu.memref_slice %arg6[%add3A_302, %dma_start3A_317] : memref<125x80xi32, #tpu.memory_space<vmem>> -> memref<1x80xi32, #tpu.memory_space<vmem>>
        %dma_start3A_319 = tpu.memref_squeeze %dma_start3A_318 : memref<1x80xi32, #tpu.memory_space<vmem>> -> memref<80xi32, #tpu.memory_space<vmem>>
        %dma_start3A_320 = arith.constant 0 : i32
        %dma_start3A_321 = arith.constant 0 : i32
        %dma_start3A_322 = tpu.memref_slice %arg12[%dma_start3A_320, %dma_start3A_321] : memref<10240x128xf32, #tpu.memory_space<vmem_shared>> -> memref<10240x128xf32, #tpu.memory_space<vmem_shared>>
        tpu.enqueue_indirect_dma source(%arg8 : memref<80x128xf32, #tpu.memory_space<vmem>>) target(%dma_start3A_322 : memref<10240x128xf32, #tpu.memory_space<vmem_shared>>) offsets(%dma_start3A_319 : memref<80xi32, #tpu.memory_space<vmem>>) semaphore(%run_scoped3A_316 : memref<!tpu.dma_semaphore, #tpu.memory_space<semaphore_mem>>) {add = true}
        %dma_wait3A_323 = arith.constant 0 : i32
        %dma_wait3A_324 = tpu.memref_slice %arg6[%add3A_302, %dma_wait3A_323] : memref<125x80xi32, #tpu.memory_space<vmem>> -> memref<1x80xi32, #tpu.memory_space<vmem>>
        %dma_wait3A_325 = tpu.memref_squeeze %dma_wait3A_324 : memref<1x80xi32, #tpu.memory_space<vmem>> -> memref<80xi32, #tpu.memory_space<vmem>>
        %dma_wait3A_326 = arith.constant 0 : i32
        %dma_wait3A_327 = arith.constant 0 : i32
        %dma_wait3A_328 = tpu.memref_slice %arg12[%dma_wait3A_326, %dma_wait3A_327] : memref<10240x128xf32, #tpu.memory_space<vmem_shared>> -> memref<10240x128xf32, #tpu.memory_space<vmem_shared>>
        tpu.wait_indirect_dma semaphore(%run_scoped3A_316 : memref<!tpu.dma_semaphore, #tpu.memory_space<semaphore_mem>>) src(%arg8 : memref<80x128xf32, #tpu.memory_space<vmem>>) dst(%dma_wait3A_328 : memref<10240x128xf32, #tpu.memory_space<vmem_shared>>)
        tpu.yield
      }) : () -> ()
      %add3A_308 = arith.constant 3 : i32
      %add3A_309 = arith.addi %mul3A_291, %add3A_308 : i32
      %lt3A_310 = arith.constant 125 : i32
      %lt3A_311 = arith.cmpi slt, %add3A_309, %lt3A_310 : i32
      %convert_element_type3A_312 = arith.extui %lt3A_311 : i1 to i32
      %cond3A_313 = arith.constant 0 : i32
      %cond3A_314 = arith.cmpi ne, %convert_element_type3A_312, %cond3A_313 : i32
      scf.if %cond3A_314 {
        %add3A_316 = arith.constant 3 : i32
        %add3A_317 = arith.addi %mul3A_291, %add3A_316 : i32
        %mul3A_318 = arith.constant 80 : i32
        %mul3A_319 = arith.muli %add3A_317, %mul3A_318 : i32
        %dma_start3A_320 = tpu.memref_slice %arg5[%mul3A_319] : memref<10000xi32, #tpu.memory_space<vmem>> -> memref<80xi32, #tpu.memory_space<vmem>>
        %dma_start3A_321 = arith.constant 0 : i32
        %dma_start3A_322 = arith.constant 0 : i32
        %dma_start3A_323 = tpu.memref_slice %arg2[%dma_start3A_321, %dma_start3A_322] : memref<10240x128xf32, #tpu.memory_space<hbm>> -> memref<10240x128xf32, #tpu.memory_space<hbm>>
        tpu.enqueue_indirect_dma source(%dma_start3A_323 : memref<10240x128xf32, #tpu.memory_space<hbm>>) target(%arg8 : memref<80x128xf32, #tpu.memory_space<vmem>>) offsets(%dma_start3A_320 : memref<80xi32, #tpu.memory_space<vmem>>) semaphore(%arg10 : memref<!tpu.dma_semaphore, #tpu.memory_space<semaphore_mem>>)
      } else {
      }
      %scan3A_315 = arith.constant 0 : i32
      scf.yield %scan3A_315 : i32
    }
    %scan3A_149 = arith.constant 62 : i32
    %dma_wait3A_150 = arith.constant 0 : i32
    %dma_wait3A_151 = tpu.memref_slice %arg5[%dma_wait3A_150] : memref<10000xi32, #tpu.memory_space<vmem>> -> memref<80xi32, #tpu.memory_space<vmem>>
    %dma_wait3A_152 = arith.constant 0 : i32
    %dma_wait3A_153 = arith.constant 0 : i32
    %dma_wait3A_154 = tpu.memref_slice %arg2[%dma_wait3A_152, %dma_wait3A_153] : memref<10240x128xf32, #tpu.memory_space<hbm>> -> memref<10240x128xf32, #tpu.memory_space<hbm>>
    tpu.wait_indirect_dma semaphore(%arg9 : memref<!tpu.dma_semaphore, #tpu.memory_space<semaphore_mem>>) src(%dma_wait3A_154 : memref<10240x128xf32, #tpu.memory_space<hbm>>) dst(%arg7 : memref<80x128xf32, #tpu.memory_space<vmem>>)
    %run_scoped3A = arith.constant 124 : i32
    "tpu.region"() ({
      %run_scoped3A_288 = tpu.sem_alloc : memref<!tpu.dma_semaphore, #tpu.memory_space<semaphore_mem>>
      %dma_start3A_289 = arith.constant 0 : i32
      %dma_start3A_290 = tpu.memref_slice %arg6[%run_scoped3A, %dma_start3A_289] : memref<125x80xi32, #tpu.memory_space<vmem>> -> memref<1x80xi32, #tpu.memory_space<vmem>>
      %dma_start3A_291 = tpu.memref_squeeze %dma_start3A_290 : memref<1x80xi32, #tpu.memory_space<vmem>> -> memref<80xi32, #tpu.memory_space<vmem>>
      %dma_start3A_292 = arith.constant 0 : i32
      %dma_start3A_293 = arith.constant 0 : i32
      %dma_start3A_294 = tpu.memref_slice %arg12[%dma_start3A_292, %dma_start3A_293] : memref<10240x128xf32, #tpu.memory_space<vmem_shared>> -> memref<10240x128xf32, #tpu.memory_space<vmem_shared>>
      tpu.enqueue_indirect_dma source(%arg7 : memref<80x128xf32, #tpu.memory_space<vmem>>) target(%dma_start3A_294 : memref<10240x128xf32, #tpu.memory_space<vmem_shared>>) offsets(%dma_start3A_291 : memref<80xi32, #tpu.memory_space<vmem>>) semaphore(%run_scoped3A_288 : memref<!tpu.dma_semaphore, #tpu.memory_space<semaphore_mem>>) {add = true}
      %dma_wait3A_295 = arith.constant 0 : i32
      %dma_wait3A_296 = tpu.memref_slice %arg6[%run_scoped3A, %dma_wait3A_295] : memref<125x80xi32, #tpu.memory_space<vmem>> -> memref<1x80xi32, #tpu.memory_space<vmem>>
      %dma_wait3A_297 = tpu.memref_squeeze %dma_wait3A_296 : memref<1x80xi32, #tpu.memory_space<vmem>> -> memref<80xi32, #tpu.memory_space<vmem>>
      %dma_wait3A_298 = arith.constant 0 : i32
      %dma_wait3A_299 = arith.constant 0 : i32
      %dma_wait3A_300 = tpu.memref_slice %arg12[%dma_wait3A_298, %dma_wait3A_299] : memref<10240x128xf32, #tpu.memory_space<vmem_shared>> -> memref<10240x128xf32, #tpu.memory_space<vmem_shared>>
      tpu.wait_indirect_dma semaphore(%run_scoped3A_288 : memref<!tpu.dma_semaphore, #tpu.memory_space<semaphore_mem>>) src(%arg7 : memref<80x128xf32, #tpu.memory_space<vmem>>) dst(%dma_wait3A_300 : memref<10240x128xf32, #tpu.memory_space<vmem_shared>>)
      tpu.yield
    }) : () -> ()
    %barrier3A_155 = arith.constant 0 : index
    tpu.barrier barrier_id(%barrier3A_155)
    %mul3A_156 = arith.constant 640 : i32
    %mul3A_157 = arith.muli %arg1, %mul3A_156 : i32
    %add3A_158 = arith.constant 0 : i32
    %add3A_159 = arith.addi %mul3A_157, %add3A_158 : i32
    "tpu.region"() ({
      %run_scoped3A_288 = tpu.sem_alloc : memref<!tpu.dma_semaphore, #tpu.memory_space<semaphore_mem>>
      %dma_start3A_289 = arith.constant 0 : i32
      %dma_start3A_290 = tpu.memref_slice %arg12[%add3A_159, %dma_start3A_289] : memref<10240x128xf32, #tpu.memory_space<vmem_shared>> -> memref<80x128xf32, #tpu.memory_space<vmem_shared>>
      %dma_start3A_291 = arith.constant 0 : i32
      %dma_start3A_292 = tpu.memref_slice %arg12[%add3A_159, %dma_start3A_291] : memref<10240x128xf32, #tpu.memory_space<vmem_shared>> -> memref<80x128xf32, #tpu.memory_space<vmem_shared>>
      tpu.enqueue_dma source(%dma_start3A_292 : memref<80x128xf32, #tpu.memory_space<vmem_shared>>) target(%arg7 : memref<80x128xf32, #tpu.memory_space<vmem>>) target_semaphore(%run_scoped3A_288 : memref<!tpu.dma_semaphore, #tpu.memory_space<semaphore_mem>>)
      %dma_wait3A_293 = arith.constant 0 : i32
      %dma_wait3A_294 = tpu.memref_slice %arg12[%add3A_159, %dma_wait3A_293] : memref<10240x128xf32, #tpu.memory_space<vmem_shared>> -> memref<80x128xf32, #tpu.memory_space<vmem_shared>>
      %dma_wait3A_295 = arith.constant 0 : i32
      %dma_wait3A_296 = tpu.memref_slice %arg12[%add3A_159, %dma_wait3A_295] : memref<10240x128xf32, #tpu.memory_space<vmem_shared>> -> memref<80x128xf32, #tpu.memory_space<vmem_shared>>
      tpu.wait_dma2 semaphore(%run_scoped3A_288 : memref<!tpu.dma_semaphore, #tpu.memory_space<semaphore_mem>>) src(%dma_wait3A_296 : memref<80x128xf32, #tpu.memory_space<vmem_shared>>) dst(%arg7 : memref<80x128xf32, #tpu.memory_space<vmem>>)
      tpu.yield
    }) : () -> ()
    %dma_start3A_160 = arith.constant 0 : i32
    %dma_start3A_161 = tpu.memref_slice %arg4[%arg0, %add3A_159, %dma_start3A_160] : memref<2x10240x128xf32, #tpu.memory_space<hbm>> -> memref<1x80x128xf32, #tpu.memory_space<hbm>>
    %dma_start3A_162 = tpu.memref_squeeze %dma_start3A_161 : memref<1x80x128xf32, #tpu.memory_space<hbm>> -> memref<80x128xf32, #tpu.memory_space<hbm>>
    %dma_start3A_163 = arith.constant 0 : i32
    %dma_start3A_164 = tpu.memref_slice %arg4[%arg0, %add3A_159, %dma_start3A_163] : memref<2x10240x128xf32, #tpu.memory_space<hbm>> -> memref<1x80x128xf32, #tpu.memory_space<hbm>>
    %dma_start3A_165 = tpu.memref_squeeze %dma_start3A_164 : memref<1x80x128xf32, #tpu.memory_space<hbm>> -> memref<80x128xf32, #tpu.memory_space<hbm>>
    tpu.enqueue_dma source(%arg7 : memref<80x128xf32, #tpu.memory_space<vmem>>) target(%dma_start3A_165 : memref<80x128xf32, #tpu.memory_space<hbm>>) target_semaphore(%arg9 : memref<!tpu.dma_semaphore, #tpu.memory_space<semaphore_mem>>)
    %mul3A_166 = arith.constant 640 : i32
    %mul3A_167 = arith.muli %arg1, %mul3A_166 : i32
    %add3A_168 = arith.constant 80 : i32
    %add3A_169 = arith.addi %mul3A_167, %add3A_168 : i32
    "tpu.region"() ({
      %run_scoped3A_288 = tpu.sem_alloc : memref<!tpu.dma_semaphore, #tpu.memory_space<semaphore_mem>>
      %dma_start3A_289 = arith.constant 0 : i32
      %dma_start3A_290 = tpu.memref_slice %arg12[%add3A_169, %dma_start3A_289] : memref<10240x128xf32, #tpu.memory_space<vmem_shared>> -> memref<80x128xf32, #tpu.memory_space<vmem_shared>>
      %dma_start3A_291 = arith.constant 0 : i32
      %dma_start3A_292 = tpu.memref_slice %arg12[%add3A_169, %dma_start3A_291] : memref<10240x128xf32, #tpu.memory_space<vmem_shared>> -> memref<80x128xf32, #tpu.memory_space<vmem_shared>>
      tpu.enqueue_dma source(%dma_start3A_292 : memref<80x128xf32, #tpu.memory_space<vmem_shared>>) target(%arg8 : memref<80x128xf32, #tpu.memory_space<vmem>>) target_semaphore(%run_scoped3A_288 : memref<!tpu.dma_semaphore, #tpu.memory_space<semaphore_mem>>)
      %dma_wait3A_293 = arith.constant 0 : i32
      %dma_wait3A_294 = tpu.memref_slice %arg12[%add3A_169, %dma_wait3A_293] : memref<10240x128xf32, #tpu.memory_space<vmem_shared>> -> memref<80x128xf32, #tpu.memory_space<vmem_shared>>
      %dma_wait3A_295 = arith.constant 0 : i32
      %dma_wait3A_296 = tpu.memref_slice %arg12[%add3A_169, %dma_wait3A_295] : memref<10240x128xf32, #tpu.memory_space<vmem_shared>> -> memref<80x128xf32, #tpu.memory_space<vmem_shared>>
      tpu.wait_dma2 semaphore(%run_scoped3A_288 : memref<!tpu.dma_semaphore, #tpu.memory_space<semaphore_mem>>) src(%dma_wait3A_296 : memref<80x128xf32, #tpu.memory_space<vmem_shared>>) dst(%arg8 : memref<80x128xf32, #tpu.memory_space<vmem>>)
      tpu.yield
    }) : () -> ()
    %dma_start3A_170 = arith.constant 0 : i32
    %dma_start3A_171 = tpu.memref_slice %arg4[%arg0, %add3A_169, %dma_start3A_170] : memref<2x10240x128xf32, #tpu.memory_space<hbm>> -> memref<1x80x128xf32, #tpu.memory_space<hbm>>
    %dma_start3A_172 = tpu.memref_squeeze %dma_start3A_171 : memref<1x80x128xf32, #tpu.memory_space<hbm>> -> memref<80x128xf32, #tpu.memory_space<hbm>>
    %dma_start3A_173 = arith.constant 0 : i32
    %dma_start3A_174 = tpu.memref_slice %arg4[%arg0, %add3A_169, %dma_start3A_173] : memref<2x10240x128xf32, #tpu.memory_space<hbm>> -> memref<1x80x128xf32, #tpu.memory_space<hbm>>
    %dma_start3A_175 = tpu.memref_squeeze %dma_start3A_174 : memref<1x80x128xf32, #tpu.memory_space<hbm>> -> memref<80x128xf32, #tpu.memory_space<hbm>>
    tpu.enqueue_dma source(%arg8 : memref<80x128xf32, #tpu.memory_space<vmem>>) target(%dma_start3A_175 : memref<80x128xf32, #tpu.memory_space<hbm>>) target_semaphore(%arg10 : memref<!tpu.dma_semaphore, #tpu.memory_space<semaphore_mem>>)
    %mul3A_176 = arith.constant 640 : i32
    %mul3A_177 = arith.muli %arg1, %mul3A_176 : i32
    %add3A_178 = arith.constant 160 : i32
    %add3A_179 = arith.addi %mul3A_177, %add3A_178 : i32
    %dma_wait3A_180 = arith.constant 0 : i32
    %dma_wait3A_181 = tpu.memref_slice %arg4[%arg0, %add3A_179, %dma_wait3A_180] : memref<2x10240x128xf32, #tpu.memory_space<hbm>> -> memref<1x80x128xf32, #tpu.memory_space<hbm>>
    %dma_wait3A_182 = tpu.memref_squeeze %dma_wait3A_181 : memref<1x80x128xf32, #tpu.memory_space<hbm>> -> memref<80x128xf32, #tpu.memory_space<hbm>>
    %dma_wait3A_183 = arith.constant 0 : i32
    %dma_wait3A_184 = tpu.memref_slice %arg4[%arg0, %add3A_179, %dma_wait3A_183] : memref<2x10240x128xf32, #tpu.memory_space<hbm>> -> memref<1x80x128xf32, #tpu.memory_space<hbm>>
    %dma_wait3A_185 = tpu.memref_squeeze %dma_wait3A_184 : memref<1x80x128xf32, #tpu.memory_space<hbm>> -> memref<80x128xf32, #tpu.memory_space<hbm>>
    tpu.wait_dma2 semaphore(%arg9 : memref<!tpu.dma_semaphore, #tpu.memory_space<semaphore_mem>>) src(%arg7 : memref<80x128xf32, #tpu.memory_space<vmem>>) dst(%dma_wait3A_185 : memref<80x128xf32, #tpu.memory_space<hbm>>)
    "tpu.region"() ({
      %run_scoped3A_288 = tpu.sem_alloc : memref<!tpu.dma_semaphore, #tpu.memory_space<semaphore_mem>>
      %dma_start3A_289 = arith.constant 0 : i32
      %dma_start3A_290 = tpu.memref_slice %arg12[%add3A_179, %dma_start3A_289] : memref<10240x128xf32, #tpu.memory_space<vmem_shared>> -> memref<80x128xf32, #tpu.memory_space<vmem_shared>>
      %dma_start3A_291 = arith.constant 0 : i32
      %dma_start3A_292 = tpu.memref_slice %arg12[%add3A_179, %dma_start3A_291] : memref<10240x128xf32, #tpu.memory_space<vmem_shared>> -> memref<80x128xf32, #tpu.memory_space<vmem_shared>>
      tpu.enqueue_dma source(%dma_start3A_292 : memref<80x128xf32, #tpu.memory_space<vmem_shared>>) target(%arg7 : memref<80x128xf32, #tpu.memory_space<vmem>>) target_semaphore(%run_scoped3A_288 : memref<!tpu.dma_semaphore, #tpu.memory_space<semaphore_mem>>)
      %dma_wait3A_293 = arith.constant 0 : i32
      %dma_wait3A_294 = tpu.memref_slice %arg12[%add3A_179, %dma_wait3A_293] : memref<10240x128xf32, #tpu.memory_space<vmem_shared>> -> memref<80x128xf32, #tpu.memory_space<vmem_shared>>
      %dma_wait3A_295 = arith.constant 0 : i32
      %dma_wait3A_296 = tpu.memref_slice %arg12[%add3A_179, %dma_wait3A_295] : memref<10240x128xf32, #tpu.memory_space<vmem_shared>> -> memref<80x128xf32, #tpu.memory_space<vmem_shared>>
      tpu.wait_dma2 semaphore(%run_scoped3A_288 : memref<!tpu.dma_semaphore, #tpu.memory_space<semaphore_mem>>) src(%dma_wait3A_296 : memref<80x128xf32, #tpu.memory_space<vmem_shared>>) dst(%arg7 : memref<80x128xf32, #tpu.memory_space<vmem>>)
      tpu.yield
    }) : () -> ()
    %dma_start3A_186 = arith.constant 0 : i32
    %dma_start3A_187 = tpu.memref_slice %arg4[%arg0, %add3A_179, %dma_start3A_186] : memref<2x10240x128xf32, #tpu.memory_space<hbm>> -> memref<1x80x128xf32, #tpu.memory_space<hbm>>
    %dma_start3A_188 = tpu.memref_squeeze %dma_start3A_187 : memref<1x80x128xf32, #tpu.memory_space<hbm>> -> memref<80x128xf32, #tpu.memory_space<hbm>>
    %dma_start3A_189 = arith.constant 0 : i32
    %dma_start3A_190 = tpu.memref_slice %arg4[%arg0, %add3A_179, %dma_start3A_189] : memref<2x10240x128xf32, #tpu.memory_space<hbm>> -> memref<1x80x128xf32, #tpu.memory_space<hbm>>
    %dma_start3A_191 = tpu.memref_squeeze %dma_start3A_190 : memref<1x80x128xf32, #tpu.memory_space<hbm>> -> memref<80x128xf32, #tpu.memory_space<hbm>>
    tpu.enqueue_dma source(%arg7 : memref<80x128xf32, #tpu.memory_space<vmem>>) target(%dma_start3A_191 : memref<80x128xf32, #tpu.memory_space<hbm>>) target_semaphore(%arg9 : memref<!tpu.dma_semaphore, #tpu.memory_space<semaphore_mem>>)
    %mul3A_192 = arith.constant 640 : i32
    %mul3A_193 = arith.muli %arg1, %mul3A_192 : i32
    %add3A_194 = arith.constant 240 : i32
    %add3A_195 = arith.addi %mul3A_193, %add3A_194 : i32
    %dma_wait3A_196 = arith.constant 0 : i32
    %dma_wait3A_197 = tpu.memref_slice %arg4[%arg0, %add3A_195, %dma_wait3A_196] : memref<2x10240x128xf32, #tpu.memory_space<hbm>> -> memref<1x80x128xf32, #tpu.memory_space<hbm>>
    %dma_wait3A_198 = tpu.memref_squeeze %dma_wait3A_197 : memref<1x80x128xf32, #tpu.memory_space<hbm>> -> memref<80x128xf32, #tpu.memory_space<hbm>>
    %dma_wait3A_199 = arith.constant 0 : i32
    %dma_wait3A_200 = tpu.memref_slice %arg4[%arg0, %add3A_195, %dma_wait3A_199] : memref<2x10240x128xf32, #tpu.memory_space<hbm>> -> memref<1x80x128xf32, #tpu.memory_space<hbm>>
    %dma_wait3A_201 = tpu.memref_squeeze %dma_wait3A_200 : memref<1x80x128xf32, #tpu.memory_space<hbm>> -> memref<80x128xf32, #tpu.memory_space<hbm>>
    tpu.wait_dma2 semaphore(%arg10 : memref<!tpu.dma_semaphore, #tpu.memory_space<semaphore_mem>>) src(%arg8 : memref<80x128xf32, #tpu.memory_space<vmem>>) dst(%dma_wait3A_201 : memref<80x128xf32, #tpu.memory_space<hbm>>)
    "tpu.region"() ({
      %run_scoped3A_288 = tpu.sem_alloc : memref<!tpu.dma_semaphore, #tpu.memory_space<semaphore_mem>>
      %dma_start3A_289 = arith.constant 0 : i32
      %dma_start3A_290 = tpu.memref_slice %arg12[%add3A_195, %dma_start3A_289] : memref<10240x128xf32, #tpu.memory_space<vmem_shared>> -> memref<80x128xf32, #tpu.memory_space<vmem_shared>>
      %dma_start3A_291 = arith.constant 0 : i32
      %dma_start3A_292 = tpu.memref_slice %arg12[%add3A_195, %dma_start3A_291] : memref<10240x128xf32, #tpu.memory_space<vmem_shared>> -> memref<80x128xf32, #tpu.memory_space<vmem_shared>>
      tpu.enqueue_dma source(%dma_start3A_292 : memref<80x128xf32, #tpu.memory_space<vmem_shared>>) target(%arg8 : memref<80x128xf32, #tpu.memory_space<vmem>>) target_semaphore(%run_scoped3A_288 : memref<!tpu.dma_semaphore, #tpu.memory_space<semaphore_mem>>)
      %dma_wait3A_293 = arith.constant 0 : i32
      %dma_wait3A_294 = tpu.memref_slice %arg12[%add3A_195, %dma_wait3A_293] : memref<10240x128xf32, #tpu.memory_space<vmem_shared>> -> memref<80x128xf32, #tpu.memory_space<vmem_shared>>
      %dma_wait3A_295 = arith.constant 0 : i32
      %dma_wait3A_296 = tpu.memref_slice %arg12[%add3A_195, %dma_wait3A_295] : memref<10240x128xf32, #tpu.memory_space<vmem_shared>> -> memref<80x128xf32, #tpu.memory_space<vmem_shared>>
      tpu.wait_dma2 semaphore(%run_scoped3A_288 : memref<!tpu.dma_semaphore, #tpu.memory_space<semaphore_mem>>) src(%dma_wait3A_296 : memref<80x128xf32, #tpu.memory_space<vmem_shared>>) dst(%arg8 : memref<80x128xf32, #tpu.memory_space<vmem>>)
      tpu.yield
    }) : () -> ()
    %dma_start3A_202 = arith.constant 0 : i32
    %dma_start3A_203 = tpu.memref_slice %arg4[%arg0, %add3A_195, %dma_start3A_202] : memref<2x10240x128xf32, #tpu.memory_space<hbm>> -> memref<1x80x128xf32, #tpu.memory_space<hbm>>
    %dma_start3A_204 = tpu.memref_squeeze %dma_start3A_203 : memref<1x80x128xf32, #tpu.memory_space<hbm>> -> memref<80x128xf32, #tpu.memory_space<hbm>>
    %dma_start3A_205 = arith.constant 0 : i32
    %dma_start3A_206 = tpu.memref_slice %arg4[%arg0, %add3A_195, %dma_start3A_205] : memref<2x10240x128xf32, #tpu.memory_space<hbm>> -> memref<1x80x128xf32, #tpu.memory_space<hbm>>
    %dma_start3A_207 = tpu.memref_squeeze %dma_start3A_206 : memref<1x80x128xf32, #tpu.memory_space<hbm>> -> memref<80x128xf32, #tpu.memory_space<hbm>>
    tpu.enqueue_dma source(%arg8 : memref<80x128xf32, #tpu.memory_space<vmem>>) target(%dma_start3A_207 : memref<80x128xf32, #tpu.memory_space<hbm>>) target_semaphore(%arg10 : memref<!tpu.dma_semaphore, #tpu.memory_space<semaphore_mem>>)
    %mul3A_208 = arith.constant 640 : i32
    %mul3A_209 = arith.muli %arg1, %mul3A_208 : i32
    %add3A_210 = arith.constant 320 : i32
    %add3A_211 = arith.addi %mul3A_209, %add3A_210 : i32
    %dma_wait3A_212 = arith.constant 0 : i32
    %dma_wait3A_213 = tpu.memref_slice %arg4[%arg0, %add3A_211, %dma_wait3A_212] : memref<2x10240x128xf32, #tpu.memory_space<hbm>> -> memref<1x80x128xf32, #tpu.memory_space<hbm>>
    %dma_wait3A_214 = tpu.memref_squeeze %dma_wait3A_213 : memref<1x80x128xf32, #tpu.memory_space<hbm>> -> memref<80x128xf32, #tpu.memory_space<hbm>>
    %dma_wait3A_215 = arith.constant 0 : i32
    %dma_wait3A_216 = tpu.memref_slice %arg4[%arg0, %add3A_211, %dma_wait3A_215] : memref<2x10240x128xf32, #tpu.memory_space<hbm>> -> memref<1x80x128xf32, #tpu.memory_space<hbm>>
    %dma_wait3A_217 = tpu.memref_squeeze %dma_wait3A_216 : memref<1x80x128xf32, #tpu.memory_space<hbm>> -> memref<80x128xf32, #tpu.memory_space<hbm>>
    tpu.wait_dma2 semaphore(%arg9 : memref<!tpu.dma_semaphore, #tpu.memory_space<semaphore_mem>>) src(%arg7 : memref<80x128xf32, #tpu.memory_space<vmem>>) dst(%dma_wait3A_217 : memref<80x128xf32, #tpu.memory_space<hbm>>)
    "tpu.region"() ({
      %run_scoped3A_288 = tpu.sem_alloc : memref<!tpu.dma_semaphore, #tpu.memory_space<semaphore_mem>>
      %dma_start3A_289 = arith.constant 0 : i32
      %dma_start3A_290 = tpu.memref_slice %arg12[%add3A_211, %dma_start3A_289] : memref<10240x128xf32, #tpu.memory_space<vmem_shared>> -> memref<80x128xf32, #tpu.memory_space<vmem_shared>>
      %dma_start3A_291 = arith.constant 0 : i32
      %dma_start3A_292 = tpu.memref_slice %arg12[%add3A_211, %dma_start3A_291] : memref<10240x128xf32, #tpu.memory_space<vmem_shared>> -> memref<80x128xf32, #tpu.memory_space<vmem_shared>>
      tpu.enqueue_dma source(%dma_start3A_292 : memref<80x128xf32, #tpu.memory_space<vmem_shared>>) target(%arg7 : memref<80x128xf32, #tpu.memory_space<vmem>>) target_semaphore(%run_scoped3A_288 : memref<!tpu.dma_semaphore, #tpu.memory_space<semaphore_mem>>)
      %dma_wait3A_293 = arith.constant 0 : i32
      %dma_wait3A_294 = tpu.memref_slice %arg12[%add3A_211, %dma_wait3A_293] : memref<10240x128xf32, #tpu.memory_space<vmem_shared>> -> memref<80x128xf32, #tpu.memory_space<vmem_shared>>
      %dma_wait3A_295 = arith.constant 0 : i32
      %dma_wait3A_296 = tpu.memref_slice %arg12[%add3A_211, %dma_wait3A_295] : memref<10240x128xf32, #tpu.memory_space<vmem_shared>> -> memref<80x128xf32, #tpu.memory_space<vmem_shared>>
      tpu.wait_dma2 semaphore(%run_scoped3A_288 : memref<!tpu.dma_semaphore, #tpu.memory_space<semaphore_mem>>) src(%dma_wait3A_296 : memref<80x128xf32, #tpu.memory_space<vmem_shared>>) dst(%arg7 : memref<80x128xf32, #tpu.memory_space<vmem>>)
      tpu.yield
    }) : () -> ()
    %dma_start3A_218 = arith.constant 0 : i32
    %dma_start3A_219 = tpu.memref_slice %arg4[%arg0, %add3A_211, %dma_start3A_218] : memref<2x10240x128xf32, #tpu.memory_space<hbm>> -> memref<1x80x128xf32, #tpu.memory_space<hbm>>
    %dma_start3A_220 = tpu.memref_squeeze %dma_start3A_219 : memref<1x80x128xf32, #tpu.memory_space<hbm>> -> memref<80x128xf32, #tpu.memory_space<hbm>>
    %dma_start3A_221 = arith.constant 0 : i32
    %dma_start3A_222 = tpu.memref_slice %arg4[%arg0, %add3A_211, %dma_start3A_221] : memref<2x10240x128xf32, #tpu.memory_space<hbm>> -> memref<1x80x128xf32, #tpu.memory_space<hbm>>
    %dma_start3A_223 = tpu.memref_squeeze %dma_start3A_222 : memref<1x80x128xf32, #tpu.memory_space<hbm>> -> memref<80x128xf32, #tpu.memory_space<hbm>>
    tpu.enqueue_dma source(%arg7 : memref<80x128xf32, #tpu.memory_space<vmem>>) target(%dma_start3A_223 : memref<80x128xf32, #tpu.memory_space<hbm>>) target_semaphore(%arg9 : memref<!tpu.dma_semaphore, #tpu.memory_space<semaphore_mem>>)
    %mul3A_224 = arith.constant 640 : i32
    %mul3A_225 = arith.muli %arg1, %mul3A_224 : i32
    %add3A_226 = arith.constant 400 : i32
    %add3A_227 = arith.addi %mul3A_225, %add3A_226 : i32
    %dma_wait3A_228 = arith.constant 0 : i32
    %dma_wait3A_229 = tpu.memref_slice %arg4[%arg0, %add3A_227, %dma_wait3A_228] : memref<2x10240x128xf32, #tpu.memory_space<hbm>> -> memref<1x80x128xf32, #tpu.memory_space<hbm>>
    %dma_wait3A_230 = tpu.memref_squeeze %dma_wait3A_229 : memref<1x80x128xf32, #tpu.memory_space<hbm>> -> memref<80x128xf32, #tpu.memory_space<hbm>>
    %dma_wait3A_231 = arith.constant 0 : i32
    %dma_wait3A_232 = tpu.memref_slice %arg4[%arg0, %add3A_227, %dma_wait3A_231] : memref<2x10240x128xf32, #tpu.memory_space<hbm>> -> memref<1x80x128xf32, #tpu.memory_space<hbm>>
    %dma_wait3A_233 = tpu.memref_squeeze %dma_wait3A_232 : memref<1x80x128xf32, #tpu.memory_space<hbm>> -> memref<80x128xf32, #tpu.memory_space<hbm>>
    tpu.wait_dma2 semaphore(%arg10 : memref<!tpu.dma_semaphore, #tpu.memory_space<semaphore_mem>>) src(%arg8 : memref<80x128xf32, #tpu.memory_space<vmem>>) dst(%dma_wait3A_233 : memref<80x128xf32, #tpu.memory_space<hbm>>)
    "tpu.region"() ({
      %run_scoped3A_288 = tpu.sem_alloc : memref<!tpu.dma_semaphore, #tpu.memory_space<semaphore_mem>>
      %dma_start3A_289 = arith.constant 0 : i32
      %dma_start3A_290 = tpu.memref_slice %arg12[%add3A_227, %dma_start3A_289] : memref<10240x128xf32, #tpu.memory_space<vmem_shared>> -> memref<80x128xf32, #tpu.memory_space<vmem_shared>>
      %dma_start3A_291 = arith.constant 0 : i32
      %dma_start3A_292 = tpu.memref_slice %arg12[%add3A_227, %dma_start3A_291] : memref<10240x128xf32, #tpu.memory_space<vmem_shared>> -> memref<80x128xf32, #tpu.memory_space<vmem_shared>>
      tpu.enqueue_dma source(%dma_start3A_292 : memref<80x128xf32, #tpu.memory_space<vmem_shared>>) target(%arg8 : memref<80x128xf32, #tpu.memory_space<vmem>>) target_semaphore(%run_scoped3A_288 : memref<!tpu.dma_semaphore, #tpu.memory_space<semaphore_mem>>)
      %dma_wait3A_293 = arith.constant 0 : i32
      %dma_wait3A_294 = tpu.memref_slice %arg12[%add3A_227, %dma_wait3A_293] : memref<10240x128xf32, #tpu.memory_space<vmem_shared>> -> memref<80x128xf32, #tpu.memory_space<vmem_shared>>
      %dma_wait3A_295 = arith.constant 0 : i32
      %dma_wait3A_296 = tpu.memref_slice %arg12[%add3A_227, %dma_wait3A_295] : memref<10240x128xf32, #tpu.memory_space<vmem_shared>> -> memref<80x128xf32, #tpu.memory_space<vmem_shared>>
      tpu.wait_dma2 semaphore(%run_scoped3A_288 : memref<!tpu.dma_semaphore, #tpu.memory_space<semaphore_mem>>) src(%dma_wait3A_296 : memref<80x128xf32, #tpu.memory_space<vmem_shared>>) dst(%arg8 : memref<80x128xf32, #tpu.memory_space<vmem>>)
      tpu.yield
    }) : () -> ()
    %dma_start3A_234 = arith.constant 0 : i32
    %dma_start3A_235 = tpu.memref_slice %arg4[%arg0, %add3A_227, %dma_start3A_234] : memref<2x10240x128xf32, #tpu.memory_space<hbm>> -> memref<1x80x128xf32, #tpu.memory_space<hbm>>
    %dma_start3A_236 = tpu.memref_squeeze %dma_start3A_235 : memref<1x80x128xf32, #tpu.memory_space<hbm>> -> memref<80x128xf32, #tpu.memory_space<hbm>>
    %dma_start3A_237 = arith.constant 0 : i32
    %dma_start3A_238 = tpu.memref_slice %arg4[%arg0, %add3A_227, %dma_start3A_237] : memref<2x10240x128xf32, #tpu.memory_space<hbm>> -> memref<1x80x128xf32, #tpu.memory_space<hbm>>
    %dma_start3A_239 = tpu.memref_squeeze %dma_start3A_238 : memref<1x80x128xf32, #tpu.memory_space<hbm>> -> memref<80x128xf32, #tpu.memory_space<hbm>>
    tpu.enqueue_dma source(%arg8 : memref<80x128xf32, #tpu.memory_space<vmem>>) target(%dma_start3A_239 : memref<80x128xf32, #tpu.memory_space<hbm>>) target_semaphore(%arg10 : memref<!tpu.dma_semaphore, #tpu.memory_space<semaphore_mem>>)
    %mul3A_240 = arith.constant 640 : i32
    %mul3A_241 = arith.muli %arg1, %mul3A_240 : i32
    %add3A_242 = arith.constant 480 : i32
    %add3A_243 = arith.addi %mul3A_241, %add3A_242 : i32
    %dma_wait3A_244 = arith.constant 0 : i32
    %dma_wait3A_245 = tpu.memref_slice %arg4[%arg0, %add3A_243, %dma_wait3A_244] : memref<2x10240x128xf32, #tpu.memory_space<hbm>> -> memref<1x80x128xf32, #tpu.memory_space<hbm>>
    %dma_wait3A_246 = tpu.memref_squeeze %dma_wait3A_245 : memref<1x80x128xf32, #tpu.memory_space<hbm>> -> memref<80x128xf32, #tpu.memory_space<hbm>>
    %dma_wait3A_247 = arith.constant 0 : i32
    %dma_wait3A_248 = tpu.memref_slice %arg4[%arg0, %add3A_243, %dma_wait3A_247] : memref<2x10240x128xf32, #tpu.memory_space<hbm>> -> memref<1x80x128xf32, #tpu.memory_space<hbm>>
    %dma_wait3A_249 = tpu.memref_squeeze %dma_wait3A_248 : memref<1x80x128xf32, #tpu.memory_space<hbm>> -> memref<80x128xf32, #tpu.memory_space<hbm>>
    tpu.wait_dma2 semaphore(%arg9 : memref<!tpu.dma_semaphore, #tpu.memory_space<semaphore_mem>>) src(%arg7 : memref<80x128xf32, #tpu.memory_space<vmem>>) dst(%dma_wait3A_249 : memref<80x128xf32, #tpu.memory_space<hbm>>)
    "tpu.region"() ({
      %run_scoped3A_288 = tpu.sem_alloc : memref<!tpu.dma_semaphore, #tpu.memory_space<semaphore_mem>>
      %dma_start3A_289 = arith.constant 0 : i32
      %dma_start3A_290 = tpu.memref_slice %arg12[%add3A_243, %dma_start3A_289] : memref<10240x128xf32, #tpu.memory_space<vmem_shared>> -> memref<80x128xf32, #tpu.memory_space<vmem_shared>>
      %dma_start3A_291 = arith.constant 0 : i32
      %dma_start3A_292 = tpu.memref_slice %arg12[%add3A_243, %dma_start3A_291] : memref<10240x128xf32, #tpu.memory_space<vmem_shared>> -> memref<80x128xf32, #tpu.memory_space<vmem_shared>>
      tpu.enqueue_dma source(%dma_start3A_292 : memref<80x128xf32, #tpu.memory_space<vmem_shared>>) target(%arg7 : memref<80x128xf32, #tpu.memory_space<vmem>>) target_semaphore(%run_scoped3A_288 : memref<!tpu.dma_semaphore, #tpu.memory_space<semaphore_mem>>)
      %dma_wait3A_293 = arith.constant 0 : i32
      %dma_wait3A_294 = tpu.memref_slice %arg12[%add3A_243, %dma_wait3A_293] : memref<10240x128xf32, #tpu.memory_space<vmem_shared>> -> memref<80x128xf32, #tpu.memory_space<vmem_shared>>
      %dma_wait3A_295 = arith.constant 0 : i32
      %dma_wait3A_296 = tpu.memref_slice %arg12[%add3A_243, %dma_wait3A_295] : memref<10240x128xf32, #tpu.memory_space<vmem_shared>> -> memref<80x128xf32, #tpu.memory_space<vmem_shared>>
      tpu.wait_dma2 semaphore(%run_scoped3A_288 : memref<!tpu.dma_semaphore, #tpu.memory_space<semaphore_mem>>) src(%dma_wait3A_296 : memref<80x128xf32, #tpu.memory_space<vmem_shared>>) dst(%arg7 : memref<80x128xf32, #tpu.memory_space<vmem>>)
      tpu.yield
    }) : () -> ()
    %dma_start3A_250 = arith.constant 0 : i32
    %dma_start3A_251 = tpu.memref_slice %arg4[%arg0, %add3A_243, %dma_start3A_250] : memref<2x10240x128xf32, #tpu.memory_space<hbm>> -> memref<1x80x128xf32, #tpu.memory_space<hbm>>
    %dma_start3A_252 = tpu.memref_squeeze %dma_start3A_251 : memref<1x80x128xf32, #tpu.memory_space<hbm>> -> memref<80x128xf32, #tpu.memory_space<hbm>>
    %dma_start3A_253 = arith.constant 0 : i32
    %dma_start3A_254 = tpu.memref_slice %arg4[%arg0, %add3A_243, %dma_start3A_253] : memref<2x10240x128xf32, #tpu.memory_space<hbm>> -> memref<1x80x128xf32, #tpu.memory_space<hbm>>
    %dma_start3A_255 = tpu.memref_squeeze %dma_start3A_254 : memref<1x80x128xf32, #tpu.memory_space<hbm>> -> memref<80x128xf32, #tpu.memory_space<hbm>>
    tpu.enqueue_dma source(%arg7 : memref<80x128xf32, #tpu.memory_space<vmem>>) target(%dma_start3A_255 : memref<80x128xf32, #tpu.memory_space<hbm>>) target_semaphore(%arg9 : memref<!tpu.dma_semaphore, #tpu.memory_space<semaphore_mem>>)
    %mul3A_256 = arith.constant 640 : i32
    %mul3A_257 = arith.muli %arg1, %mul3A_256 : i32
    %add3A_258 = arith.constant 560 : i32
    %add3A_259 = arith.addi %mul3A_257, %add3A_258 : i32
    %dma_wait3A_260 = arith.constant 0 : i32
    %dma_wait3A_261 = tpu.memref_slice %arg4[%arg0, %add3A_259, %dma_wait3A_260] : memref<2x10240x128xf32, #tpu.memory_space<hbm>> -> memref<1x80x128xf32, #tpu.memory_space<hbm>>
    %dma_wait3A_262 = tpu.memref_squeeze %dma_wait3A_261 : memref<1x80x128xf32, #tpu.memory_space<hbm>> -> memref<80x128xf32, #tpu.memory_space<hbm>>
    %dma_wait3A_263 = arith.constant 0 : i32
    %dma_wait3A_264 = tpu.memref_slice %arg4[%arg0, %add3A_259, %dma_wait3A_263] : memref<2x10240x128xf32, #tpu.memory_space<hbm>> -> memref<1x80x128xf32, #tpu.memory_space<hbm>>
    %dma_wait3A_265 = tpu.memref_squeeze %dma_wait3A_264 : memref<1x80x128xf32, #tpu.memory_space<hbm>> -> memref<80x128xf32, #tpu.memory_space<hbm>>
    tpu.wait_dma2 semaphore(%arg10 : memref<!tpu.dma_semaphore, #tpu.memory_space<semaphore_mem>>) src(%arg8 : memref<80x128xf32, #tpu.memory_space<vmem>>) dst(%dma_wait3A_265 : memref<80x128xf32, #tpu.memory_space<hbm>>)
    "tpu.region"() ({
      %run_scoped3A_288 = tpu.sem_alloc : memref<!tpu.dma_semaphore, #tpu.memory_space<semaphore_mem>>
      %dma_start3A_289 = arith.constant 0 : i32
      %dma_start3A_290 = tpu.memref_slice %arg12[%add3A_259, %dma_start3A_289] : memref<10240x128xf32, #tpu.memory_space<vmem_shared>> -> memref<80x128xf32, #tpu.memory_space<vmem_shared>>
      %dma_start3A_291 = arith.constant 0 : i32
      %dma_start3A_292 = tpu.memref_slice %arg12[%add3A_259, %dma_start3A_291] : memref<10240x128xf32, #tpu.memory_space<vmem_shared>> -> memref<80x128xf32, #tpu.memory_space<vmem_shared>>
      tpu.enqueue_dma source(%dma_start3A_292 : memref<80x128xf32, #tpu.memory_space<vmem_shared>>) target(%arg8 : memref<80x128xf32, #tpu.memory_space<vmem>>) target_semaphore(%run_scoped3A_288 : memref<!tpu.dma_semaphore, #tpu.memory_space<semaphore_mem>>)
      %dma_wait3A_293 = arith.constant 0 : i32
      %dma_wait3A_294 = tpu.memref_slice %arg12[%add3A_259, %dma_wait3A_293] : memref<10240x128xf32, #tpu.memory_space<vmem_shared>> -> memref<80x128xf32, #tpu.memory_space<vmem_shared>>
      %dma_wait3A_295 = arith.constant 0 : i32
      %dma_wait3A_296 = tpu.memref_slice %arg12[%add3A_259, %dma_wait3A_295] : memref<10240x128xf32, #tpu.memory_space<vmem_shared>> -> memref<80x128xf32, #tpu.memory_space<vmem_shared>>
      tpu.wait_dma2 semaphore(%run_scoped3A_288 : memref<!tpu.dma_semaphore, #tpu.memory_space<semaphore_mem>>) src(%dma_wait3A_296 : memref<80x128xf32, #tpu.memory_space<vmem_shared>>) dst(%arg8 : memref<80x128xf32, #tpu.memory_space<vmem>>)
      tpu.yield
    }) : () -> ()
    %dma_start3A_266 = arith.constant 0 : i32
    %dma_start3A_267 = tpu.memref_slice %arg4[%arg0, %add3A_259, %dma_start3A_266] : memref<2x10240x128xf32, #tpu.memory_space<hbm>> -> memref<1x80x128xf32, #tpu.memory_space<hbm>>
    %dma_start3A_268 = tpu.memref_squeeze %dma_start3A_267 : memref<1x80x128xf32, #tpu.memory_space<hbm>> -> memref<80x128xf32, #tpu.memory_space<hbm>>
    %dma_start3A_269 = arith.constant 0 : i32
    %dma_start3A_270 = tpu.memref_slice %arg4[%arg0, %add3A_259, %dma_start3A_269] : memref<2x10240x128xf32, #tpu.memory_space<hbm>> -> memref<1x80x128xf32, #tpu.memory_space<hbm>>
    %dma_start3A_271 = tpu.memref_squeeze %dma_start3A_270 : memref<1x80x128xf32, #tpu.memory_space<hbm>> -> memref<80x128xf32, #tpu.memory_space<hbm>>
    tpu.enqueue_dma source(%arg8 : memref<80x128xf32, #tpu.memory_space<vmem>>) target(%dma_start3A_271 : memref<80x128xf32, #tpu.memory_space<hbm>>) target_semaphore(%arg10 : memref<!tpu.dma_semaphore, #tpu.memory_space<semaphore_mem>>)
    %dma_wait3A_272 = arith.constant 0 : i32
    %dma_wait3A_273 = arith.constant 0 : i32
    %dma_wait3A_274 = tpu.memref_slice %arg4[%arg0, %dma_wait3A_272, %dma_wait3A_273] : memref<2x10240x128xf32, #tpu.memory_space<hbm>> -> memref<1x80x128xf32, #tpu.memory_space<hbm>>
    %dma_wait3A_275 = tpu.memref_squeeze %dma_wait3A_274 : memref<1x80x128xf32, #tpu.memory_space<hbm>> -> memref<80x128xf32, #tpu.memory_space<hbm>>
    %dma_wait3A_276 = arith.constant 0 : i32
    %dma_wait3A_277 = arith.constant 0 : i32
    %dma_wait3A_278 = tpu.memref_slice %arg4[%arg0, %dma_wait3A_276, %dma_wait3A_277] : memref<2x10240x128xf32, #tpu.memory_space<hbm>> -> memref<1x80x128xf32, #tpu.memory_space<hbm>>
    %dma_wait3A_279 = tpu.memref_squeeze %dma_wait3A_278 : memref<1x80x128xf32, #tpu.memory_space<hbm>> -> memref<80x128xf32, #tpu.memory_space<hbm>>
    tpu.wait_dma2 semaphore(%arg9 : memref<!tpu.dma_semaphore, #tpu.memory_space<semaphore_mem>>) src(%arg7 : memref<80x128xf32, #tpu.memory_space<vmem>>) dst(%dma_wait3A_279 : memref<80x128xf32, #tpu.memory_space<hbm>>)
    %dma_wait3A_280 = arith.constant 0 : i32
    %dma_wait3A_281 = arith.constant 0 : i32
    %dma_wait3A_282 = tpu.memref_slice %arg4[%arg0, %dma_wait3A_280, %dma_wait3A_281] : memref<2x10240x128xf32, #tpu.memory_space<hbm>> -> memref<1x80x128xf32, #tpu.memory_space<hbm>>
    %dma_wait3A_283 = tpu.memref_squeeze %dma_wait3A_282 : memref<1x80x128xf32, #tpu.memory_space<hbm>> -> memref<80x128xf32, #tpu.memory_space<hbm>>
    %dma_wait3A_284 = arith.constant 0 : i32
    %dma_wait3A_285 = arith.constant 0 : i32
    %dma_wait3A_286 = tpu.memref_slice %arg4[%arg0, %dma_wait3A_284, %dma_wait3A_285] : memref<2x10240x128xf32, #tpu.memory_space<hbm>> -> memref<1x80x128xf32, #tpu.memory_space<hbm>>
    %dma_wait3A_287 = tpu.memref_squeeze %dma_wait3A_286 : memref<1x80x128xf32, #tpu.memory_space<hbm>> -> memref<80x128xf32, #tpu.memory_space<hbm>>
    tpu.wait_dma2 semaphore(%arg10 : memref<!tpu.dma_semaphore, #tpu.memory_space<semaphore_mem>>) src(%arg8 : memref<80x128xf32, #tpu.memory_space<vmem>>) dst(%dma_wait3A_287 : memref<80x128xf32, #tpu.memory_space<hbm>>)
    return
  }
}

module attributes {stable_mosaic.version = 14 : i64} {
  func.func @_combine_body(%arg0: i32, %arg1: memref<2x5120x128xf32, #tpu.memory_space<vmem>>, %arg2: memref<32x5120xf32, #tpu.memory_space<vmem>>, %arg3: memref<5120x128xf32, #tpu.memory_space<vmem>>) attributes {dimension_semantics = [#tpu.dimension_semantics<arbitrary>], iteration_bounds = array<i64: 2>, scalar_prefetch = 0 : i64, scratch_operands = 0 : i64, tpu.core_type = #tpu.core_type<tc>, window_params = [{transform_indices = @transform_0, window_bounds = array<i64: 2, 5120, 128>}, {transform_indices = @transform_1, window_bounds = array<i64: 32, 5120>}, {transform_indices = @transform_2, window_bounds = array<i64: 5120, 128>}]} {
    %get3A = arith.constant 0 : index
    %get3A_0 = arith.constant 0 : index
    %get3A_1 = vector.load %arg2[%get3A, %get3A_0] : memref<32x5120xf32, #tpu.memory_space<vmem>>, vector<32x5120xf32>
    %reduce_sum3A = arith.constant dense<0.000000e+00> : vector<5120xf32>
    %reduce_sum3A_2 = vector.multi_reduction <add>, %get3A_1, %reduce_sum3A [0] : vector<32x5120xf32> to vector<5120xf32>
    %broadcast_in_dim3A = vector.shape_cast %reduce_sum3A_2 : vector<5120xf32> to vector<1x5120xf32>
    %max3A = arith.constant 1.000000e+00 : f32
    %max3A_3 = vector.broadcast %max3A : f32 to vector<1x5120xf32>
    %max3A_4 = arith.maximumf %broadcast_in_dim3A, %max3A_3 : vector<1x5120xf32>
    %transpose3A = tpu.transpose %max3A_4, [1, 0] : vector<1x5120xf32> -> vector<5120x1xf32>
    %div3A = arith.constant 1.000000e+00 : f32
    %div3A_5 = vector.broadcast %div3A : f32 to vector<5120x1xf32>
    %div3A_6 = arith.divf %div3A_5, %transpose3A : vector<5120x1xf32>
    %get3A_7 = arith.constant 0 : index
    %get3A_8 = arith.constant 0 : index
    %get3A_9 = arith.constant 0 : index
    %get3A_10 = vector.load %arg1[%get3A_7, %get3A_8, %get3A_9] : memref<2x5120x128xf32, #tpu.memory_space<vmem>>, vector<1x5120x128xf32>
    %get3A_11 = vector.shape_cast %get3A_10 : vector<1x5120x128xf32> to vector<5120x128xf32>
    %get3A_12 = arith.constant 1 : index
    %get3A_13 = arith.constant 0 : index
    %get3A_14 = arith.constant 0 : index
    %get3A_15 = vector.load %arg1[%get3A_12, %get3A_13, %get3A_14] : memref<2x5120x128xf32, #tpu.memory_space<vmem>>, vector<1x5120x128xf32>
    %get3A_16 = vector.shape_cast %get3A_15 : vector<1x5120x128xf32> to vector<5120x128xf32>
    %add3A = arith.addf %get3A_11, %get3A_16 : vector<5120x128xf32>
    %mul3A = vector.broadcast %div3A_6 : vector<5120x1xf32> to vector<5120x128xf32>
    %mul3A_17 = arith.mulf %add3A, %mul3A : vector<5120x128xf32>
    %swap3A = arith.constant 0 : index
    %swap3A_18 = arith.constant 0 : index
    %swap3A_19 = vector.load %arg3[%swap3A, %swap3A_18] : memref<5120x128xf32, #tpu.memory_space<vmem>>, vector<5120x128xf32>
    tpu.vector_store %arg3[%swap3A, %swap3A_18], %mul3A_17 {strides = array<i32>} : memref<5120x128xf32, #tpu.memory_space<vmem>>, vector<5120x128xf32>,
    return
  }
  func.func @transform_0(%arg0: i32) -> (i32, i32, i32) {
    %c0_i32 = arith.constant 0 : i32
    %c0_i32_0 = arith.constant 0 : i32
    %c0_i32_1 = arith.constant 0 : i32
    return %c0_i32, %arg0, %c0_i32_0 : i32, i32, i32
  }
  func.func @transform_1(%arg0: i32) -> (i32, i32) {
    %c0_i32 = arith.constant 0 : i32
    %c0_i32_0 = arith.constant 0 : i32
    return %c0_i32, %arg0 : i32, i32
  }
  func.func @transform_2(%arg0: i32) -> (i32, i32) {
    %c0_i32 = arith.constant 0 : i32
    %c0_i32_0 = arith.constant 0 : i32
    return %arg0, %c0_i32 : i32, i32
  }
}

module attributes {stable_mosaic.version = 14 : i64} {
  func.func @_final_body(%arg0: i32, %arg1: memref<2x5120x128xf32, #tpu.memory_space<vmem>>, %arg2: memref<32x5120xf32, #tpu.memory_space<vmem>>, %arg3: memref<128x128xf32, #tpu.memory_space<vmem>>, %arg4: memref<1x128xf32, #tpu.memory_space<vmem>>, %arg5: memref<5120x128xf32, #tpu.memory_space<vmem>>) attributes {dimension_semantics = [#tpu.dimension_semantics<arbitrary>], iteration_bounds = array<i64: 2>, scalar_prefetch = 0 : i64, scratch_operands = 0 : i64, tpu.core_type = #tpu.core_type<tc>, window_params = [{transform_indices = @transform_0, window_bounds = array<i64: 2, 5120, 128>}, {transform_indices = @transform_1, window_bounds = array<i64: 32, 5120>}, {pipeline_mode = #tpu.pipeline_mode<synchronous>, transform_indices = @transform_2, window_bounds = array<i64: 128, 128>}, {pipeline_mode = #tpu.pipeline_mode<synchronous>, transform_indices = @transform_3, window_bounds = array<i64: 1, 128>}, {transform_indices = @transform_4, window_bounds = array<i64: 5120, 128>}]} {
    %get3A = arith.constant 0 : index
    %get3A_0 = arith.constant 0 : index
    %get3A_1 = vector.load %arg2[%get3A, %get3A_0] : memref<32x5120xf32, #tpu.memory_space<vmem>>, vector<32x5120xf32>
    %reduce_sum3A = arith.constant dense<0.000000e+00> : vector<5120xf32>
    %reduce_sum3A_2 = vector.multi_reduction <add>, %get3A_1, %reduce_sum3A [0] : vector<32x5120xf32> to vector<5120xf32>
    %broadcast_in_dim3A = vector.shape_cast %reduce_sum3A_2 : vector<5120xf32> to vector<1x5120xf32>
    %max3A = arith.constant 1.000000e+00 : f32
    %max3A_3 = vector.broadcast %max3A : f32 to vector<1x5120xf32>
    %max3A_4 = arith.maximumf %broadcast_in_dim3A, %max3A_3 : vector<1x5120xf32>
    %transpose3A = tpu.transpose %max3A_4, [1, 0] : vector<1x5120xf32> -> vector<5120x1xf32>
    %rsqrt3A = math.rsqrt %transpose3A : vector<5120x1xf32>
    %get3A_5 = arith.constant 0 : index
    %get3A_6 = arith.constant 0 : index
    %get3A_7 = arith.constant 0 : index
    %get3A_8 = vector.load %arg1[%get3A_5, %get3A_6, %get3A_7] : memref<2x5120x128xf32, #tpu.memory_space<vmem>>, vector<1x5120x128xf32>
    %get3A_9 = vector.shape_cast %get3A_8 : vector<1x5120x128xf32> to vector<5120x128xf32>
    %get3A_10 = arith.constant 1 : index
    %get3A_11 = arith.constant 0 : index
    %get3A_12 = arith.constant 0 : index
    %get3A_13 = vector.load %arg1[%get3A_10, %get3A_11, %get3A_12] : memref<2x5120x128xf32, #tpu.memory_space<vmem>>, vector<1x5120x128xf32>
    %get3A_14 = vector.shape_cast %get3A_13 : vector<1x5120x128xf32> to vector<5120x128xf32>
    %add3A = arith.addf %get3A_9, %get3A_14 : vector<5120x128xf32>
    %mul3A = vector.broadcast %rsqrt3A : vector<5120x1xf32> to vector<5120x128xf32>
    %mul3A_15 = arith.mulf %add3A, %mul3A : vector<5120x128xf32>
    %get3A_16 = arith.constant 0 : index
    %get3A_17 = arith.constant 0 : index
    %get3A_18 = vector.load %arg3[%get3A_16, %get3A_17] : memref<128x128xf32, #tpu.memory_space<vmem>>, vector<128x128xf32>
    %dot_general3A = arith.constant dense<0.000000e+00> : vector<5120x128xf32>
    %dot_general3A_19 = tpu.matmul %mul3A_15, %get3A_18, %dot_general3A {dimension_numbers = #tpu.dot_dimension_numbers<[1], [0], [0], [1], [0, 0, 1, 1], [], []>, transpose_lhs_hint = false} : vector<5120x128xf32>, vector<128x128xf32>, vector<5120x128xf32> -> vector<5120x128xf32>
    %get3A_20 = arith.constant 0 : index
    %get3A_21 = arith.constant 0 : index
    %get3A_22 = vector.load %arg4[%get3A_20, %get3A_21] : memref<1x128xf32, #tpu.memory_space<vmem>>, vector<1x128xf32>
    %add3A_23 = vector.broadcast %get3A_22 : vector<1x128xf32> to vector<5120x128xf32>
    %add3A_24 = arith.addf %dot_general3A_19, %add3A_23 : vector<5120x128xf32>
    %swap3A = arith.constant 0 : index
    %swap3A_25 = arith.constant 0 : index
    %swap3A_26 = vector.load %arg5[%swap3A, %swap3A_25] : memref<5120x128xf32, #tpu.memory_space<vmem>>, vector<5120x128xf32>
    tpu.vector_store %arg5[%swap3A, %swap3A_25], %add3A_24 {strides = array<i32>} : memref<5120x128xf32, #tpu.memory_space<vmem>>, vector<5120x128xf32>,
    return
  }
  func.func @transform_0(%arg0: i32) -> (i32, i32, i32) {
    %c0_i32 = arith.constant 0 : i32
    %c0_i32_0 = arith.constant 0 : i32
    %c0_i32_1 = arith.constant 0 : i32
    return %c0_i32, %arg0, %c0_i32_0 : i32, i32, i32
  }
  func.func @transform_1(%arg0: i32) -> (i32, i32) {
    %c0_i32 = arith.constant 0 : i32
    %c0_i32_0 = arith.constant 0 : i32
    return %c0_i32, %arg0 : i32, i32
  }
  func.func @transform_2(%arg0: i32) -> (i32, i32) {
    %c0_i32 = arith.constant 0 : i32
    %c0_i32_0 = arith.constant 0 : i32
    %c0_i32_1 = arith.constant 0 : i32
    return %c0_i32, %c0_i32_0 : i32, i32
  }
  func.func @transform_3(%arg0: i32) -> (i32, i32) {
    %c0_i32 = arith.constant 0 : i32
    %c0_i32_0 = arith.constant 0 : i32
    %c0_i32_1 = arith.constant 0 : i32
    return %c0_i32, %c0_i32_0 : i32, i32
  }
  func.func @transform_4(%arg0: i32) -> (i32, i32) {
    %c0_i32 = arith.constant 0 : i32
    %c0_i32_0 = arith.constant 0 : i32
    return %arg0, %c0_i32 : i32, i32
  }
}

module attributes {stable_mosaic.version = 14 : i64} {
  func.func @_scale_body(%arg0: i32, %arg1: memref<5120x128xf32, #tpu.memory_space<vmem>>, %arg2: memref<32x5120xf32, #tpu.memory_space<vmem>>, %arg3: memref<5120x128xf32, #tpu.memory_space<vmem>>) attributes {dimension_semantics = [#tpu.dimension_semantics<arbitrary>], iteration_bounds = array<i64: 2>, scalar_prefetch = 0 : i64, scratch_operands = 0 : i64, tpu.core_type = #tpu.core_type<tc>, window_params = [{transform_indices = @transform_0, window_bounds = array<i64: 5120, 128>}, {transform_indices = @transform_1, window_bounds = array<i64: 32, 5120>}, {transform_indices = @transform_2, window_bounds = array<i64: 5120, 128>}]} {
    %get3A = arith.constant 0 : index
    %get3A_0 = arith.constant 0 : index
    %get3A_1 = vector.load %arg2[%get3A, %get3A_0] : memref<32x5120xf32, #tpu.memory_space<vmem>>, vector<32x5120xf32>
    %reduce_sum3A = arith.constant dense<0.000000e+00> : vector<5120xf32>
    %reduce_sum3A_2 = vector.multi_reduction <add>, %get3A_1, %reduce_sum3A [0] : vector<32x5120xf32> to vector<5120xf32>
    %broadcast_in_dim3A = vector.shape_cast %reduce_sum3A_2 : vector<5120xf32> to vector<1x5120xf32>
    %max3A = arith.constant 1.000000e+00 : f32
    %max3A_3 = vector.broadcast %max3A : f32 to vector<1x5120xf32>
    %max3A_4 = arith.maximumf %broadcast_in_dim3A, %max3A_3 : vector<1x5120xf32>
    %transpose3A = tpu.transpose %max3A_4, [1, 0] : vector<1x5120xf32> -> vector<5120x1xf32>
    %rsqrt3A = math.rsqrt %transpose3A : vector<5120x1xf32>
    %get3A_5 = arith.constant 0 : index
    %get3A_6 = arith.constant 0 : index
    %get3A_7 = vector.load %arg1[%get3A_5, %get3A_6] : memref<5120x128xf32, #tpu.memory_space<vmem>>, vector<5120x128xf32>
    %mul3A = vector.broadcast %rsqrt3A : vector<5120x1xf32> to vector<5120x128xf32>
    %mul3A_8 = arith.mulf %get3A_7, %mul3A : vector<5120x128xf32>
    %swap3A = arith.constant 0 : index
    %swap3A_9 = arith.constant 0 : index
    %swap3A_10 = vector.load %arg3[%swap3A, %swap3A_9] : memref<5120x128xf32, #tpu.memory_space<vmem>>, vector<5120x128xf32>
    tpu.vector_store %arg3[%swap3A, %swap3A_9], %mul3A_8 {strides = array<i32>} : memref<5120x128xf32, #tpu.memory_space<vmem>>, vector<5120x128xf32>,
    return
  }
  func.func @transform_0(%arg0: i32) -> (i32, i32) {
    %c0_i32 = arith.constant 0 : i32
    %c0_i32_0 = arith.constant 0 : i32
    return %arg0, %c0_i32 : i32, i32
  }
  func.func @transform_1(%arg0: i32) -> (i32, i32) {
    %c0_i32 = arith.constant 0 : i32
    %c0_i32_0 = arith.constant 0 : i32
    return %c0_i32, %arg0 : i32, i32
  }
  func.func @transform_2(%arg0: i32) -> (i32, i32) {
    %c0_i32 = arith.constant 0 : i32
    %c0_i32_0 = arith.constant 0 : i32
    return %arg0, %c0_i32 : i32, i32
  }
}

</mosaic_0001>

<sc_bundles>
// kernel: kernel.11.cloned.1.call-start
scs
__scs_entry_jumppad:
0x0: {  	(pc) =	sbr.rel $0x88, $3  }
0x1: {  	(tag) =	ssettag $0x0;
	lr =	simm.s32 $0x1  }
0x2: {  	[smem:$0x3F9D] =	sst lr;
	_ =	strace $0xD0000000  }
0x3: {  	_ = 	snop  }
0x4: {  	_ = 	snop  }
0x5: {  	_ = 	snop  }
0x6: {  	_ = 	snop  }
0x7: {  	_ = 	snop  }
__scs_overlays_trampoline_lowered:
0x8: {  	[smem:$0x3FAC] =	sst s0  }
0x9: {  	[smem:$0x3FAD] =	sst s1  }
0xa: {  	[smem:$0x3FAE] =	sst s2  }
0xb: {  	[smem:$0x3FAF] =	sst s3  }
0xc: {  	[smem:$0x3FB0] =	sst s4  }
0xd: {  	[smem:$0x3FB1] =	sst s5  }
0xe: {  	[smem:$0x3FB2] =	sst s6  }
0xf: {  	[smem:$0x3FB3] =	sst s7  }
0x10: {  	[smem:$0x3FB4] =	sst s8  }
0x11: {  	[smem:$0x3FB5] =	sst s9;
	s0 =	simm.s32 @!p0 $0x0  }
0x12: {  	s1 =	sld [smem:$0x3F9B];
	s0 =	simm.s32 @p0 $0x1  }
0x13: {  	[smem:$0x3FB6] =	sst s0;
	s0 =	simm.s32 @!p1 $0x0  }
0x14: {  	s2 =	sld [smem:$0x3F9A];
	s0 =	simm.s32 @p1 $0x1  }
0x15: {  	[smem:$0x3FB7] =	sst s0;
	s0 =	simm.s32 @!p2 $0x0  }
0x16: {  	s3 =	sld [smem:$0x3FDB];
	s0 =	simm.s32 @p2 $0x1  }
0x17: {  	s4 =	simm.s32 $0x1BF5;
	[smem:$0x3FB9] =	sst s0  }
0x18: {  	s0 =	sld [smem:$0x3F9C];
	_ =	swait.ge [sflag:s4], $0x0  }
0x19: {  	s7 =	sld [smem:$0x3F9D]  }
0x1a: {  	s8 =	sadd.s32 $0xFFFFE003, lr  }
0x1b: {  	s9 =	sadd.s32 $0xFFFFFEF7, lr;
	s5 =	simm.s32 $0xFFFFFFFF;
	p2 =	slt.u32 s8, $0xFFFFF086  }
0x1c: {  	p1 =	slt.u32 s9, $0xF7A;
	s5 =	simm.s32 @!p2 $0x0  }
0x1d: {  	s5 =	simm.s32 @p1 $0x1;
	p0 =	seq.s32 s7, s2  }
0x1e: {  	s7 =	smul.u32 @!p0 $0xF7A, s2;
	p2 =	seq.s32 @!p0 s5, $0x0  }
0x1f: {  	s9 =	smul.u32 $0xF7A, s1;
	s8 =	simm.s32 @!p0 $0x1BF5;
	p2 =	por !p2, p0  }
0x20: {  	[sflag:s8] =	ssyncset.s32 @!p0 $0xFFFFF086;
	s6 =	sadd.s32 @!p0 s3, s7;
	s7 =	simm.s32 @!p0 $0x108  }
0x21: {  	s3 =	sadd.s32 s3, s9;
	s6 =	sadd.s32 @!p0 $0x88, s6;
	s7 =	simm.s32 @p2 $0x1082  }
0x22: {  	[simem:s7], [sflag:s8] =	dma.local @!p0 [hbm:s6], $0xF7A  }
0x23: {  	s9 =	sor.u32 $0xD0000000, s2;
	s6 =	simm.s32 $0x108;
	_ =	swait.ge @!p0 [sflag:s8], $0x0  }
0x24: {  	s3 =	sadd.s32 $0x88, s3;
	s6 =	simm.s32 @!p1 $0x1082;
	[sflag:s4] =	ssyncset.s32 $0xFFFFF086  }
0x25: {  	[simem:s6], [sflag:s4] =	dma.local [hbm:s3], $0xF7A  }
0x26: {  	[smem:$0x3F9D] =	sst s1;
	(tag) =	ssettag s2;
	_ =	strace s9  }
0x27: {  	s1 =	sld [smem:$0x3FAD]  }
0x28: {  	s2 =	sld [smem:$0x3FAE]  }
0x29: {  	s4 =	sld [smem:$0x3FB0]  }
0x2a: {  	p0 =	seq.s32 s5, $0x0;
	s5 =	sld [smem:$0x3FB1]  }
0x2b: {  	s6 =	sld [smem:$0x3FB2]  }
0x2c: {  	s7 =	sld [smem:$0x3FB3]  }
0x2d: {  	s3 =	simm.s32 $0x108;
	s8 =	sld [smem:$0x3FB4]  }
0x2e: {  	s3 =	simm.s32 @!p0 $0x1082;
	s9 =	sld [smem:$0x3FB5]  }
0x2f: {  	lr =	sadd.s32 s0, s3;
	s0 =	sld [smem:$0x3FAC]  }
0x30: {  	s3 =	sld [smem:$0x3FAF]  }
0x31: {  	[smem:$0x3FB8] =	sst s10  }
0x32: {  	s10 =	sld [smem:$0x3FB6];
	_ =	sdelay $0x3  }
0x33: {  	p0 =	seq.s32 s10, $0x1;
	s10 =	sld [smem:$0x3FB8];
	_ =	sdelay $0x3  }
0x34: {  	[smem:$0x3FB8] =	sst s10  }
0x35: {  	s10 =	sld [smem:$0x3FB7];
	_ =	sdelay $0x3  }
0x36: {  	p1 =	seq.s32 s10, $0x1;
	s10 =	sld [smem:$0x3FB8];
	_ =	sdelay $0x3  }
0x37: {  	[smem:$0x3FB8] =	sst s10  }
0x38: {  	s10 =	sld [smem:$0x3FB9]  }
0x39: {  	_ = 	snop;
	(pc) =	sbr.ind lr, $3  }
0x3a: {  	_ = 	snop  }
0x3b: {  	_ = 	snop  }
0x3c: {  	p2 =	seq.s32 s10, $0x1;
	s10 =	sld [smem:$0x3FB8]  }
0x3d: {  	_ =	shalt  }
0x3e: {  	_ =	shalt  }
0x3f: {  	_ =	shalt  }
0x40: {  	_ =	shalt  }
0x41: {  	_ =	shalt  }
0x42: {  	_ =	shalt  }
0x43: {  	_ =	shalt  }
0x44: {  	_ =	shalt  }
0x45: {  	_ =	shalt  }
0x46: {  	_ =	shalt  }
0x47: {  	_ =	shalt  }
0x48: {  	_ =	shalt  }
0x49: {  	_ =	shalt  }
0x4a: {  	_ =	shalt  }
0x4b: {  	_ =	shalt  }
0x4c: {  	_ =	shalt  }
0x4d: {  	_ =	shalt  }
0x4e: {  	_ =	shalt  }
0x4f: {  	_ =	shalt  }
0x50: {  	_ =	shalt  }
0x51: {  	_ =	shalt  }
0x52: {  	_ =	shalt  }
0x53: {  	_ =	shalt  }
0x54: {  	_ =	shalt  }
0x55: {  	_ =	shalt  }
0x56: {  	_ =	shalt  }
0x57: {  	_ =	shalt  }
0x58: {  	_ =	shalt  }
0x59: {  	_ =	shalt  }
0x5a: {  	_ =	shalt  }
0x5b: {  	_ =	shalt  }
0x5c: {  	_ =	shalt  }
0x5d: {  	_ =	shalt  }
0x5e: {  	_ =	shalt  }
0x5f: {  	_ =	shalt  }
0x60: {  	_ =	shalt  }
0x61: {  	_ =	shalt  }
0x62: {  	_ =	shalt  }
0x63: {  	_ =	shalt  }
0x64: {  	_ =	shalt  }
0x65: {  	_ =	shalt  }
0x66: {  	_ =	shalt  }
0x67: {  	_ =	shalt  }
0x68: {  	_ =	shalt  }
0x69: {  	_ =	shalt  }
0x6a: {  	_ =	shalt  }
0x6b: {  	_ =	shalt  }
0x6c: {  	_ =	shalt  }
0x6d: {  	_ =	shalt  }
0x6e: {  	_ =	shalt  }
0x6f: {  	_ =	shalt  }
0x70: {  	_ =	shalt  }
0x71: {  	_ =	shalt  }
0x72: {  	_ =	shalt  }
0x73: {  	_ =	shalt  }
0x74: {  	_ =	shalt  }
0x75: {  	_ =	shalt  }
0x76: {  	_ =	shalt  }
0x77: {  	_ =	shalt  }
0x78: {  	_ =	shalt  }
0x79: {  	_ =	shalt  }
0x7a: {  	_ =	shalt  }
0x7b: {  	_ =	shalt  }
0x7c: {  	_ =	shalt  }
0x7d: {  	_ =	shalt  }
0x7e: {  	_ =	shalt  }
0x7f: {  	_ =	shalt  }
0x80: {  	_ =	shalt  }
0x81: {  	_ =	shalt  }
0x82: {  	_ =	shalt  }
0x83: {  	_ =	shalt  }
0x84: {  	_ =	shalt  }
0x85: {  	_ =	shalt  }
0x86: {  	_ =	shalt  }
0x87: {  	_ =	shalt  }
.Lfunc_end0:
.L_simem_size_0:
called_computation.1_lowered:
.L_overlay_start_0:
0x88: {  	s2 =	sld [smem:$0x3FD9]  }
0x89: {  	s3 =	sld [smem:$0x3FFE];
	_ =	sdelay $0x1  }
0x8a: {  	s1 =	srdreg.scid  }
0x8b: {  	s0 =	sand.u32 $0x1, s1  }
0x8c: {  	s14 =	sshll.u32 s0, $0xA;
	s2 =	sadd.s32 s3, s2  }
0x8d: {  	s2 =	sadd.s32 s2, s14  }
0x8e: {  	[smem:$0x3FC4] =	sst s2  }
0x8f: {  	_ = 	snop  }
0x90: {  	s2 =	sld [smem:$0x3FD0];
	_ =	sdelay $0x2  }
0x91: {  	s15 =	simm.s32 $0xA;
	s4 =	simm.s32 $0x10  }
0x92: {  	[smem:s4], [sflag:s15] =	dma.local [hbm:s2], $0x1  }
0x93: {  	_ =	swait.eq [sflag:s15], $0x1  }
0x94: {  	[sflag:s15] =	ssyncset.done $0x0  }
0x95: {  	[sflag:s15] =	ssyncadd.s32 $0xFFFFFFFF  }
0x96: {  	s16 =	sld [smem:$0x10];
	(tm) =	ssettm $0x1  }
0x97: {  	s17 =	sld [smem:$0x3FFB];
	_ =	sdelay $0x3  }
0x98: {  	_ =	strace s17  }
0x99: {  	s3 =	sld [smem:$0x3FFC];
	_ =	sdelay $0x3  }
0x9a: {  	_ =	strace s3  }
0x9b: {  	s3 =	sld [smem:$0x3FFD];
	_ =	sdelay $0x3  }
0x9c: {  	_ =	strace s3  }
0x9d: {  	_ =	strace $0x8FFFFFFF  }
0x9e: {  	s18 =	sld [smem:$0x3FDB];
	_ =	sdelay $0x1  }
0x9f: {  	s19 =	simm.s32 $_scs_section_size  }
0xa0: {  	s5 =	simm.s32 $_size__tile_overlayer_lowered;
	s6 =	simm.s32 $_tile_overlayer_lowered  }
0xa1: {  	s22 =	simm.s32 $0x1BFF;
	s21 =	sshll.u32 s6, $0x1;
	s3 =	sadd.s32 s19, s18  }
0xa2: {  	s7 =	simm.s32 $0x0;
	s20 =	sshll.u32 s5, $0x1;
	s5 =	sadd.s32 s21, s3  }
0xa3: {  	[timem:s7], [sflag:s22] =	dma.local [hbm:s5], s20  }
0xa4: {  	_ =	swait.ge [sflag:s22], s20  }
0xa5: {  	s4 =	ssub.s32 $0x0, s20;
	[sflag:s22] =	ssyncset.done $0x0  }
0xa6: {  	[sflag:s22] =	ssyncadd.s32 s4;
	_ =	sdelay $0x1  }
0xa7: {  	s23 =	simm.s32 $0x1B8B  }
0xa8: {  	_ =	swait.ge [sflag:s23], $0x1  }
0xa9: {  	[sflag:s23] =	ssyncset.done $0x0  }
0xaa: {  	s25 =	simm.s32 $0x1B8E;
	s24 =	sld [smem:$0x3FFE];
	[sflag:s23] =	ssyncadd.s32 $0xFFFFFFFF  }
0xab: {  	s26 =	simm.s32 $execute0_lowered;
	[smem:$0x3FD2] =	sst s25  }
0xac: {  	s5 =	sshll.u32 s26, $0x1;
	_ =	strace $0x80000049;
	[dreg:$0x1] =	wrdreg $0xFFFFFFFF  }
0xad: {  	s28 =	simm.s32 $_size_execute0_lowered;
	s3 =	sadd.s32 s3, s5;
	[dreg:$0x0] =	wrdreg $0x0  }
0xae: {  	s5 =	sshll.u32 s28, $0x1;
	[dreg:$0x2] =	wrdreg s3  }
0xaf: {  	[dreg:$0x3] =	wrdreg s5  }
0xb0: {  	[dreg:$0x4] =	wrdreg $0xC0  }
0xb1: {  	_ =	task [dreg:s7], $0x5FFFF  }
0xb2: {  	[dreg:$0x1] =	wrdreg $0xFFFFFFFF  }
0xb3: {  	[dreg:$0x0] =	wrdreg $0x60  }
0xb4: {  	[dreg:$0x2] =	wrdreg s24  }
0xb5: {  	[dreg:$0x3] =	wrdreg s16  }
0xb6: {  	[dreg:$0x4] =	wrdreg $0xB7800  }
0xb7: {  	[dreg:$0x5] =	wrdreg $0x9  }
0xb8: {  	_ =	task.clear_ibuf [dreg:s7], $0x6FFFF;
	_ =	strace $0x90000049  }
0xb9: {  	s29 =	simm.s32 $0x9;
	_ =	strace $0x8000004B  }
0xba: {  	_ =	swait.ge [sflag:s29], $0x1  }
0xbb: {  	[sflag:s29] =	ssyncadd.s32 $0xFFFFFFFF  }
0xbc: {  	_ =	strace $0x9000004B  }
0xbd: {  	_ =	sfence  }
0xbe: {  	s30 =	sld [smem:$0x0];
	_ =	sdelay $0x2  }
0xbf: {  	s31 =	sshll.u32 s1, $0xD;
	s1 =	sshrl.u32 s1, $0x2  }
0xc0: {  	s3 =	sand.u32 $0x4000, s31;
	s1 =	sadd.s32 s1, s30  }
0xc1: {  	s0 =	sor.u32 s3, s0;
	s1 =	sshll.u32 s1, $0x11  }
0xc2: {  	s0 =	sor.u32 s1, s0  }
0xc3: {  	s0 =	sadd.s32 $0x8F2B, s0  }
0xc4: {  	[sflag:s0] =	ssyncadd.remote.s32 $0x1  }
0xc5: {  	_ =	sfence.sel $0xFFFF  }
0xc6: {  	[dreg:$0x0] =	wrdreg $0xFFFFFFFF;
	(pc) =	sbr.abs _section_cstart, $3  }
0xc7: {  	[dreg:$0x1] =	wrdreg $0xFFFFFFFF  }
0xc8: {  	_ =	task.clear_ibuf [dreg:s7], $0x2FFFF;
	_ =	strace $0x9FFFFFFF  }
0xc9: {  	(tm) =	ssettm $0x7FFFFFFF  }
tec
execute0_lowered:
.L_overlay_start_1:
0x0: {  	(tag) =	ssettag $0x1  }
0x1: {  	s2 =	rddreg [dreg:$0x0]  }
0x2: {  	s0 =	rddreg [dreg:$0x1]  }
0x3: {  	s1 =	rddreg [dreg:$0x2]  }
0x4: {  	s3 =	srdreg.scid;
	s11 =	stileid.u32;
	s28 =	simm.s32 $0x3  }
0x5: {  	s29 =	simm.s32 $0x50;
	s30 =	simm.s32 $0x8F80;
	s8 =	smul.u32 $0x50000, s11  }
0x6: {  	s31 =	simm.s32 $0x2;
	s5 =	sand.u32 $0x1, s3;
	s13 =	smul.u32 $0x14000, s11  }
0x7: {  	s3 =	simm.s32 $0x0;
	s20 =	smul.u32 $0x2710, s11;
	s4 =	sshll.u32 s5, $0x4  }
0x8: {  	[smem:$0x7FF] =	sst s3;
	s7 =	ssub.s32 $0x2, s5;
	s19 =	smul.u32 $0x27100, s5  }
0x9: {  	s5 =	smul.u32 $0x140000, s5;
	s4 =	sor.u32 s11, s4;
	_ =	strace $0x8000004A  }
0xa: {  	s9 =	sshrl.u32 s7, $0x1;
	s24 =	sshrl.u32 s8, $0x2;
	s15 =	sor.u32 $0x2800, s13  }
0xb: {  	s16 =	sadd.s32 $0x5000, s13;
	s17 =	sadd.s32 $0x7800, s13;
	s18 =	sadd.s32 $0xA000, s13  }
0xc: {  	s21 =	sadd.s32 $0xC800, s13;
	s22 =	sadd.s32 $0xF000, s13;
	s25 =	sadd.s32 $0x11800, s13  }
0xd: {  	s6 =	smul.u32 $0x2710, s4;
	s4 =	sadd.s32 $0x2200, s2;
	s2 =	sadd.s32 $0x2A200, s2  }
0xe: {  	s14 =	ssub.s32 s7, s9;
	s7 =	sadd.s32 s15, s1;
	s8 =	sadd.s32 s16, s1  }
0xf: {  	s9 =	sadd.s32 s17, s1;
	s10 =	sadd.s32 s18, s1;
	s11 =	sadd.s32 s21, s1  }
0x10: {  	s12 =	sadd.s32 s22, s1;
	s20 =	sadd.s32 s20, s19;
	s23 =	sadd.s32 s13, s5  }
0x11: {  	s15 =	sadd.s32 s5, s15;
	s16 =	sadd.s32 s5, s16;
	s17 =	sadd.s32 s5, s17  }
0x12: {  	s18 =	sadd.s32 s5, s18;
	s21 =	sadd.s32 s5, s21;
	s22 =	sadd.s32 s5, s22  }
0x13: {  	s5 =	sadd.s32 s5, s25;
	s13 =	sadd.s32 s25, s1;
	s26 =	sshrl.u32 s23, $0x3  }
0x14: {  	s15 =	sshrl.u32 s15, $0x3;
	s16 =	sshrl.u32 s16, $0x3;
	s17 =	sshrl.u32 s17, $0x3  }
0x15: {  	s18 =	sshrl.u32 s18, $0x3;
	s23 =	sshrl.u32 s21, $0x3;
	s25 =	sadd.s32 $0x4E200, s20  }
0x16: {  	s5 =	sshrl.u32 s5, $0x3;
	s6 =	sshrl.u32 s6, $0x3;
	s19 =	sadd.s32 s2, s26  }
0x17: {  	s15 =	sadd.s32 s2, s15;
	s17 =	sadd.s32 s2, s17;
	s18 =	sadd.s32 s2, s18  }
0x18: {  	s26 =	sshrl.u32 s25, $0x3;
	s21 =	sadd.s32 s2, s5;
	[dreg:$0x5] =	wrdreg s19  }
0x19: {  	s25 =	simm.s32 $0x6780;
	s6 =	sadd.s32 s0, s6;
	[dreg:$0x6] =	wrdreg s15  }
0x1a: {  	s19 =	sadd.s32 s2, s16;
	[dreg:$0x4] =	wrdreg s6;
	s6 =	sadd.s32 s24, s1  }
0x1b: {  	[dreg:$0x7] =	wrdreg s19;
	s19 =	sadd.s32 s2, s23;
	s24 =	sshrl.u32 s22, $0x3  }
0x1c: {  	s22 =	smax.u32 s14, $0x1;
	s23 =	sadd.s32 s26, s0;
	s26 =	simm.s32 $0x1  }
0x1d: {  	v0 =	vimm.f32 $0.0e+00;
	s0 =	simm.s32 $0x0;
	s20 =	sadd.s32 s2, s24;
	s24 =	simm.s32 $0x4  }
.LBB2_1:
0x1e: {  	s2 =	rddreg [dreg:$0x4]  }
0x1f: {  	[tilespmem:s3], [sflag:$0x4] =	stream.linear.gather [hbm4b:s2+s3], $0x2710, $0x38;
	[tilespmem:$0x1F780] =	vst v63  }
0x20: {  	_ =	swait.ge [sflag:s24], $0x2710  }
0x21: {  	[sflag:s24] =	ssyncset.done $0x0  }
0x22: {  	s5 =	sadd.s32 $0x0, s23;
	s2 =	simm.s32 $0x2780;
	[sflag:s24] =	ssyncadd.s32 $0xFFFFD8F0  }
0x23: {  	[tilespmem:s2], [sflag:$0x3] =	stream.linear.gather [hbm4b:s5+s3], $0x50, $0x38;
	[tilespmem:$0x1F780] =	vst v63  }
0x24: {  	s5 =	simm.s32 $0xA  }
.LBB2_2:
0x25: {  	p0 =	sne.s32 s5, $0x4D8  }
.Ltmp0:
0x26: {  	_ = 	snop;
	(pc) =	sbr.rel @p0 .LBB2_2-.Ltmp0, $4  }
0x27: {  	_ = 	snop  }
0x28: {  	s14 =	sadd.s32 s5, s23;
	s2 =	sadd.s32 $0x80, s2  }
0x29: {  	s15 =	simm.s32 $0x0;
	s5 =	sadd.s32 $0xA, s5  }
0x2a: {  	[tilespmem:s2], [sflag:$0x3] =	stream.linear.gather [hbm4b:s14+s15], $0x50, $0x38;
	[tilespmem:$0x1F780] =	vst v63  }
0x2b: {  	s2 =	simm.s32 $0x0;
	s5 =	simm.s32 $0x200  }
.LBB2_4:
0x2c: {  	p0 =	sne.s32 s5, $0x9E00;
	[tilespmem:s2+$0x67F0] =	vst v0  }
0x2d: {  	[tilespmem:s2+$0x6780] =	vst v0  }
0x2e: {  	[tilespmem:s2+$0x6790] =	vst v0  }
.Ltmp1:
0x2f: {  	[tilespmem:s2+$0x67A0] =	vst v0;
	(pc) =	sbr.rel @p0 .LBB2_4-.Ltmp1, $4  }
0x30: {  	[tilespmem:s2+$0x67B0] =	vst v0  }
0x31: {  	[tilespmem:s2+$0x67C0] =	vst v0  }
0x32: {  	[tilespmem:s2+$0x67D0] =	vst v0  }
0x33: {  	[tilespmem:s2+$0x67E0] =	vst v0;
	s2 =	sshra.s32 s5, $0x2;
	s5 =	sadd.s32 $0x200, s5  }
0x34: {  	[tilespmem:s2+$0x67F0] =	vst v0  }
0x35: {  	[tilespmem:s2+$0x6780] =	vst v0  }
0x36: {  	[tilespmem:s2+$0x6790] =	vst v0  }
0x37: {  	[tilespmem:s2+$0x67A0] =	vst v0  }
0x38: {  	[tilespmem:s2+$0x67B0] =	vst v0  }
0x39: {  	[tilespmem:s2+$0x67C0] =	vst v0  }
0x3a: {  	[tilespmem:s2+$0x67D0] =	vst v0  }
0x3b: {  	[tilespmem:s2+$0x67E0] =	vst v0  }
0x3c: {  	[spmem:s6] =	stream.linear.scatter [tilespmem:s25], [sflag:$0x1], $0x2800, $0x38;
	[tilespmem:$0x1F780] =	vst v63  }
0x3d: {  	_ = 	snop  }
0x3e: {  	[spmem:s7] =	stream.linear.scatter [tilespmem:s25], [sflag:$0x1], $0x2800, $0x38;
	[tilespmem:$0x1F780] =	vst v63  }
0x3f: {  	_ = 	snop  }
0x40: {  	[spmem:s8] =	stream.linear.scatter [tilespmem:s25], [sflag:$0x1], $0x2800, $0x38;
	[tilespmem:$0x1F780] =	vst v63  }
0x41: {  	_ = 	snop  }
0x42: {  	[spmem:s9] =	stream.linear.scatter [tilespmem:s25], [sflag:$0x1], $0x2800, $0x38;
	[tilespmem:$0x1F780] =	vst v63  }
0x43: {  	_ = 	snop  }
0x44: {  	[spmem:s10] =	stream.linear.scatter [tilespmem:s25], [sflag:$0x1], $0x2800, $0x38;
	[tilespmem:$0x1F780] =	vst v63  }
0x45: {  	_ = 	snop  }
0x46: {  	[spmem:s11] =	stream.linear.scatter [tilespmem:s25], [sflag:$0x1], $0x2800, $0x38;
	[tilespmem:$0x1F780] =	vst v63  }
0x47: {  	_ = 	snop  }
0x48: {  	[spmem:s12] =	stream.linear.scatter [tilespmem:s25], [sflag:$0x1], $0x2800, $0x38;
	[tilespmem:$0x1F780] =	vst v63  }
0x49: {  	_ = 	snop  }
0x4a: {  	[spmem:s13] =	stream.linear.scatter [tilespmem:s25], [sflag:$0x1], $0x2800, $0x38;
	[tilespmem:$0x1F780] =	vst v63  }
0x4b: {  	_ =	swait.ge [sflag:s26], $0x2800  }
0x4c: {  	[sflag:s26] =	ssyncset.done $0x0  }
0x4d: {  	[sflag:s26] =	ssyncadd.s32 $0xFFFFD800  }
0x4e: {  	_ =	swait.ge [sflag:s26], $0x2800  }
0x4f: {  	[sflag:s26] =	ssyncset.done $0x0  }
0x50: {  	[sflag:s26] =	ssyncadd.s32 $0xFFFFD800  }
0x51: {  	_ =	swait.ge [sflag:s26], $0x2800  }
0x52: {  	[sflag:s26] =	ssyncset.done $0x0  }
0x53: {  	[sflag:s26] =	ssyncadd.s32 $0xFFFFD800  }
0x54: {  	_ =	swait.ge [sflag:s26], $0x2800  }
0x55: {  	[sflag:s26] =	ssyncset.done $0x0  }
0x56: {  	[sflag:s26] =	ssyncadd.s32 $0xFFFFD800  }
0x57: {  	_ =	swait.ge [sflag:s26], $0x2800  }
0x58: {  	[sflag:s26] =	ssyncset.done $0x0  }
0x59: {  	[sflag:s26] =	ssyncadd.s32 $0xFFFFD800  }
0x5a: {  	_ =	swait.ge [sflag:s26], $0x2800  }
0x5b: {  	[sflag:s26] =	ssyncset.done $0x0  }
0x5c: {  	[sflag:s26] =	ssyncadd.s32 $0xFFFFD800  }
0x5d: {  	_ =	swait.ge [sflag:s26], $0x2800  }
0x5e: {  	[sflag:s26] =	ssyncset.done $0x0  }
0x5f: {  	[sflag:s26] =	ssyncadd.s32 $0xFFFFD800  }
0x60: {  	_ =	swait.ge [sflag:s26], $0x2800  }
0x61: {  	[sflag:s26] =	ssyncset.done $0x0  }
0x62: {  	[sflag:s26] =	ssyncadd.s32 $0xFFFFD800  }
0x63: {  	_ =	swait.ge [sflag:s28], $0x50  }
0x64: {  	s2 =	simm.s32 $0x7C;
	[sflag:s28] =	ssyncset.done $0x0  }
.LBB2_6:
0x65: {  	p0 =	sne.s32 s2, $0x1;
	s2 =	sadd.s32 $0xFFFFFFFF, s2;
	[sflag:s28] =	ssyncadd.s32 $0xFFFFFFB0  }
.Ltmp2:
0x66: {  	(pc) =	sbr.rel @p0 .LBB2_6-.Ltmp2, $3  }
0x67: {  	_ =	sdelay $0x1  }
0x68: {  	_ =	swait.ge [sflag:s28], $0x50  }
0x69: {  	[sflag:s28] =	ssyncset.done $0x0  }
0x6a: {  	[sflag:s28] =	ssyncadd.s32 $0xFFFFFFB0;
	s2 =	simm.s32 $0x0  }
0x6b: {  	[tilespmem:s25], [sflag:$0x1] =	stream.indirect.gather [hbm4b:s4+s29], $0x80, s2, s29, $0xb8;
	[tilespmem:$0x1F780] =	vst v63  }
0x6c: {  	_ = 	snop  }
0x6d: {  	[tilespmem:s30], [sflag:$0x2] =	stream.indirect.gather [hbm4b:s4+s29], $0x80, s29, s29, $0xb8;
	[tilespmem:$0x1F780] =	vst v63  }
0x6e: {  	[bflag:$0x0] =	sbarrier.arrive $0xFFFF  }
0x6f: {  	_ =	swait.ge [sflag:s26], $0x2800  }
0x70: {  	[sflag:s26] =	ssyncset.done $0x0  }
0x71: {  	s14 =	simm.s32 $0x2780;
	[sflag:s26] =	ssyncadd.s32 $0xFFFFD800  }
0x72: {  	[spmem:s1] =	stream.indirect.scatter.add.f32 [tilespmem:s25], [sflag:$0x4], $0x80, s14, s29, $0xb8;
	[tilespmem:$0x1F780] =	vst v63  }
0x73: {  	_ =	swait.ge [sflag:s24], $0x2800  }
0x74: {  	[sflag:s24] =	ssyncset.done $0x0  }
0x75: {  	s15 =	simm.s32 $0xA0;
	[sflag:s24] =	ssyncadd.s32 $0xFFFFD800  }
0x76: {  	[tilespmem:s25], [sflag:$0x1] =	stream.indirect.gather [hbm4b:s4+s29], $0x80, s15, s29, $0xb8;
	[tilespmem:$0x1F780] =	vst v63  }
0x77: {  	_ =	swait.ge [sflag:s31], $0x2800  }
0x78: {  	[sflag:s31] =	ssyncset.done $0x0  }
0x79: {  	s16 =	simm.s32 $0x2800;
	[sflag:s31] =	ssyncadd.s32 $0xFFFFD800  }
0x7a: {  	[spmem:s1] =	stream.indirect.scatter.add.f32 [tilespmem:s30], [sflag:$0x4], $0x80, s16, s29, $0xb8;
	[tilespmem:$0x1F780] =	vst v63  }
0x7b: {  	_ =	swait.ge [sflag:s24], $0x2800  }
0x7c: {  	s5 =	simm.s32 $0x400;
	[sflag:s24] =	ssyncset.done $0x0  }
0x7d: {  	s2 =	simm.s32 $0xF0;
	s14 =	simm.s32 $0x190;
	[sflag:s24] =	ssyncadd.s32 $0xFFFFD800  }
.LBB2_8:
0x7e: {  	[tilespmem:s30], [sflag:$0x2] =	stream.indirect.gather [hbm4b:s4+s29], $0x80, s2, s29, $0xb8;
	[tilespmem:$0x1F780] =	vst v63  }
0x7f: {  	s15 =	smov.u32 s5;
	s2 =	smov.u32 s14  }
0x80: {  	p0 =	sne.s32 s5, $0xF000;
	s5 =	sadd.s32 $0x400, s5;
	_ =	swait.ge [sflag:s26], $0x2800  }
0x81: {  	s15 =	sshra.s32 s15, $0x2;
	[sflag:s26] =	ssyncset.done $0x0  }
0x82: {  	s16 =	sadd.s32 $0x2780, s15;
	[sflag:s26] =	ssyncadd.s32 $0xFFFFD800  }
0x83: {  	[spmem:s1] =	stream.indirect.scatter.add.f32 [tilespmem:s25], [sflag:$0x4], $0x80, s16, s29, $0xb8;
	[tilespmem:$0x1F780] =	vst v63  }
0x84: {  	_ =	swait.ge [sflag:s24], $0x2800  }
0x85: {  	[sflag:s24] =	ssyncset.done $0x0  }
0x86: {  	s16 =	sadd.s32 $0xFFFFFFB0, s14;
	[sflag:s24] =	ssyncadd.s32 $0xFFFFD800  }
0x87: {  	[tilespmem:s25], [sflag:$0x1] =	stream.indirect.gather [hbm4b:s4+s29], $0x80, s16, s29, $0xb8;
	[tilespmem:$0x1F780] =	vst v63  }
0x88: {  	_ =	swait.ge [sflag:s31], $0x2800  }
0x89: {  	[sflag:s31] =	ssyncset.done $0x0  }
.Ltmp3:
0x8a: {  	s15 =	sadd.s32 $0x2800, s15;
	[sflag:s31] =	ssyncadd.s32 $0xFFFFD800;
	(pc) =	sbr.rel @p0 .LBB2_8-.Ltmp3, $4  }
0x8b: {  	[spmem:s1] =	stream.indirect.scatter.add.f32 [tilespmem:s30], [sflag:$0x4], $0x80, s15, s29, $0xb8;
	[tilespmem:$0x1F780] =	vst v63  }
0x8c: {  	_ =	swait.ge [sflag:s24], $0x2800  }
0x8d: {  	[sflag:s24] =	ssyncset.done $0x0  }
0x8e: {  	s14 =	sadd.s32 $0xA0, s14;
	[sflag:s24] =	ssyncadd.s32 $0xFFFFD800  }
0x8f: {  	[tilespmem:s30], [sflag:$0x2] =	stream.indirect.gather [hbm4b:s4+s29], $0x80, s2, s29, $0xb8;
	[tilespmem:$0x1F780] =	vst v63  }
0x90: {  	_ =	swait.ge [sflag:s26], $0x2800  }
0x91: {  	[sflag:s26] =	ssyncset.done $0x0  }
0x92: {  	s14 =	simm.s32 $0x6480;
	[sflag:s26] =	ssyncadd.s32 $0xFFFFD800  }
0x93: {  	[spmem:s1] =	stream.indirect.scatter.add.f32 [tilespmem:s25], [sflag:$0x4], $0x80, s14, s29, $0xb8;
	[tilespmem:$0x1F780] =	vst v63  }
0x94: {  	_ =	swait.ge [sflag:s24], $0x2800  }
0x95: {  	[sflag:s24] =	ssyncset.done $0x0  }
0x96: {  	s15 =	simm.s32 $0x26C0;
	[sflag:s24] =	ssyncadd.s32 $0xFFFFD800  }
0x97: {  	[tilespmem:s25], [sflag:$0x1] =	stream.indirect.gather [hbm4b:s4+s29], $0x80, s15, s29, $0xb8;
	[tilespmem:$0x1F780] =	vst v63  }
0x98: {  	_ =	swait.ge [sflag:s31], $0x2800  }
0x99: {  	[sflag:s31] =	ssyncset.done $0x0  }
0x9a: {  	s16 =	simm.s32 $0x6500;
	[sflag:s31] =	ssyncadd.s32 $0xFFFFD800  }
0x9b: {  	[spmem:s1] =	stream.indirect.scatter.add.f32 [tilespmem:s30], [sflag:$0x4], $0x80, s16, s29, $0xb8;
	[tilespmem:$0x1F780] =	vst v63  }
0x9c: {  	_ =	swait.ge [sflag:s24], $0x2800  }
0x9d: {  	[sflag:s24] =	ssyncset.done $0x0  }
0x9e: {  	[sflag:s24] =	ssyncadd.s32 $0xFFFFD800  }
0x9f: {  	_ =	swait.ge [sflag:s26], $0x2800  }
0xa0: {  	[sflag:s26] =	ssyncset.done $0x0  }
0xa1: {  	s5 =	simm.s32 $0x6580;
	[sflag:s26] =	ssyncadd.s32 $0xFFFFD800  }
0xa2: {  	[spmem:s1] =	stream.indirect.scatter.add.f32 [tilespmem:s25], [sflag:$0x4], $0x80, s5, s29, $0xb8;
	[tilespmem:$0x1F780] =	vst v63  }
0xa3: {  	_ =	swait.ge [sflag:s24], $0x2800  }
0xa4: {  	[sflag:s24] =	ssyncset.done $0x0  }
0xa5: {  	[sflag:s24] =	ssyncadd.s32 $0xFFFFD800  }
0xa6: {  	[bflag:$0x0] =	sbarrier.arrive $0xFFFF  }
0xa7: {  	[tilespmem:s25], [sflag:$0x4] =	stream.linear.gather [spmem:s6], $0x2800, $0x38;
	[tilespmem:$0x1F780] =	vst v63  }
0xa8: {  	_ =	swait.ge [sflag:s24], $0x2800  }
0xa9: {  	[sflag:s24] =	ssyncset.done $0x0  }
0xaa: {  	s14 =	rddreg [dreg:$0x5];
	[sflag:s24] =	ssyncadd.s32 $0xFFFFD800  }
0xab: {  	[hbm4b:s14+s3] =	stream.linear.scatter [tilespmem:s25], [sflag:$0x1], $0x2800, $0x38;
	[tilespmem:$0x1F780] =	vst v63  }
0xac: {  	_ = 	snop  }
0xad: {  	[tilespmem:s30], [sflag:$0x4] =	stream.linear.gather [spmem:s7], $0x2800, $0x38;
	[tilespmem:$0x1F780] =	vst v63  }
0xae: {  	_ =	swait.ge [sflag:s24], $0x2800  }
0xaf: {  	[sflag:s24] =	ssyncset.done $0x0  }
0xb0: {  	s15 =	rddreg [dreg:$0x6];
	[sflag:s24] =	ssyncadd.s32 $0xFFFFD800  }
0xb1: {  	[hbm4b:s15+s3] =	stream.linear.scatter [tilespmem:s30], [sflag:$0x2], $0x2800, $0x38;
	[tilespmem:$0x1F780] =	vst v63  }
0xb2: {  	_ =	swait.ge [sflag:s26], $0x2800  }
0xb3: {  	[sflag:s26] =	ssyncset.done $0x0  }
0xb4: {  	[sflag:s26] =	ssyncadd.s32 $0xFFFFD800  }
0xb5: {  	[tilespmem:s25], [sflag:$0x4] =	stream.linear.gather [spmem:s8], $0x2800, $0x38;
	[tilespmem:$0x1F780] =	vst v63  }
0xb6: {  	_ =	swait.ge [sflag:s24], $0x2800  }
0xb7: {  	[sflag:s24] =	ssyncset.done $0x0  }
0xb8: {  	s16 =	rddreg [dreg:$0x7];
	[sflag:s24] =	ssyncadd.s32 $0xFFFFD800  }
0xb9: {  	[hbm4b:s16+s3] =	stream.linear.scatter [tilespmem:s25], [sflag:$0x1], $0x2800, $0x38;
	[tilespmem:$0x1F780] =	vst v63  }
0xba: {  	_ =	swait.ge [sflag:s31], $0x2800  }
0xbb: {  	[sflag:s31] =	ssyncset.done $0x0  }
0xbc: {  	[sflag:s31] =	ssyncadd.s32 $0xFFFFD800  }
0xbd: {  	[tilespmem:s30], [sflag:$0x4] =	stream.linear.gather [spmem:s9], $0x2800, $0x38;
	[tilespmem:$0x1F780] =	vst v63  }
0xbe: {  	_ =	swait.ge [sflag:s24], $0x2800  }
0xbf: {  	[sflag:s24] =	ssyncset.done $0x0  }
0xc0: {  	[sflag:s24] =	ssyncadd.s32 $0xFFFFD800  }
0xc1: {  	[hbm4b:s17+s3] =	stream.linear.scatter [tilespmem:s30], [sflag:$0x2], $0x2800, $0x38;
	[tilespmem:$0x1F780] =	vst v63  }
0xc2: {  	_ =	swait.ge [sflag:s26], $0x2800  }
0xc3: {  	[sflag:s26] =	ssyncset.done $0x0  }
0xc4: {  	[sflag:s26] =	ssyncadd.s32 $0xFFFFD800  }
0xc5: {  	[tilespmem:s25], [sflag:$0x4] =	stream.linear.gather [spmem:s10], $0x2800, $0x38;
	[tilespmem:$0x1F780] =	vst v63  }
0xc6: {  	_ =	swait.ge [sflag:s24], $0x2800  }
0xc7: {  	[sflag:s24] =	ssyncset.done $0x0  }
0xc8: {  	[sflag:s24] =	ssyncadd.s32 $0xFFFFD800  }
0xc9: {  	[hbm4b:s18+s3] =	stream.linear.scatter [tilespmem:s25], [sflag:$0x1], $0x2800, $0x38;
	[tilespmem:$0x1F780] =	vst v63  }
0xca: {  	_ =	swait.ge [sflag:s31], $0x2800  }
0xcb: {  	[sflag:s31] =	ssyncset.done $0x0  }
0xcc: {  	[sflag:s31] =	ssyncadd.s32 $0xFFFFD800  }
0xcd: {  	[tilespmem:s30], [sflag:$0x4] =	stream.linear.gather [spmem:s11], $0x2800, $0x38;
	[tilespmem:$0x1F780] =	vst v63  }
0xce: {  	_ =	swait.ge [sflag:s24], $0x2800  }
0xcf: {  	[sflag:s24] =	ssyncset.done $0x0  }
0xd0: {  	[sflag:s24] =	ssyncadd.s32 $0xFFFFD800  }
0xd1: {  	[hbm4b:s19+s3] =	stream.linear.scatter [tilespmem:s30], [sflag:$0x2], $0x2800, $0x38;
	[tilespmem:$0x1F780] =	vst v63  }
0xd2: {  	_ =	swait.ge [sflag:s26], $0x2800  }
0xd3: {  	[sflag:s26] =	ssyncset.done $0x0  }
0xd4: {  	[sflag:s26] =	ssyncadd.s32 $0xFFFFD800  }
0xd5: {  	[tilespmem:s25], [sflag:$0x4] =	stream.linear.gather [spmem:s12], $0x2800, $0x38;
	[tilespmem:$0x1F780] =	vst v63  }
0xd6: {  	_ =	swait.ge [sflag:s24], $0x2800  }
0xd7: {  	[sflag:s24] =	ssyncset.done $0x0  }
0xd8: {  	[sflag:s24] =	ssyncadd.s32 $0xFFFFD800  }
0xd9: {  	[hbm4b:s20+s3] =	stream.linear.scatter [tilespmem:s25], [sflag:$0x1], $0x2800, $0x38;
	[tilespmem:$0x1F780] =	vst v63  }
0xda: {  	_ =	swait.ge [sflag:s31], $0x2800  }
0xdb: {  	[sflag:s31] =	ssyncset.done $0x0  }
0xdc: {  	[sflag:s31] =	ssyncadd.s32 $0xFFFFD800  }
0xdd: {  	[tilespmem:s30], [sflag:$0x4] =	stream.linear.gather [spmem:s13], $0x2800, $0x38;
	[tilespmem:$0x1F780] =	vst v63  }
0xde: {  	_ =	swait.ge [sflag:s24], $0x2800  }
0xdf: {  	[sflag:s24] =	ssyncset.done $0x0  }
0xe0: {  	s0 =	sadd.s32 $0x1, s0;
	[sflag:s24] =	ssyncadd.s32 $0xFFFFD800  }
0xe1: {  	[hbm4b:s21+s3] =	stream.linear.scatter [tilespmem:s30], [sflag:$0x2], $0x2800, $0x38;
	[tilespmem:$0x1F780] =	vst v63  }
0xe2: {  	p0 =	sne.s32 s0, s22;
	_ =	swait.ge [sflag:s26], $0x2800  }
.Ltmp4:
0xe3: {  	[sflag:s26] =	ssyncset.done $0x0;
	(pc) =	sbr.rel @p0 .LBB2_1-.Ltmp4, $4  }
0xe4: {  	[sflag:s26] =	ssyncadd.s32 $0xFFFFD800  }
0xe5: {  	_ =	swait.ge [sflag:s31], $0x2800  }
0xe6: {  	[sflag:s31] =	ssyncset.done $0x0  }
0xe7: {  	[sflag:s31] =	ssyncadd.s32 $0xFFFFD800  }
0xe8: {  	_ =	sfence.sel $0x180000  }
0xe9: {  	[bflag:$0x0] =	sbarrier.arrive $0xFFFF  }
0xea: {  	_ =	strace $0x9000004A  }
0xeb: {  	s0 =	stileid.u32;
	[bflag:$0x2] =	sbarrier.arrive $0xFFFF  }
0xec: {  	p0 =	sne.s32 s0, $0x0;
	s0 =	rddreg [dreg:$0x3]  }
0xed: {  	s0 =	sadd.s32 @!p0 $0x100000, s0  }
0xee: {  	[sflag:s0] =	ssyncadd.tile.s32 @!p0 $0x1;
	_ =	shalt  }
.Lfunc_end2:
_tile_overlayer_lowered:
.L_overlay_start_2:
0xef: {  	(tag) =	ssettag $0x2  }
0xf0: {  	s0 =	rddreg [dreg:$0x0];
	s2 =	stileid.u32  }
0xf1: {  	s1 =	rddreg [dreg:$0x1];
	p0 =	sne.s32 s2, $0x0  }
0xf2: {  	s3 =	rddreg [dreg:$0x2];
	[bflag:$0x3] =	sbarrier.arrive $0xFFFF;
	s2 =	simm.s32 @!p0 $0x1C04  }
0xf3: {  	[timem:s3], [sflag:s2] =	dma.local @!p0 [hbm:s0], s1  }
0xf4: {  	s0 =	simm.s32 @!p0 $0x4  }
0xf5: {  	_ =	swait.ge @!p0 [sflag:s0], s1  }
0xf6: {  	s1 =	ssub.s32 @!p0 $0x0, s1;
	[sflag:s0] =	ssyncset.done @!p0 $0x0  }
0xf7: {  	[sflag:s0] =	ssyncadd.s32 @!p0 s1  }
0xf8: {  	[bflag:$0x3] =	sbarrier.arrive $0xFFFF  }
0xf9: {  	_ =	shalt  }

// kernel: kernel.14.cloned.1.call-start
scs
__scs_entry_jumppad:
0x0: {  	(pc) =	sbr.rel $0x88, $3  }
0x1: {  	(tag) =	ssettag $0x0;
	lr =	simm.s32 $0x1  }
0x2: {  	[smem:$0x3F9D] =	sst lr;
	_ =	strace $0xD0000000  }
0x3: {  	_ = 	snop  }
0x4: {  	_ = 	snop  }
0x5: {  	_ = 	snop  }
0x6: {  	_ = 	snop  }
0x7: {  	_ = 	snop  }
__scs_overlays_trampoline_lowered:
0x8: {  	[smem:$0x3FAC] =	sst s0  }
0x9: {  	[smem:$0x3FAD] =	sst s1  }
0xa: {  	[smem:$0x3FAE] =	sst s2  }
0xb: {  	[smem:$0x3FAF] =	sst s3  }
0xc: {  	[smem:$0x3FB0] =	sst s4  }
0xd: {  	[smem:$0x3FB1] =	sst s5  }
0xe: {  	[smem:$0x3FB2] =	sst s6  }
0xf: {  	[smem:$0x3FB3] =	sst s7  }
0x10: {  	[smem:$0x3FB4] =	sst s8  }
0x11: {  	[smem:$0x3FB5] =	sst s9;
	s0 =	simm.s32 @!p0 $0x0  }
0x12: {  	s1 =	sld [smem:$0x3F9B];
	s0 =	simm.s32 @p0 $0x1  }
0x13: {  	[smem:$0x3FB6] =	sst s0;
	s0 =	simm.s32 @!p1 $0x0  }
0x14: {  	s2 =	sld [smem:$0x3F9A];
	s0 =	simm.s32 @p1 $0x1  }
0x15: {  	[smem:$0x3FB7] =	sst s0;
	s0 =	simm.s32 @!p2 $0x0  }
0x16: {  	s3 =	sld [smem:$0x3FDB];
	s0 =	simm.s32 @p2 $0x1  }
0x17: {  	s4 =	simm.s32 $0x1BF5;
	[smem:$0x3FB9] =	sst s0  }
0x18: {  	s0 =	sld [smem:$0x3F9C];
	_ =	swait.ge [sflag:s4], $0x0  }
0x19: {  	s7 =	sld [smem:$0x3F9D]  }
0x1a: {  	s8 =	sadd.s32 $0xFFFFE003, lr  }
0x1b: {  	s9 =	sadd.s32 $0xFFFFFEF7, lr;
	s5 =	simm.s32 $0xFFFFFFFF;
	p2 =	slt.u32 s8, $0xFFFFF086  }
0x1c: {  	p1 =	slt.u32 s9, $0xF7A;
	s5 =	simm.s32 @!p2 $0x0  }
0x1d: {  	s5 =	simm.s32 @p1 $0x1;
	p0 =	seq.s32 s7, s2  }
0x1e: {  	s7 =	smul.u32 @!p0 $0xF7A, s2;
	p2 =	seq.s32 @!p0 s5, $0x0  }
0x1f: {  	s9 =	smul.u32 $0xF7A, s1;
	s8 =	simm.s32 @!p0 $0x1BF5;
	p2 =	por !p2, p0  }
0x20: {  	[sflag:s8] =	ssyncset.s32 @!p0 $0xFFFFF086;
	s6 =	sadd.s32 @!p0 s3, s7;
	s7 =	simm.s32 @!p0 $0x108  }
0x21: {  	s3 =	sadd.s32 s3, s9;
	s6 =	sadd.s32 @!p0 $0x88, s6;
	s7 =	simm.s32 @p2 $0x1082  }
0x22: {  	[simem:s7], [sflag:s8] =	dma.local @!p0 [hbm:s6], $0xF7A  }
0x23: {  	s9 =	sor.u32 $0xD0000000, s2;
	s6 =	simm.s32 $0x108;
	_ =	swait.ge @!p0 [sflag:s8], $0x0  }
0x24: {  	s3 =	sadd.s32 $0x88, s3;
	s6 =	simm.s32 @!p1 $0x1082;
	[sflag:s4] =	ssyncset.s32 $0xFFFFF086  }
0x25: {  	[simem:s6], [sflag:s4] =	dma.local [hbm:s3], $0xF7A  }
0x26: {  	[smem:$0x3F9D] =	sst s1;
	(tag) =	ssettag s2;
	_ =	strace s9  }
0x27: {  	s1 =	sld [smem:$0x3FAD]  }
0x28: {  	s2 =	sld [smem:$0x3FAE]  }
0x29: {  	s4 =	sld [smem:$0x3FB0]  }
0x2a: {  	p0 =	seq.s32 s5, $0x0;
	s5 =	sld [smem:$0x3FB1]  }
0x2b: {  	s6 =	sld [smem:$0x3FB2]  }
0x2c: {  	s7 =	sld [smem:$0x3FB3]  }
0x2d: {  	s3 =	simm.s32 $0x108;
	s8 =	sld [smem:$0x3FB4]  }
0x2e: {  	s3 =	simm.s32 @!p0 $0x1082;
	s9 =	sld [smem:$0x3FB5]  }
0x2f: {  	lr =	sadd.s32 s0, s3;
	s0 =	sld [smem:$0x3FAC]  }
0x30: {  	s3 =	sld [smem:$0x3FAF]  }
0x31: {  	[smem:$0x3FB8] =	sst s10  }
0x32: {  	s10 =	sld [smem:$0x3FB6];
	_ =	sdelay $0x3  }
0x33: {  	p0 =	seq.s32 s10, $0x1;
	s10 =	sld [smem:$0x3FB8];
	_ =	sdelay $0x3  }
0x34: {  	[smem:$0x3FB8] =	sst s10  }
0x35: {  	s10 =	sld [smem:$0x3FB7];
	_ =	sdelay $0x3  }
0x36: {  	p1 =	seq.s32 s10, $0x1;
	s10 =	sld [smem:$0x3FB8];
	_ =	sdelay $0x3  }
0x37: {  	[smem:$0x3FB8] =	sst s10  }
0x38: {  	s10 =	sld [smem:$0x3FB9]  }
0x39: {  	_ = 	snop;
	(pc) =	sbr.ind lr, $3  }
0x3a: {  	_ = 	snop  }
0x3b: {  	_ = 	snop  }
0x3c: {  	p2 =	seq.s32 s10, $0x1;
	s10 =	sld [smem:$0x3FB8]  }
0x3d: {  	_ =	shalt  }
0x3e: {  	_ =	shalt  }
0x3f: {  	_ =	shalt  }
0x40: {  	_ =	shalt  }
0x41: {  	_ =	shalt  }
0x42: {  	_ =	shalt  }
0x43: {  	_ =	shalt  }
0x44: {  	_ =	shalt  }
0x45: {  	_ =	shalt  }
0x46: {  	_ =	shalt  }
0x47: {  	_ =	shalt  }
0x48: {  	_ =	shalt  }
0x49: {  	_ =	shalt  }
0x4a: {  	_ =	shalt  }
0x4b: {  	_ =	shalt  }
0x4c: {  	_ =	shalt  }
0x4d: {  	_ =	shalt  }
0x4e: {  	_ =	shalt  }
0x4f: {  	_ =	shalt  }
0x50: {  	_ =	shalt  }
0x51: {  	_ =	shalt  }
0x52: {  	_ =	shalt  }
0x53: {  	_ =	shalt  }
0x54: {  	_ =	shalt  }
0x55: {  	_ =	shalt  }
0x56: {  	_ =	shalt  }
0x57: {  	_ =	shalt  }
0x58: {  	_ =	shalt  }
0x59: {  	_ =	shalt  }
0x5a: {  	_ =	shalt  }
0x5b: {  	_ =	shalt  }
0x5c: {  	_ =	shalt  }
0x5d: {  	_ =	shalt  }
0x5e: {  	_ =	shalt  }
0x5f: {  	_ =	shalt  }
0x60: {  	_ =	shalt  }
0x61: {  	_ =	shalt  }
0x62: {  	_ =	shalt  }
0x63: {  	_ =	shalt  }
0x64: {  	_ =	shalt  }
0x65: {  	_ =	shalt  }
0x66: {  	_ =	shalt  }
0x67: {  	_ =	shalt  }
0x68: {  	_ =	shalt  }
0x69: {  	_ =	shalt  }
0x6a: {  	_ =	shalt  }
0x6b: {  	_ =	shalt  }
0x6c: {  	_ =	shalt  }
0x6d: {  	_ =	shalt  }
0x6e: {  	_ =	shalt  }
0x6f: {  	_ =	shalt  }
0x70: {  	_ =	shalt  }
0x71: {  	_ =	shalt  }
0x72: {  	_ =	shalt  }
0x73: {  	_ =	shalt  }
0x74: {  	_ =	shalt  }
0x75: {  	_ =	shalt  }
0x76: {  	_ =	shalt  }
0x77: {  	_ =	shalt  }
0x78: {  	_ =	shalt  }
0x79: {  	_ =	shalt  }
0x7a: {  	_ =	shalt  }
0x7b: {  	_ =	shalt  }
0x7c: {  	_ =	shalt  }
0x7d: {  	_ =	shalt  }
0x7e: {  	_ =	shalt  }
0x7f: {  	_ =	shalt  }
0x80: {  	_ =	shalt  }
0x81: {  	_ =	shalt  }
0x82: {  	_ =	shalt  }
0x83: {  	_ =	shalt  }
0x84: {  	_ =	shalt  }
0x85: {  	_ =	shalt  }
0x86: {  	_ =	shalt  }
0x87: {  	_ =	shalt  }
.Lfunc_end0:
.L_simem_size_0:
called_computation.2_lowered:
.L_overlay_start_0:
0x88: {  	s2 =	sld [smem:$0x3FD9]  }
0x89: {  	s3 =	sld [smem:$0x3FFE];
	_ =	sdelay $0x1  }
0x8a: {  	s1 =	srdreg.scid  }
0x8b: {  	s0 =	sand.u32 $0x1, s1  }
0x8c: {  	s14 =	sshll.u32 s0, $0xA;
	s2 =	sadd.s32 s3, s2  }
0x8d: {  	s2 =	sadd.s32 s2, s14  }
0x8e: {  	[smem:$0x3FC4] =	sst s2  }
0x8f: {  	_ = 	snop  }
0x90: {  	s2 =	sld [smem:$0x3FD0];
	_ =	sdelay $0x2  }
0x91: {  	s15 =	simm.s32 $0xA;
	s4 =	simm.s32 $0x10  }
0x92: {  	[smem:s4], [sflag:s15] =	dma.local [hbm:s2], $0x1  }
0x93: {  	_ =	swait.eq [sflag:s15], $0x1  }
0x94: {  	[sflag:s15] =	ssyncset.done $0x0  }
0x95: {  	[sflag:s15] =	ssyncadd.s32 $0xFFFFFFFF  }
0x96: {  	s16 =	sld [smem:$0x10];
	(tm) =	ssettm $0x1  }
0x97: {  	s17 =	sld [smem:$0x3FFB];
	_ =	sdelay $0x3  }
0x98: {  	_ =	strace s17  }
0x99: {  	s3 =	sld [smem:$0x3FFC];
	_ =	sdelay $0x3  }
0x9a: {  	_ =	strace s3  }
0x9b: {  	s3 =	sld [smem:$0x3FFD];
	_ =	sdelay $0x3  }
0x9c: {  	_ =	strace s3  }
0x9d: {  	_ =	strace $0x8FFFFFFF  }
0x9e: {  	s18 =	sld [smem:$0x3FDB];
	_ =	sdelay $0x1  }
0x9f: {  	s19 =	simm.s32 $_scs_section_size  }
0xa0: {  	s5 =	simm.s32 $_size__tile_overlayer_lowered;
	s6 =	simm.s32 $_tile_overlayer_lowered  }
0xa1: {  	s22 =	simm.s32 $0x1BFF;
	s21 =	sshll.u32 s6, $0x1;
	s3 =	sadd.s32 s19, s18  }
0xa2: {  	s7 =	simm.s32 $0x0;
	s20 =	sshll.u32 s5, $0x1;
	s5 =	sadd.s32 s21, s3  }
0xa3: {  	[timem:s7], [sflag:s22] =	dma.local [hbm:s5], s20  }
0xa4: {  	_ =	swait.ge [sflag:s22], s20  }
0xa5: {  	s4 =	ssub.s32 $0x0, s20;
	[sflag:s22] =	ssyncset.done $0x0  }
0xa6: {  	[sflag:s22] =	ssyncadd.s32 s4;
	_ =	sdelay $0x1  }
0xa7: {  	s23 =	simm.s32 $0x1B8B  }
0xa8: {  	_ =	swait.ge [sflag:s23], $0x1  }
0xa9: {  	[sflag:s23] =	ssyncset.done $0x0  }
0xaa: {  	s25 =	simm.s32 $0x1B8E;
	s24 =	sld [smem:$0x3FFE];
	[sflag:s23] =	ssyncadd.s32 $0xFFFFFFFF  }
0xab: {  	s26 =	simm.s32 $execute0_lowered;
	[smem:$0x3FD2] =	sst s25  }
0xac: {  	s5 =	sshll.u32 s26, $0x1;
	_ =	strace $0x8000004C;
	[dreg:$0x1] =	wrdreg $0xFFFFFFFF  }
0xad: {  	s28 =	simm.s32 $_size_execute0_lowered;
	s3 =	sadd.s32 s3, s5;
	[dreg:$0x0] =	wrdreg $0x0  }
0xae: {  	s5 =	sshll.u32 s28, $0x1;
	[dreg:$0x2] =	wrdreg s3  }
0xaf: {  	[dreg:$0x3] =	wrdreg s5  }
0xb0: {  	[dreg:$0x4] =	wrdreg $0xC0  }
0xb1: {  	_ =	task [dreg:s7], $0x5FFFF  }
0xb2: {  	[dreg:$0x1] =	wrdreg $0xFFFFFFFF  }
0xb3: {  	[dreg:$0x0] =	wrdreg $0x60  }
0xb4: {  	[dreg:$0x2] =	wrdreg s24  }
0xb5: {  	[dreg:$0x3] =	wrdreg s16  }
0xb6: {  	[dreg:$0x4] =	wrdreg $0xB7800  }
0xb7: {  	[dreg:$0x5] =	wrdreg $0x9  }
0xb8: {  	_ =	task.clear_ibuf [dreg:s7], $0x6FFFF;
	_ =	strace $0x9000004C  }
0xb9: {  	s29 =	simm.s32 $0x9;
	_ =	strace $0x8000004E  }
0xba: {  	_ =	swait.ge [sflag:s29], $0x1  }
0xbb: {  	[sflag:s29] =	ssyncadd.s32 $0xFFFFFFFF  }
0xbc: {  	_ =	strace $0x9000004E  }
0xbd: {  	_ =	sfence  }
0xbe: {  	s30 =	sld [smem:$0x0];
	_ =	sdelay $0x2  }
0xbf: {  	s31 =	sshll.u32 s1, $0xD;
	s1 =	sshrl.u32 s1, $0x2  }
0xc0: {  	s3 =	sand.u32 $0x4000, s31;
	s1 =	sadd.s32 s1, s30  }
0xc1: {  	s0 =	sor.u32 s3, s0;
	s1 =	sshll.u32 s1, $0x11  }
0xc2: {  	s0 =	sor.u32 s1, s0  }
0xc3: {  	s0 =	sadd.s32 $0x8F2B, s0  }
0xc4: {  	[sflag:s0] =	ssyncadd.remote.s32 $0x1  }
0xc5: {  	_ =	sfence.sel $0xFFFF  }
0xc6: {  	[dreg:$0x0] =	wrdreg $0xFFFFFFFF;
	(pc) =	sbr.abs _section_cstart, $3  }
0xc7: {  	[dreg:$0x1] =	wrdreg $0xFFFFFFFF  }
0xc8: {  	_ =	task.clear_ibuf [dreg:s7], $0x2FFFF;
	_ =	strace $0x9FFFFFFF  }
0xc9: {  	(tm) =	ssettm $0x7FFFFFFF  }
tec
execute0_lowered:
.L_overlay_start_1:
0x0: {  	(tag) =	ssettag $0x1  }
0x1: {  	s2 =	rddreg [dreg:$0x0]  }
0x2: {  	s0 =	rddreg [dreg:$0x1]  }
0x3: {  	s1 =	rddreg [dreg:$0x2]  }
0x4: {  	s3 =	srdreg.scid;
	s11 =	stileid.u32;
	s28 =	simm.s32 $0x3  }
0x5: {  	s29 =	simm.s32 $0x50;
	s30 =	simm.s32 $0x8F80;
	s8 =	smul.u32 $0x50000, s11  }
0x6: {  	s31 =	simm.s32 $0x2;
	s5 =	sand.u32 $0x1, s3;
	s13 =	smul.u32 $0x14000, s11  }
0x7: {  	s3 =	simm.s32 $0x0;
	s20 =	smul.u32 $0x2710, s11;
	s4 =	sshll.u32 s5, $0x4  }
0x8: {  	[smem:$0x7FF] =	sst s3;
	s7 =	ssub.s32 $0x2, s5;
	s19 =	smul.u32 $0x27100, s5  }
0x9: {  	s5 =	smul.u32 $0x140000, s5;
	s4 =	sor.u32 s11, s4;
	_ =	strace $0x8000004D  }
0xa: {  	s9 =	sshrl.u32 s7, $0x1;
	s24 =	sshrl.u32 s8, $0x2;
	s15 =	sor.u32 $0x2800, s13  }
0xb: {  	s16 =	sadd.s32 $0x5000, s13;
	s17 =	sadd.s32 $0x7800, s13;
	s18 =	sadd.s32 $0xA000, s13  }
0xc: {  	s21 =	sadd.s32 $0xC800, s13;
	s22 =	sadd.s32 $0xF000, s13;
	s25 =	sadd.s32 $0x11800, s13  }
0xd: {  	s6 =	smul.u32 $0x2710, s4;
	s4 =	sadd.s32 $0x2200, s2;
	s2 =	sadd.s32 $0x2A200, s2  }
0xe: {  	s14 =	ssub.s32 s7, s9;
	s7 =	sadd.s32 s15, s1;
	s8 =	sadd.s32 s16, s1  }
0xf: {  	s9 =	sadd.s32 s17, s1;
	s10 =	sadd.s32 s18, s1;
	s11 =	sadd.s32 s21, s1  }
0x10: {  	s12 =	sadd.s32 s22, s1;
	s20 =	sadd.s32 s20, s19;
	s23 =	sadd.s32 s13, s5  }
0x11: {  	s15 =	sadd.s32 s5, s15;
	s16 =	sadd.s32 s5, s16;
	s17 =	sadd.s32 s5, s17  }
0x12: {  	s18 =	sadd.s32 s5, s18;
	s21 =	sadd.s32 s5, s21;
	s22 =	sadd.s32 s5, s22  }
0x13: {  	s5 =	sadd.s32 s5, s25;
	s13 =	sadd.s32 s25, s1;
	s26 =	sshrl.u32 s23, $0x3  }
0x14: {  	s15 =	sshrl.u32 s15, $0x3;
	s16 =	sshrl.u32 s16, $0x3;
	s17 =	sshrl.u32 s17, $0x3  }
0x15: {  	s18 =	sshrl.u32 s18, $0x3;
	s23 =	sshrl.u32 s21, $0x3;
	s25 =	sadd.s32 $0x4E200, s20  }
0x16: {  	s5 =	sshrl.u32 s5, $0x3;
	s6 =	sshrl.u32 s6, $0x3;
	s19 =	sadd.s32 s2, s26  }
0x17: {  	s15 =	sadd.s32 s2, s15;
	s17 =	sadd.s32 s2, s17;
	s18 =	sadd.s32 s2, s18  }
0x18: {  	s26 =	sshrl.u32 s25, $0x3;
	s21 =	sadd.s32 s2, s5;
	[dreg:$0x5] =	wrdreg s19  }
0x19: {  	s25 =	simm.s32 $0x6780;
	s6 =	sadd.s32 s0, s6;
	[dreg:$0x6] =	wrdreg s15  }
0x1a: {  	s19 =	sadd.s32 s2, s16;
	[dreg:$0x4] =	wrdreg s6;
	s6 =	sadd.s32 s24, s1  }
0x1b: {  	[dreg:$0x7] =	wrdreg s19;
	s19 =	sadd.s32 s2, s23;
	s24 =	sshrl.u32 s22, $0x3  }
0x1c: {  	s22 =	smax.u32 s14, $0x1;
	s23 =	sadd.s32 s26, s0;
	s26 =	simm.s32 $0x1  }
0x1d: {  	v0 =	vimm.f32 $0.0e+00;
	s0 =	simm.s32 $0x0;
	s20 =	sadd.s32 s2, s24;
	s24 =	simm.s32 $0x4  }
.LBB2_1:
0x1e: {  	s2 =	rddreg [dreg:$0x4]  }
0x1f: {  	[tilespmem:s3], [sflag:$0x4] =	stream.linear.gather [hbm4b:s2+s3], $0x2710, $0x38;
	[tilespmem:$0x1F780] =	vst v63  }
0x20: {  	_ =	swait.ge [sflag:s24], $0x2710  }
0x21: {  	[sflag:s24] =	ssyncset.done $0x0  }
0x22: {  	s5 =	sadd.s32 $0x0, s23;
	s2 =	simm.s32 $0x2780;
	[sflag:s24] =	ssyncadd.s32 $0xFFFFD8F0  }
0x23: {  	[tilespmem:s2], [sflag:$0x3] =	stream.linear.gather [hbm4b:s5+s3], $0x50, $0x38;
	[tilespmem:$0x1F780] =	vst v63  }
0x24: {  	s5 =	simm.s32 $0xA  }
.LBB2_2:
0x25: {  	p0 =	sne.s32 s5, $0x4D8  }
.Ltmp0:
0x26: {  	_ = 	snop;
	(pc) =	sbr.rel @p0 .LBB2_2-.Ltmp0, $4  }
0x27: {  	_ = 	snop  }
0x28: {  	s14 =	sadd.s32 s5, s23;
	s2 =	sadd.s32 $0x80, s2  }
0x29: {  	s15 =	simm.s32 $0x0;
	s5 =	sadd.s32 $0xA, s5  }
0x2a: {  	[tilespmem:s2], [sflag:$0x3] =	stream.linear.gather [hbm4b:s14+s15], $0x50, $0x38;
	[tilespmem:$0x1F780] =	vst v63  }
0x2b: {  	s2 =	simm.s32 $0x0;
	s5 =	simm.s32 $0x200  }
.LBB2_4:
0x2c: {  	p0 =	sne.s32 s5, $0x9E00;
	[tilespmem:s2+$0x67F0] =	vst v0  }
0x2d: {  	[tilespmem:s2+$0x6780] =	vst v0  }
0x2e: {  	[tilespmem:s2+$0x6790] =	vst v0  }
.Ltmp1:
0x2f: {  	[tilespmem:s2+$0x67A0] =	vst v0;
	(pc) =	sbr.rel @p0 .LBB2_4-.Ltmp1, $4  }
0x30: {  	[tilespmem:s2+$0x67B0] =	vst v0  }
0x31: {  	[tilespmem:s2+$0x67C0] =	vst v0  }
0x32: {  	[tilespmem:s2+$0x67D0] =	vst v0  }
0x33: {  	[tilespmem:s2+$0x67E0] =	vst v0;
	s2 =	sshra.s32 s5, $0x2;
	s5 =	sadd.s32 $0x200, s5  }
0x34: {  	[tilespmem:s2+$0x67F0] =	vst v0  }
0x35: {  	[tilespmem:s2+$0x6780] =	vst v0  }
0x36: {  	[tilespmem:s2+$0x6790] =	vst v0  }
0x37: {  	[tilespmem:s2+$0x67A0] =	vst v0  }
0x38: {  	[tilespmem:s2+$0x67B0] =	vst v0  }
0x39: {  	[tilespmem:s2+$0x67C0] =	vst v0  }
0x3a: {  	[tilespmem:s2+$0x67D0] =	vst v0  }
0x3b: {  	[tilespmem:s2+$0x67E0] =	vst v0  }
0x3c: {  	[spmem:s6] =	stream.linear.scatter [tilespmem:s25], [sflag:$0x1], $0x2800, $0x38;
	[tilespmem:$0x1F780] =	vst v63  }
0x3d: {  	_ = 	snop  }
0x3e: {  	[spmem:s7] =	stream.linear.scatter [tilespmem:s25], [sflag:$0x1], $0x2800, $0x38;
	[tilespmem:$0x1F780] =	vst v63  }
0x3f: {  	_ = 	snop  }
0x40: {  	[spmem:s8] =	stream.linear.scatter [tilespmem:s25], [sflag:$0x1], $0x2800, $0x38;
	[tilespmem:$0x1F780] =	vst v63  }
0x41: {  	_ = 	snop  }
0x42: {  	[spmem:s9] =	stream.linear.scatter [tilespmem:s25], [sflag:$0x1], $0x2800, $0x38;
	[tilespmem:$0x1F780] =	vst v63  }
0x43: {  	_ = 	snop  }
0x44: {  	[spmem:s10] =	stream.linear.scatter [tilespmem:s25], [sflag:$0x1], $0x2800, $0x38;
	[tilespmem:$0x1F780] =	vst v63  }
0x45: {  	_ = 	snop  }
0x46: {  	[spmem:s11] =	stream.linear.scatter [tilespmem:s25], [sflag:$0x1], $0x2800, $0x38;
	[tilespmem:$0x1F780] =	vst v63  }
0x47: {  	_ = 	snop  }
0x48: {  	[spmem:s12] =	stream.linear.scatter [tilespmem:s25], [sflag:$0x1], $0x2800, $0x38;
	[tilespmem:$0x1F780] =	vst v63  }
0x49: {  	_ = 	snop  }
0x4a: {  	[spmem:s13] =	stream.linear.scatter [tilespmem:s25], [sflag:$0x1], $0x2800, $0x38;
	[tilespmem:$0x1F780] =	vst v63  }
0x4b: {  	_ =	swait.ge [sflag:s26], $0x2800  }
0x4c: {  	[sflag:s26] =	ssyncset.done $0x0  }
0x4d: {  	[sflag:s26] =	ssyncadd.s32 $0xFFFFD800  }
0x4e: {  	_ =	swait.ge [sflag:s26], $0x2800  }
0x4f: {  	[sflag:s26] =	ssyncset.done $0x0  }
0x50: {  	[sflag:s26] =	ssyncadd.s32 $0xFFFFD800  }
0x51: {  	_ =	swait.ge [sflag:s26], $0x2800  }
0x52: {  	[sflag:s26] =	ssyncset.done $0x0  }
0x53: {  	[sflag:s26] =	ssyncadd.s32 $0xFFFFD800  }
0x54: {  	_ =	swait.ge [sflag:s26], $0x2800  }
0x55: {  	[sflag:s26] =	ssyncset.done $0x0  }
0x56: {  	[sflag:s26] =	ssyncadd.s32 $0xFFFFD800  }
0x57: {  	_ =	swait.ge [sflag:s26], $0x2800  }
0x58: {  	[sflag:s26] =	ssyncset.done $0x0  }
0x59: {  	[sflag:s26] =	ssyncadd.s32 $0xFFFFD800  }
0x5a: {  	_ =	swait.ge [sflag:s26], $0x2800  }
0x5b: {  	[sflag:s26] =	ssyncset.done $0x0  }
0x5c: {  	[sflag:s26] =	ssyncadd.s32 $0xFFFFD800  }
0x5d: {  	_ =	swait.ge [sflag:s26], $0x2800  }
0x5e: {  	[sflag:s26] =	ssyncset.done $0x0  }
0x5f: {  	[sflag:s26] =	ssyncadd.s32 $0xFFFFD800  }
0x60: {  	_ =	swait.ge [sflag:s26], $0x2800  }
0x61: {  	[sflag:s26] =	ssyncset.done $0x0  }
0x62: {  	[sflag:s26] =	ssyncadd.s32 $0xFFFFD800  }
0x63: {  	_ =	swait.ge [sflag:s28], $0x50  }
0x64: {  	s2 =	simm.s32 $0x7C;
	[sflag:s28] =	ssyncset.done $0x0  }
.LBB2_6:
0x65: {  	p0 =	sne.s32 s2, $0x1;
	s2 =	sadd.s32 $0xFFFFFFFF, s2;
	[sflag:s28] =	ssyncadd.s32 $0xFFFFFFB0  }
.Ltmp2:
0x66: {  	(pc) =	sbr.rel @p0 .LBB2_6-.Ltmp2, $3  }
0x67: {  	_ =	sdelay $0x1  }
0x68: {  	_ =	swait.ge [sflag:s28], $0x50  }
0x69: {  	[sflag:s28] =	ssyncset.done $0x0  }
0x6a: {  	[sflag:s28] =	ssyncadd.s32 $0xFFFFFFB0;
	s2 =	simm.s32 $0x0  }
0x6b: {  	[tilespmem:s25], [sflag:$0x1] =	stream.indirect.gather [hbm4b:s4+s29], $0x80, s2, s29, $0xb8;
	[tilespmem:$0x1F780] =	vst v63  }
0x6c: {  	_ = 	snop  }
0x6d: {  	[tilespmem:s30], [sflag:$0x2] =	stream.indirect.gather [hbm4b:s4+s29], $0x80, s29, s29, $0xb8;
	[tilespmem:$0x1F780] =	vst v63  }
0x6e: {  	[bflag:$0x0] =	sbarrier.arrive $0xFFFF  }
0x6f: {  	_ =	swait.ge [sflag:s26], $0x2800  }
0x70: {  	[sflag:s26] =	ssyncset.done $0x0  }
0x71: {  	s14 =	simm.s32 $0x2780;
	[sflag:s26] =	ssyncadd.s32 $0xFFFFD800  }
0x72: {  	[spmem:s1] =	stream.indirect.scatter.add.f32 [tilespmem:s25], [sflag:$0x4], $0x80, s14, s29, $0xb8;
	[tilespmem:$0x1F780] =	vst v63  }
0x73: {  	_ =	swait.ge [sflag:s24], $0x2800  }
0x74: {  	[sflag:s24] =	ssyncset.done $0x0  }
0x75: {  	s15 =	simm.s32 $0xA0;
	[sflag:s24] =	ssyncadd.s32 $0xFFFFD800  }
0x76: {  	[tilespmem:s25], [sflag:$0x1] =	stream.indirect.gather [hbm4b:s4+s29], $0x80, s15, s29, $0xb8;
	[tilespmem:$0x1F780] =	vst v63  }
0x77: {  	_ =	swait.ge [sflag:s31], $0x2800  }
0x78: {  	[sflag:s31] =	ssyncset.done $0x0  }
0x79: {  	s16 =	simm.s32 $0x2800;
	[sflag:s31] =	ssyncadd.s32 $0xFFFFD800  }
0x7a: {  	[spmem:s1] =	stream.indirect.scatter.add.f32 [tilespmem:s30], [sflag:$0x4], $0x80, s16, s29, $0xb8;
	[tilespmem:$0x1F780] =	vst v63  }
0x7b: {  	_ =	swait.ge [sflag:s24], $0x2800  }
0x7c: {  	s5 =	simm.s32 $0x400;
	[sflag:s24] =	ssyncset.done $0x0  }
0x7d: {  	s2 =	simm.s32 $0xF0;
	s14 =	simm.s32 $0x190;
	[sflag:s24] =	ssyncadd.s32 $0xFFFFD800  }
.LBB2_8:
0x7e: {  	[tilespmem:s30], [sflag:$0x2] =	stream.indirect.gather [hbm4b:s4+s29], $0x80, s2, s29, $0xb8;
	[tilespmem:$0x1F780] =	vst v63  }
0x7f: {  	s15 =	smov.u32 s5;
	s2 =	smov.u32 s14  }
0x80: {  	p0 =	sne.s32 s5, $0xF000;
	s5 =	sadd.s32 $0x400, s5;
	_ =	swait.ge [sflag:s26], $0x2800  }
0x81: {  	s15 =	sshra.s32 s15, $0x2;
	[sflag:s26] =	ssyncset.done $0x0  }
0x82: {  	s16 =	sadd.s32 $0x2780, s15;
	[sflag:s26] =	ssyncadd.s32 $0xFFFFD800  }
0x83: {  	[spmem:s1] =	stream.indirect.scatter.add.f32 [tilespmem:s25], [sflag:$0x4], $0x80, s16, s29, $0xb8;
	[tilespmem:$0x1F780] =	vst v63  }
0x84: {  	_ =	swait.ge [sflag:s24], $0x2800  }
0x85: {  	[sflag:s24] =	ssyncset.done $0x0  }
0x86: {  	s16 =	sadd.s32 $0xFFFFFFB0, s14;
	[sflag:s24] =	ssyncadd.s32 $0xFFFFD800  }
0x87: {  	[tilespmem:s25], [sflag:$0x1] =	stream.indirect.gather [hbm4b:s4+s29], $0x80, s16, s29, $0xb8;
	[tilespmem:$0x1F780] =	vst v63  }
0x88: {  	_ =	swait.ge [sflag:s31], $0x2800  }
0x89: {  	[sflag:s31] =	ssyncset.done $0x0  }
.Ltmp3:
0x8a: {  	s15 =	sadd.s32 $0x2800, s15;
	[sflag:s31] =	ssyncadd.s32 $0xFFFFD800;
	(pc) =	sbr.rel @p0 .LBB2_8-.Ltmp3, $4  }
0x8b: {  	[spmem:s1] =	stream.indirect.scatter.add.f32 [tilespmem:s30], [sflag:$0x4], $0x80, s15, s29, $0xb8;
	[tilespmem:$0x1F780] =	vst v63  }
0x8c: {  	_ =	swait.ge [sflag:s24], $0x2800  }
0x8d: {  	[sflag:s24] =	ssyncset.done $0x0  }
0x8e: {  	s14 =	sadd.s32 $0xA0, s14;
	[sflag:s24] =	ssyncadd.s32 $0xFFFFD800  }
0x8f: {  	[tilespmem:s30], [sflag:$0x2] =	stream.indirect.gather [hbm4b:s4+s29], $0x80, s2, s29, $0xb8;
	[tilespmem:$0x1F780] =	vst v63  }
0x90: {  	_ =	swait.ge [sflag:s26], $0x2800  }
0x91: {  	[sflag:s26] =	ssyncset.done $0x0  }
0x92: {  	s14 =	simm.s32 $0x6480;
	[sflag:s26] =	ssyncadd.s32 $0xFFFFD800  }
0x93: {  	[spmem:s1] =	stream.indirect.scatter.add.f32 [tilespmem:s25], [sflag:$0x4], $0x80, s14, s29, $0xb8;
	[tilespmem:$0x1F780] =	vst v63  }
0x94: {  	_ =	swait.ge [sflag:s24], $0x2800  }
0x95: {  	[sflag:s24] =	ssyncset.done $0x0  }
0x96: {  	s15 =	simm.s32 $0x26C0;
	[sflag:s24] =	ssyncadd.s32 $0xFFFFD800  }
0x97: {  	[tilespmem:s25], [sflag:$0x1] =	stream.indirect.gather [hbm4b:s4+s29], $0x80, s15, s29, $0xb8;
	[tilespmem:$0x1F780] =	vst v63  }
0x98: {  	_ =	swait.ge [sflag:s31], $0x2800  }
0x99: {  	[sflag:s31] =	ssyncset.done $0x0  }
0x9a: {  	s16 =	simm.s32 $0x6500;
	[sflag:s31] =	ssyncadd.s32 $0xFFFFD800  }
0x9b: {  	[spmem:s1] =	stream.indirect.scatter.add.f32 [tilespmem:s30], [sflag:$0x4], $0x80, s16, s29, $0xb8;
	[tilespmem:$0x1F780] =	vst v63  }
0x9c: {  	_ =	swait.ge [sflag:s24], $0x2800  }
0x9d: {  	[sflag:s24] =	ssyncset.done $0x0  }
0x9e: {  	[sflag:s24] =	ssyncadd.s32 $0xFFFFD800  }
0x9f: {  	_ =	swait.ge [sflag:s26], $0x2800  }
0xa0: {  	[sflag:s26] =	ssyncset.done $0x0  }
0xa1: {  	s5 =	simm.s32 $0x6580;
	[sflag:s26] =	ssyncadd.s32 $0xFFFFD800  }
0xa2: {  	[spmem:s1] =	stream.indirect.scatter.add.f32 [tilespmem:s25], [sflag:$0x4], $0x80, s5, s29, $0xb8;
	[tilespmem:$0x1F780] =	vst v63  }
0xa3: {  	_ =	swait.ge [sflag:s24], $0x2800  }
0xa4: {  	[sflag:s24] =	ssyncset.done $0x0  }
0xa5: {  	[sflag:s24] =	ssyncadd.s32 $0xFFFFD800  }
0xa6: {  	[bflag:$0x0] =	sbarrier.arrive $0xFFFF  }
0xa7: {  	[tilespmem:s25], [sflag:$0x4] =	stream.linear.gather [spmem:s6], $0x2800, $0x38;
	[tilespmem:$0x1F780] =	vst v63  }
0xa8: {  	_ =	swait.ge [sflag:s24], $0x2800  }
0xa9: {  	[sflag:s24] =	ssyncset.done $0x0  }
0xaa: {  	s14 =	rddreg [dreg:$0x5];
	[sflag:s24] =	ssyncadd.s32 $0xFFFFD800  }
0xab: {  	[hbm4b:s14+s3] =	stream.linear.scatter [tilespmem:s25], [sflag:$0x1], $0x2800, $0x38;
	[tilespmem:$0x1F780] =	vst v63  }
0xac: {  	_ = 	snop  }
0xad: {  	[tilespmem:s30], [sflag:$0x4] =	stream.linear.gather [spmem:s7], $0x2800, $0x38;
	[tilespmem:$0x1F780] =	vst v63  }
0xae: {  	_ =	swait.ge [sflag:s24], $0x2800  }
0xaf: {  	[sflag:s24] =	ssyncset.done $0x0  }
0xb0: {  	s15 =	rddreg [dreg:$0x6];
	[sflag:s24] =	ssyncadd.s32 $0xFFFFD800  }
0xb1: {  	[hbm4b:s15+s3] =	stream.linear.scatter [tilespmem:s30], [sflag:$0x2], $0x2800, $0x38;
	[tilespmem:$0x1F780] =	vst v63  }
0xb2: {  	_ =	swait.ge [sflag:s26], $0x2800  }
0xb3: {  	[sflag:s26] =	ssyncset.done $0x0  }
0xb4: {  	[sflag:s26] =	ssyncadd.s32 $0xFFFFD800  }
0xb5: {  	[tilespmem:s25], [sflag:$0x4] =	stream.linear.gather [spmem:s8], $0x2800, $0x38;
	[tilespmem:$0x1F780] =	vst v63  }
0xb6: {  	_ =	swait.ge [sflag:s24], $0x2800  }
0xb7: {  	[sflag:s24] =	ssyncset.done $0x0  }
0xb8: {  	s16 =	rddreg [dreg:$0x7];
	[sflag:s24] =	ssyncadd.s32 $0xFFFFD800  }
0xb9: {  	[hbm4b:s16+s3] =	stream.linear.scatter [tilespmem:s25], [sflag:$0x1], $0x2800, $0x38;
	[tilespmem:$0x1F780] =	vst v63  }
0xba: {  	_ =	swait.ge [sflag:s31], $0x2800  }
0xbb: {  	[sflag:s31] =	ssyncset.done $0x0  }
0xbc: {  	[sflag:s31] =	ssyncadd.s32 $0xFFFFD800  }
0xbd: {  	[tilespmem:s30], [sflag:$0x4] =	stream.linear.gather [spmem:s9], $0x2800, $0x38;
	[tilespmem:$0x1F780] =	vst v63  }
0xbe: {  	_ =	swait.ge [sflag:s24], $0x2800  }
0xbf: {  	[sflag:s24] =	ssyncset.done $0x0  }
0xc0: {  	[sflag:s24] =	ssyncadd.s32 $0xFFFFD800  }
0xc1: {  	[hbm4b:s17+s3] =	stream.linear.scatter [tilespmem:s30], [sflag:$0x2], $0x2800, $0x38;
	[tilespmem:$0x1F780] =	vst v63  }
0xc2: {  	_ =	swait.ge [sflag:s26], $0x2800  }
0xc3: {  	[sflag:s26] =	ssyncset.done $0x0  }
0xc4: {  	[sflag:s26] =	ssyncadd.s32 $0xFFFFD800  }
0xc5: {  	[tilespmem:s25], [sflag:$0x4] =	stream.linear.gather [spmem:s10], $0x2800, $0x38;
	[tilespmem:$0x1F780] =	vst v63  }
0xc6: {  	_ =	swait.ge [sflag:s24], $0x2800  }
0xc7: {  	[sflag:s24] =	ssyncset.done $0x0  }
0xc8: {  	[sflag:s24] =	ssyncadd.s32 $0xFFFFD800  }
0xc9: {  	[hbm4b:s18+s3] =	stream.linear.scatter [tilespmem:s25], [sflag:$0x1], $0x2800, $0x38;
	[tilespmem:$0x1F780] =	vst v63  }
0xca: {  	_ =	swait.ge [sflag:s31], $0x2800  }
0xcb: {  	[sflag:s31] =	ssyncset.done $0x0  }
0xcc: {  	[sflag:s31] =	ssyncadd.s32 $0xFFFFD800  }
0xcd: {  	[tilespmem:s30], [sflag:$0x4] =	stream.linear.gather [spmem:s11], $0x2800, $0x38;
	[tilespmem:$0x1F780] =	vst v63  }
0xce: {  	_ =	swait.ge [sflag:s24], $0x2800  }
0xcf: {  	[sflag:s24] =	ssyncset.done $0x0  }
0xd0: {  	[sflag:s24] =	ssyncadd.s32 $0xFFFFD800  }
0xd1: {  	[hbm4b:s19+s3] =	stream.linear.scatter [tilespmem:s30], [sflag:$0x2], $0x2800, $0x38;
	[tilespmem:$0x1F780] =	vst v63  }
0xd2: {  	_ =	swait.ge [sflag:s26], $0x2800  }
0xd3: {  	[sflag:s26] =	ssyncset.done $0x0  }
0xd4: {  	[sflag:s26] =	ssyncadd.s32 $0xFFFFD800  }
0xd5: {  	[tilespmem:s25], [sflag:$0x4] =	stream.linear.gather [spmem:s12], $0x2800, $0x38;
	[tilespmem:$0x1F780] =	vst v63  }
0xd6: {  	_ =	swait.ge [sflag:s24], $0x2800  }
0xd7: {  	[sflag:s24] =	ssyncset.done $0x0  }
0xd8: {  	[sflag:s24] =	ssyncadd.s32 $0xFFFFD800  }
0xd9: {  	[hbm4b:s20+s3] =	stream.linear.scatter [tilespmem:s25], [sflag:$0x1], $0x2800, $0x38;
	[tilespmem:$0x1F780] =	vst v63  }
0xda: {  	_ =	swait.ge [sflag:s31], $0x2800  }
0xdb: {  	[sflag:s31] =	ssyncset.done $0x0  }
0xdc: {  	[sflag:s31] =	ssyncadd.s32 $0xFFFFD800  }
0xdd: {  	[tilespmem:s30], [sflag:$0x4] =	stream.linear.gather [spmem:s13], $0x2800, $0x38;
	[tilespmem:$0x1F780] =	vst v63  }
0xde: {  	_ =	swait.ge [sflag:s24], $0x2800  }
0xdf: {  	[sflag:s24] =	ssyncset.done $0x0  }
0xe0: {  	s0 =	sadd.s32 $0x1, s0;
	[sflag:s24] =	ssyncadd.s32 $0xFFFFD800  }
0xe1: {  	[hbm4b:s21+s3] =	stream.linear.scatter [tilespmem:s30], [sflag:$0x2], $0x2800, $0x38;
	[tilespmem:$0x1F780] =	vst v63  }
0xe2: {  	p0 =	sne.s32 s0, s22;
	_ =	swait.ge [sflag:s26], $0x2800  }
.Ltmp4:
0xe3: {  	[sflag:s26] =	ssyncset.done $0x0;
	(pc) =	sbr.rel @p0 .LBB2_1-.Ltmp4, $4  }
0xe4: {  	[sflag:s26] =	ssyncadd.s32 $0xFFFFD800  }
0xe5: {  	_ =	swait.ge [sflag:s31], $0x2800  }
0xe6: {  	[sflag:s31] =	ssyncset.done $0x0  }
0xe7: {  	[sflag:s31] =	ssyncadd.s32 $0xFFFFD800  }
0xe8: {  	_ =	sfence.sel $0x180000  }
0xe9: {  	[bflag:$0x0] =	sbarrier.arrive $0xFFFF  }
0xea: {  	_ =	strace $0x9000004D  }
0xeb: {  	s0 =	stileid.u32;
	[bflag:$0x2] =	sbarrier.arrive $0xFFFF  }
0xec: {  	p0 =	sne.s32 s0, $0x0;
	s0 =	rddreg [dreg:$0x3]  }
0xed: {  	s0 =	sadd.s32 @!p0 $0x100000, s0  }
0xee: {  	[sflag:s0] =	ssyncadd.tile.s32 @!p0 $0x1;
	_ =	shalt  }
.Lfunc_end2:
_tile_overlayer_lowered:
.L_overlay_start_2:
0xef: {  	(tag) =	ssettag $0x2  }
0xf0: {  	s0 =	rddreg [dreg:$0x0];
	s2 =	stileid.u32  }
0xf1: {  	s1 =	rddreg [dreg:$0x1];
	p0 =	sne.s32 s2, $0x0  }
0xf2: {  	s3 =	rddreg [dreg:$0x2];
	[bflag:$0x3] =	sbarrier.arrive $0xFFFF;
	s2 =	simm.s32 @!p0 $0x1C04  }
0xf3: {  	[timem:s3], [sflag:s2] =	dma.local @!p0 [hbm:s0], s1  }
0xf4: {  	s0 =	simm.s32 @!p0 $0x4  }
0xf5: {  	_ =	swait.ge @!p0 [sflag:s0], s1  }
0xf6: {  	s1 =	ssub.s32 @!p0 $0x0, s1;
	[sflag:s0] =	ssyncset.done @!p0 $0x0  }
0xf7: {  	[sflag:s0] =	ssyncadd.s32 @!p0 s1  }
0xf8: {  	[bflag:$0x3] =	sbarrier.arrive $0xFFFF  }
0xf9: {  	_ =	shalt  }

// kernel: kernel.8.cloned.1.call-start
scs
__scs_entry_jumppad:
0x0: {  	(pc) =	sbr.rel $0x88, $3  }
0x1: {  	(tag) =	ssettag $0x0;
	lr =	simm.s32 $0x1  }
0x2: {  	[smem:$0x3F9D] =	sst lr;
	_ =	strace $0xD0000000  }
0x3: {  	_ = 	snop  }
0x4: {  	_ = 	snop  }
0x5: {  	_ = 	snop  }
0x6: {  	_ = 	snop  }
0x7: {  	_ = 	snop  }
__scs_overlays_trampoline_lowered:
0x8: {  	[smem:$0x3FAC] =	sst s0  }
0x9: {  	[smem:$0x3FAD] =	sst s1  }
0xa: {  	[smem:$0x3FAE] =	sst s2  }
0xb: {  	[smem:$0x3FAF] =	sst s3  }
0xc: {  	[smem:$0x3FB0] =	sst s4  }
0xd: {  	[smem:$0x3FB1] =	sst s5  }
0xe: {  	[smem:$0x3FB2] =	sst s6  }
0xf: {  	[smem:$0x3FB3] =	sst s7  }
0x10: {  	[smem:$0x3FB4] =	sst s8  }
0x11: {  	[smem:$0x3FB5] =	sst s9;
	s0 =	simm.s32 @!p0 $0x0  }
0x12: {  	s1 =	sld [smem:$0x3F9B];
	s0 =	simm.s32 @p0 $0x1  }
0x13: {  	[smem:$0x3FB6] =	sst s0;
	s0 =	simm.s32 @!p1 $0x0  }
0x14: {  	s2 =	sld [smem:$0x3F9A];
	s0 =	simm.s32 @p1 $0x1  }
0x15: {  	[smem:$0x3FB7] =	sst s0;
	s0 =	simm.s32 @!p2 $0x0  }
0x16: {  	s3 =	sld [smem:$0x3FDB];
	s0 =	simm.s32 @p2 $0x1  }
0x17: {  	s4 =	simm.s32 $0x1BF5;
	[smem:$0x3FB9] =	sst s0  }
0x18: {  	s0 =	sld [smem:$0x3F9C];
	_ =	swait.ge [sflag:s4], $0x0  }
0x19: {  	s7 =	sld [smem:$0x3F9D]  }
0x1a: {  	s8 =	sadd.s32 $0xFFFFE003, lr  }
0x1b: {  	s9 =	sadd.s32 $0xFFFFFEF7, lr;
	s5 =	simm.s32 $0xFFFFFFFF;
	p2 =	slt.u32 s8, $0xFFFFF086  }
0x1c: {  	p1 =	slt.u32 s9, $0xF7A;
	s5 =	simm.s32 @!p2 $0x0  }
0x1d: {  	s5 =	simm.s32 @p1 $0x1;
	p0 =	seq.s32 s7, s2  }
0x1e: {  	s7 =	smul.u32 @!p0 $0xF7A, s2;
	p2 =	seq.s32 @!p0 s5, $0x0  }
0x1f: {  	s9 =	smul.u32 $0xF7A, s1;
	s8 =	simm.s32 @!p0 $0x1BF5;
	p2 =	por !p2, p0  }
0x20: {  	[sflag:s8] =	ssyncset.s32 @!p0 $0xFFFFF086;
	s6 =	sadd.s32 @!p0 s3, s7;
	s7 =	simm.s32 @!p0 $0x108  }
0x21: {  	s3 =	sadd.s32 s3, s9;
	s6 =	sadd.s32 @!p0 $0x88, s6;
	s7 =	simm.s32 @p2 $0x1082  }
0x22: {  	[simem:s7], [sflag:s8] =	dma.local @!p0 [hbm:s6], $0xF7A  }
0x23: {  	s9 =	sor.u32 $0xD0000000, s2;
	s6 =	simm.s32 $0x108;
	_ =	swait.ge @!p0 [sflag:s8], $0x0  }
0x24: {  	s3 =	sadd.s32 $0x88, s3;
	s6 =	simm.s32 @!p1 $0x1082;
	[sflag:s4] =	ssyncset.s32 $0xFFFFF086  }
0x25: {  	[simem:s6], [sflag:s4] =	dma.local [hbm:s3], $0xF7A  }
0x26: {  	[smem:$0x3F9D] =	sst s1;
	(tag) =	ssettag s2;
	_ =	strace s9  }
0x27: {  	s1 =	sld [smem:$0x3FAD]  }
0x28: {  	s2 =	sld [smem:$0x3FAE]  }
0x29: {  	s4 =	sld [smem:$0x3FB0]  }
0x2a: {  	p0 =	seq.s32 s5, $0x0;
	s5 =	sld [smem:$0x3FB1]  }
0x2b: {  	s6 =	sld [smem:$0x3FB2]  }
0x2c: {  	s7 =	sld [smem:$0x3FB3]  }
0x2d: {  	s3 =	simm.s32 $0x108;
	s8 =	sld [smem:$0x3FB4]  }
0x2e: {  	s3 =	simm.s32 @!p0 $0x1082;
	s9 =	sld [smem:$0x3FB5]  }
0x2f: {  	lr =	sadd.s32 s0, s3;
	s0 =	sld [smem:$0x3FAC]  }
0x30: {  	s3 =	sld [smem:$0x3FAF]  }
0x31: {  	[smem:$0x3FB8] =	sst s10  }
0x32: {  	s10 =	sld [smem:$0x3FB6];
	_ =	sdelay $0x3  }
0x33: {  	p0 =	seq.s32 s10, $0x1;
	s10 =	sld [smem:$0x3FB8];
	_ =	sdelay $0x3  }
0x34: {  	[smem:$0x3FB8] =	sst s10  }
0x35: {  	s10 =	sld [smem:$0x3FB7];
	_ =	sdelay $0x3  }
0x36: {  	p1 =	seq.s32 s10, $0x1;
	s10 =	sld [smem:$0x3FB8];
	_ =	sdelay $0x3  }
0x37: {  	[smem:$0x3FB8] =	sst s10  }
0x38: {  	s10 =	sld [smem:$0x3FB9]  }
0x39: {  	_ = 	snop;
	(pc) =	sbr.ind lr, $3  }
0x3a: {  	_ = 	snop  }
0x3b: {  	_ = 	snop  }
0x3c: {  	p2 =	seq.s32 s10, $0x1;
	s10 =	sld [smem:$0x3FB8]  }
0x3d: {  	_ =	shalt  }
0x3e: {  	_ =	shalt  }
0x3f: {  	_ =	shalt  }
0x40: {  	_ =	shalt  }
0x41: {  	_ =	shalt  }
0x42: {  	_ =	shalt  }
0x43: {  	_ =	shalt  }
0x44: {  	_ =	shalt  }
0x45: {  	_ =	shalt  }
0x46: {  	_ =	shalt  }
0x47: {  	_ =	shalt  }
0x48: {  	_ =	shalt  }
0x49: {  	_ =	shalt  }
0x4a: {  	_ =	shalt  }
0x4b: {  	_ =	shalt  }
0x4c: {  	_ =	shalt  }
0x4d: {  	_ =	shalt  }
0x4e: {  	_ =	shalt  }
0x4f: {  	_ =	shalt  }
0x50: {  	_ =	shalt  }
0x51: {  	_ =	shalt  }
0x52: {  	_ =	shalt  }
0x53: {  	_ =	shalt  }
0x54: {  	_ =	shalt  }
0x55: {  	_ =	shalt  }
0x56: {  	_ =	shalt  }
0x57: {  	_ =	shalt  }
0x58: {  	_ =	shalt  }
0x59: {  	_ =	shalt  }
0x5a: {  	_ =	shalt  }
0x5b: {  	_ =	shalt  }
0x5c: {  	_ =	shalt  }
0x5d: {  	_ =	shalt  }
0x5e: {  	_ =	shalt  }
0x5f: {  	_ =	shalt  }
0x60: {  	_ =	shalt  }
0x61: {  	_ =	shalt  }
0x62: {  	_ =	shalt  }
0x63: {  	_ =	shalt  }
0x64: {  	_ =	shalt  }
0x65: {  	_ =	shalt  }
0x66: {  	_ =	shalt  }
0x67: {  	_ =	shalt  }
0x68: {  	_ =	shalt  }
0x69: {  	_ =	shalt  }
0x6a: {  	_ =	shalt  }
0x6b: {  	_ =	shalt  }
0x6c: {  	_ =	shalt  }
0x6d: {  	_ =	shalt  }
0x6e: {  	_ =	shalt  }
0x6f: {  	_ =	shalt  }
0x70: {  	_ =	shalt  }
0x71: {  	_ =	shalt  }
0x72: {  	_ =	shalt  }
0x73: {  	_ =	shalt  }
0x74: {  	_ =	shalt  }
0x75: {  	_ =	shalt  }
0x76: {  	_ =	shalt  }
0x77: {  	_ =	shalt  }
0x78: {  	_ =	shalt  }
0x79: {  	_ =	shalt  }
0x7a: {  	_ =	shalt  }
0x7b: {  	_ =	shalt  }
0x7c: {  	_ =	shalt  }
0x7d: {  	_ =	shalt  }
0x7e: {  	_ =	shalt  }
0x7f: {  	_ =	shalt  }
0x80: {  	_ =	shalt  }
0x81: {  	_ =	shalt  }
0x82: {  	_ =	shalt  }
0x83: {  	_ =	shalt  }
0x84: {  	_ =	shalt  }
0x85: {  	_ =	shalt  }
0x86: {  	_ =	shalt  }
0x87: {  	_ =	shalt  }
.Lfunc_end0:
.L_simem_size_0:
called_computation_lowered:
.L_overlay_start_0:
0x88: {  	s2 =	sld [smem:$0x3FD9]  }
0x89: {  	s3 =	sld [smem:$0x3FFE];
	_ =	sdelay $0x1  }
0x8a: {  	s1 =	srdreg.scid  }
0x8b: {  	s0 =	sand.u32 $0x1, s1  }
0x8c: {  	s14 =	sshll.u32 s0, $0xA;
	s2 =	sadd.s32 s3, s2  }
0x8d: {  	s2 =	sadd.s32 s2, s14  }
0x8e: {  	[smem:$0x3FC4] =	sst s2  }
0x8f: {  	_ = 	snop  }
0x90: {  	s2 =	sld [smem:$0x3FD0];
	_ =	sdelay $0x2  }
0x91: {  	s15 =	simm.s32 $0xA;
	s4 =	simm.s32 $0x10  }
0x92: {  	[smem:s4], [sflag:s15] =	dma.local [hbm:s2], $0x1  }
0x93: {  	_ =	swait.eq [sflag:s15], $0x1  }
0x94: {  	[sflag:s15] =	ssyncset.done $0x0  }
0x95: {  	[sflag:s15] =	ssyncadd.s32 $0xFFFFFFFF  }
0x96: {  	s16 =	sld [smem:$0x10];
	(tm) =	ssettm $0x1  }
0x97: {  	s17 =	sld [smem:$0x3FFB];
	_ =	sdelay $0x3  }
0x98: {  	_ =	strace s17  }
0x99: {  	s3 =	sld [smem:$0x3FFC];
	_ =	sdelay $0x3  }
0x9a: {  	_ =	strace s3  }
0x9b: {  	s3 =	sld [smem:$0x3FFD];
	_ =	sdelay $0x3  }
0x9c: {  	_ =	strace s3  }
0x9d: {  	_ =	strace $0x8FFFFFFF  }
0x9e: {  	s18 =	sld [smem:$0x3FDB];
	_ =	sdelay $0x1  }
0x9f: {  	s19 =	simm.s32 $_scs_section_size  }
0xa0: {  	s5 =	simm.s32 $_size__tile_overlayer_lowered;
	s6 =	simm.s32 $_tile_overlayer_lowered  }
0xa1: {  	s22 =	simm.s32 $0x1BFF;
	s21 =	sshll.u32 s6, $0x1;
	s3 =	sadd.s32 s19, s18  }
0xa2: {  	s7 =	simm.s32 $0x0;
	s20 =	sshll.u32 s5, $0x1;
	s5 =	sadd.s32 s21, s3  }
0xa3: {  	[timem:s7], [sflag:s22] =	dma.local [hbm:s5], s20  }
0xa4: {  	_ =	swait.ge [sflag:s22], s20  }
0xa5: {  	s4 =	ssub.s32 $0x0, s20;
	[sflag:s22] =	ssyncset.done $0x0  }
0xa6: {  	[sflag:s22] =	ssyncadd.s32 s4;
	_ =	sdelay $0x1  }
0xa7: {  	s23 =	simm.s32 $0x1B8B  }
0xa8: {  	_ =	swait.ge [sflag:s23], $0x1  }
0xa9: {  	[sflag:s23] =	ssyncset.done $0x0  }
0xaa: {  	s25 =	simm.s32 $0x1B8E;
	s24 =	sld [smem:$0x3FFE];
	[sflag:s23] =	ssyncadd.s32 $0xFFFFFFFF  }
0xab: {  	s26 =	simm.s32 $execute0_lowered;
	[smem:$0x3FD2] =	sst s25  }
0xac: {  	s5 =	sshll.u32 s26, $0x1;
	_ =	strace $0x80000046;
	[dreg:$0x1] =	wrdreg $0xFFFFFFFF  }
0xad: {  	s28 =	simm.s32 $_size_execute0_lowered;
	s3 =	sadd.s32 s3, s5;
	[dreg:$0x0] =	wrdreg $0x0  }
0xae: {  	s5 =	sshll.u32 s28, $0x1;
	[dreg:$0x2] =	wrdreg s3  }
0xaf: {  	[dreg:$0x3] =	wrdreg s5  }
0xb0: {  	[dreg:$0x4] =	wrdreg $0xC0  }
0xb1: {  	_ =	task [dreg:s7], $0x5FFFF  }
0xb2: {  	[dreg:$0x1] =	wrdreg $0xFFFFFFFF  }
0xb3: {  	[dreg:$0x0] =	wrdreg $0x60  }
0xb4: {  	[dreg:$0x2] =	wrdreg s16  }
0xb5: {  	[dreg:$0x3] =	wrdreg s24  }
0xb6: {  	[dreg:$0x4] =	wrdreg $0x9  }
0xb7: {  	_ =	task.clear_ibuf [dreg:s7], $0x5FFFF;
	_ =	strace $0x90000046  }
0xb8: {  	s29 =	simm.s32 $0x9;
	_ =	strace $0x80000048  }
0xb9: {  	_ =	swait.ge [sflag:s29], $0x1  }
0xba: {  	[sflag:s29] =	ssyncadd.s32 $0xFFFFFFFF  }
0xbb: {  	_ =	strace $0x90000048  }
0xbc: {  	_ =	sfence  }
0xbd: {  	s30 =	sld [smem:$0x0];
	_ =	sdelay $0x2  }
0xbe: {  	s31 =	sshll.u32 s1, $0xD;
	s1 =	sshrl.u32 s1, $0x2  }
0xbf: {  	s3 =	sand.u32 $0x4000, s31;
	s1 =	sadd.s32 s1, s30  }
0xc0: {  	s0 =	sor.u32 s3, s0;
	s1 =	sshll.u32 s1, $0x11  }
0xc1: {  	s0 =	sor.u32 s1, s0  }
0xc2: {  	s0 =	sadd.s32 $0x8F2B, s0  }
0xc3: {  	[sflag:s0] =	ssyncadd.remote.s32 $0x1  }
0xc4: {  	_ =	sfence.sel $0xFFFF  }
0xc5: {  	[dreg:$0x0] =	wrdreg $0xFFFFFFFF;
	(pc) =	sbr.abs _section_cstart, $3  }
0xc6: {  	[dreg:$0x1] =	wrdreg $0xFFFFFFFF  }
0xc7: {  	_ =	task.clear_ibuf [dreg:s7], $0x2FFFF;
	_ =	strace $0x9FFFFFFF  }
0xc8: {  	(tm) =	ssettm $0x7FFFFFFF  }
0xc9: {  	_ =	shalt  }
tec
execute0_lowered:
.L_overlay_start_1:
0x0: {  	(tag) =	ssettag $0x1  }
0x1: {  	s0 =	srdreg.scid;
	s4 =	rddreg [dreg:$0x0]  }
0x2: {  	s5 =	rddreg [dreg:$0x1];
	s2 =	simm.s32 $0x0;
	s3 =	sand.u32 $0x1, s0  }
0x3: {  	s9 =	simm.s32 $0x400;
	s0 =	stileid.u32;
	s1 =	sshll.u32 s3, $0x4  }
0x4: {  	s10 =	simm.s32 $0x0;
	[smem:$0x7FF] =	sst s2;
	s6 =	sor.u32 s0, s1  }
0x5: {  	s8 =	sshll.u32 s0, $0x7;
	s7 =	sshrl.u32 s6, $0x3;
	s6 =	smul.u32 $0x2710, s6  }
0x6: {  	s3 =	ssub.s32 $0x2, s3;
	s1 =	rddreg [dreg:$0x2];
	s7 =	smul.u32 $0x14000, s7  }
0x7: {  	s8 =	sand.u32 $0x380, s8;
	_ =	strace $0x80000047;
	s30 =	sshrl.u32 s3, $0x1  }
0x8: {  	s31 =	ssub.s32 s3, s30;
	s6 =	sshrl.u32 s6, $0x3;
	s7 =	sor.u32 s8, s7  }
0x9: {  	s4 =	sadd.s32 s4, s6;
	s6 =	simm.s32 $0x1;
	s7 =	sshrl.u32 s7, $0x3  }
0xa: {  	s8 =	simm.s32 $0x80;
	s3 =	sadd.s32 $0x9C40, s4;
	s5 =	sadd.s32 s7, s5  }
0xb: {  	v0 =	vimm.f32 $0.0e+00;
	v1 =	vimm.f32 $1.000000000e+00;
	s7 =	simm.s32 $0x2780;
	s4 =	sadd.s32 $0x2200, s5;
	s5 =	smax.u32 s31, $0x1  }
.LBB2_1:
0xc: {  	[tilespmem:s2], [sflag:$0x1] =	stream.linear.gather [hbm4b:s3+s2], $0x2710, $0x38;
	[tilespmem:$0x4F80] =	vst v63  }
0xd: {  	_ =	swait.ge [sflag:s6], $0x2710  }
0xe: {  	[sflag:s6] =	ssyncset.done $0x0  }
0xf: {  	s11 =	simm.s32 $0x0;
	[sflag:s6] =	ssyncadd.s32 $0xFFFFD8F0  }
.LBB2_2:
0x10: {  	p0 =	sne.s32 s11, $0x9FC0  }
.Ltmp0:
0x11: {  	_ = 	snop;
	(pc) =	sbr.rel @p0 .LBB2_2-.Ltmp0, $3  }
0x12: {  	_ =	sdelay $0x1  }
0x13: {  	s12 =	sshra.s32 s11, $0x2  }
0x14: {  	s11 =	sadd.s32 $0x40, s11;
	[tilespmem:s12+$0x2780] =	vst v0  }
0x15: {  	s12 =	simm.s32 $0x0;
	s11 =	simm.s32 $0x40  }
.LBB2_4:
0x16: {  	p0 =	sne.s32 s11, $0x9C00;
	v2 =	vld [tilespmem:s12+$0x0];
	_ =	sdelay $0x3  }
.Ltmp1:
0x17: {  	(pc) =	sbr.rel @p0 .LBB2_4-.Ltmp1, $2  }
0x18: {  	_ =	sdelay $0x2  }
0x19: {  	s12 =	sshra.s32 s11, $0x2;
	s11 =	sadd.s32 $0x40, s11;
	[tilespmem:v2+s7+$0x0] =	vst.idx.add.f32.msk $0xffff, v1  }
0x1a: {  	v2 =	vld [tilespmem:s12+$0x0];
	_ =	sdelay $0x5  }
0x1b: {  	s10 =	sadd.s32 $0x1, s10  }
0x1c: {  	p0 =	sne.s32 s10, s5  }
.Ltmp2:
0x1d: {  	[tilespmem:v2+s7+$0x0] =	vst.idx.add.f32.msk $0xffff, v1;
	(pc) =	sbr.rel @p0 .LBB2_1-.Ltmp2, $4  }
0x1e: {  	[hbm4b:s4+s8] =	stream.strided.scatter [tilespmem:s7], [sflag:$0x1], $0x2800, s9, s8, $0x38;
	[tilespmem:$0x4F80] =	vst v63  }
0x1f: {  	_ =	swait.ge [sflag:s6], $0x2800  }
0x20: {  	[sflag:s6] =	ssyncset.done $0x0  }
0x21: {  	[sflag:s6] =	ssyncadd.s32 $0xFFFFD800  }
0x22: {  	_ =	sfence.sel $0x180000  }
0x23: {  	[bflag:$0x0] =	sbarrier.arrive $0xFFFF  }
0x24: {  	p0 =	sne.s32 s0, $0x0;
	_ =	strace $0x90000047  }
0x25: {  	s0 =	sadd.s32 @!p0 $0x100000, s1;
	[bflag:$0x2] =	sbarrier.arrive $0xFFFF  }
0x26: {  	[sflag:s0] =	ssyncadd.tile.s32 @!p0 $0x1;
	_ =	shalt  }
.Lfunc_end2:
_tile_overlayer_lowered:
.L_overlay_start_2:
0x27: {  	(tag) =	ssettag $0x2  }
0x28: {  	s0 =	rddreg [dreg:$0x0];
	s2 =	stileid.u32  }
0x29: {  	s1 =	rddreg [dreg:$0x1];
	p0 =	sne.s32 s2, $0x0  }
0x2a: {  	s3 =	rddreg [dreg:$0x2];
	[bflag:$0x3] =	sbarrier.arrive $0xFFFF;
	s2 =	simm.s32 @!p0 $0x1C01  }
0x2b: {  	[timem:s3], [sflag:s2] =	dma.local @!p0 [hbm:s0], s1  }
0x2c: {  	s0 =	simm.s32 @!p0 $0x1  }
0x2d: {  	_ =	swait.ge @!p0 [sflag:s0], s1  }
0x2e: {  	s1 =	ssub.s32 @!p0 $0x0, s1;
	[sflag:s0] =	ssyncset.done @!p0 $0x0  }
0x2f: {  	[sflag:s0] =	ssyncadd.s32 @!p0 s1  }
0x30: {  	[bflag:$0x3] =	sbarrier.arrive $0xFFFF  }
0x31: {  	_ =	shalt  }

</sc_bundles>
